<compile_context>
chip_gen: v7x
topology: tpu7x:2x2x1
jax: 0.10.2.dev20260603
libtpu: 0.0.44.dev20260713+nightly
codegen_flags: <defaults>
</compile_context>

<pallas_src>
import jax
import jax.numpy as jnp
from jax import lax
from jax.experimental import pallas as pl
from jax.experimental.pallas import tpu as pltpu
from jax.experimental.pallas import tpu_sc as plsc

N = 10000
E = 320000
D_IN = 128
D_HID = 256
D_OUT = 128
EPS = 1e-5
NEG_SLOPE = 0.01

NC = 2
NS = 16
NW = NC * NS
CH = 64
KCH = 160
SEG = 2
KSEG = KCH // SEG
EW = CH * KCH
EPAD = EW * NW
NPAD = 10240
RPT = NPAD // NS
DW = 16

_MESH = dict(core_axis_name="c", subcore_axis_name="s", num_cores=NC,
             num_subcores=NS)


def _deg_body(didx_hbm, zeros_hbm, ones_hbm, out_hbm, didx_v, ones_v, acc,
              sem):
    c = lax.axis_index("c")
    s = lax.axis_index("s")
    wid = c * NS + s
    pltpu.async_copy(didx_hbm.at[wid, pl.ds(0, KSEG)], didx_v, sem)
    pltpu.sync_copy(zeros_hbm.at[pl.ds(s * RPT, RPT)],
                    acc.at[pl.ds(s * RPT, RPT)])
    pltpu.sync_copy(ones_hbm, ones_v)
    pltpu.make_async_copy(didx_hbm.at[wid, pl.ds(0, KSEG)], didx_v,
                          sem).wait()
    plsc.subcore_barrier()

    D = 4
    for seg in range(SEG):
        for d in range(D):
            pltpu.async_copy(ones_v, acc.at[didx_v.at[d]], sem, add=True)

        def body(j, _):
            pltpu.make_async_copy(ones_v, acc.at[didx_v.at[0]], sem).wait()
            pltpu.async_copy(ones_v, acc.at[didx_v.at[j + D]], sem, add=True)
            return 0
        lax.fori_loop(0, KSEG - D, body, 0, unroll=False)
        for d in range(D):
            pltpu.make_async_copy(ones_v, acc.at[didx_v.at[0]], sem).wait()
        if seg + 1 < SEG:
            pltpu.sync_copy(didx_hbm.at[wid, pl.ds((seg + 1) * KSEG, KSEG)],
                            didx_v)
    plsc.subcore_barrier()
    pltpu.sync_copy(acc.at[pl.ds(s * RPT, RPT)],
                    out_hbm.at[c, pl.ds(s * RPT, RPT)])


def _agg_body(table_hbm, sidx_hbm, didx_hbm, zeros_hbm, out_hbm,
              sidx_v, didx_v, rows0, rows1, acc, semi, sem0, sem1, sems0,
              sems1):
    c = lax.axis_index("c")
    s = lax.axis_index("s")
    wid = c * NS + s
    pltpu.async_copy(sidx_hbm.at[wid, pl.ds(0, KSEG)], sidx_v, semi)
    pltpu.async_copy(didx_hbm.at[wid, pl.ds(0, KSEG)], didx_v, semi)
    pltpu.sync_copy(zeros_hbm.at[pl.ds(s * RPT, RPT)],
                    acc.at[pl.ds(s * RPT, RPT)])
    pltpu.make_async_copy(sidx_hbm.at[wid, pl.ds(0, KSEG)], sidx_v,
                          semi).wait()
    pltpu.make_async_copy(didx_hbm.at[wid, pl.ds(0, KSEG)], didx_v,
                          semi).wait()
    plsc.subcore_barrier()

    for seg in range(SEG):
        pltpu.async_copy(table_hbm.at[sidx_v.at[0]], rows0, sem0)
        pltpu.async_copy(table_hbm.at[sidx_v.at[1]], rows1, sem1)

        def body(i, _):
            j = 2 * i
            pltpu.make_async_copy(table_hbm.at[sidx_v.at[j]], rows0,
                                  sem0).wait()
            pltpu.async_copy(rows0, acc.at[didx_v.at[j]], sems0, add=True)
            pltpu.make_async_copy(table_hbm.at[sidx_v.at[j + 1]], rows1,
                                  sem1).wait()
            pltpu.async_copy(rows1, acc.at[didx_v.at[j + 1]], sems1,
                             add=True)
            pltpu.make_async_copy(rows0, acc.at[didx_v.at[j]], sems0).wait()
            pltpu.async_copy(table_hbm.at[sidx_v.at[j + 2]], rows0, sem0)
            pltpu.make_async_copy(rows1, acc.at[didx_v.at[j + 1]],
                                  sems1).wait()
            pltpu.async_copy(table_hbm.at[sidx_v.at[j + 3]], rows1, sem1)
            return 0
        lax.fori_loop(0, (KSEG - 2) // 2, body, 0, unroll=False)

        j = KSEG - 2
        pltpu.make_async_copy(table_hbm.at[sidx_v.at[j]], rows0, sem0).wait()
        pltpu.async_copy(rows0, acc.at[didx_v.at[j]], sems0, add=True)
        pltpu.make_async_copy(table_hbm.at[sidx_v.at[j + 1]], rows1,
                              sem1).wait()
        pltpu.async_copy(rows1, acc.at[didx_v.at[j + 1]], sems1, add=True)
        pltpu.make_async_copy(rows0, acc.at[didx_v.at[j]], sems0).wait()
        pltpu.make_async_copy(rows1, acc.at[didx_v.at[j + 1]], sems1).wait()

        if seg + 1 < SEG:
            pltpu.sync_copy(sidx_hbm.at[wid, pl.ds((seg + 1) * KSEG, KSEG)],
                            sidx_v)
            pltpu.sync_copy(didx_hbm.at[wid, pl.ds((seg + 1) * KSEG, KSEG)],
                            didx_v)

    plsc.subcore_barrier()
    pltpu.sync_copy(acc.at[pl.ds(s * RPT, RPT)],
                    out_hbm.at[c, pl.ds(s * RPT, RPT)])


def _deg_call(dstp, zeros128, ones128):
    return pl.kernel(
        _deg_body,
        out_type=jax.ShapeDtypeStruct((NC, NPAD, D_IN), jnp.float32),
        mesh=plsc.VectorSubcoreMesh(**_MESH),
        scratch_types=[
            pltpu.VMEM((KSEG, CH), jnp.int32),
            pltpu.VMEM((CH, D_IN), jnp.float32),
            pltpu.VMEM_SHARED((NPAD, D_IN), jnp.float32),
            pltpu.SemaphoreType.DMA,
        ],
    )(dstp, zeros128, ones128)


def _agg_call(table, srcp, dstp, zeros128):
    return pl.kernel(
        _agg_body,
        out_type=jax.ShapeDtypeStruct((NC, NPAD, D_IN), jnp.float32),
        mesh=plsc.VectorSubcoreMesh(**_MESH),
        scratch_types=[
            pltpu.VMEM((KSEG, CH), jnp.int32),
            pltpu.VMEM((KSEG, CH), jnp.int32),
            pltpu.VMEM((CH, D_IN), jnp.float32),
            pltpu.VMEM((CH, D_IN), jnp.float32),
            pltpu.VMEM_SHARED((NPAD, D_IN), jnp.float32),
            pltpu.SemaphoreType.DMA,
            pltpu.SemaphoreType.DMA,
            pltpu.SemaphoreType.DMA,
            pltpu.SemaphoreType.DMA,
            pltpu.SemaphoreType.DMA,
        ],
    )(table, srcp, dstp, zeros128)


def _dis_from_parts(dcol):
    deg = dcol[0] + dcol[1] + 1.0
    return lax.rsqrt(deg)


def _pre_body(f_ref, degp_ref, g1_ref, b1_ref, xs_ref):
    f = f_ref[...]
    mean = jnp.mean(f, axis=0, keepdims=True)
    var = jnp.mean((f - mean) ** 2, axis=0, keepdims=True)
    x = g1_ref[...] * (f - mean) * lax.rsqrt(var + EPS) + b1_ref[...]
    xs_ref[...] = x * _dis_from_parts(degp_ref[...])


def _mid_body(accp_ref, xs_ref, degp_ref, w1_ref, b1_ref, g2_ref, be2_ref,
              w2_ref, ts_ref):
    accp = accp_ref[...]
    dis = _dis_from_parts(degp_ref[...])
    agg = (accp[0, :N, :] + accp[1, :N, :] + xs_ref[...]) * dis
    h = jnp.dot(agg, w1_ref[...], preferred_element_type=jnp.float32)
    h = h + b1_ref[...]
    h = jnp.where(h >= 0, h, NEG_SLOPE * h)
    mean = jnp.mean(h, axis=0, keepdims=True)
    var = jnp.mean((h - mean) ** 2, axis=0, keepdims=True)
    h = g2_ref[...] * (h - mean) * lax.rsqrt(var + EPS) + be2_ref[...]
    t = jnp.dot(h, w2_ref[...], preferred_element_type=jnp.float32)
    ts_ref[...] = t * dis


def _post_body(accp_ref, ts_ref, degp_ref, b2_ref, out_ref):
    accp = accp_ref[...]
    dis = _dis_from_parts(degp_ref[...])
    h2 = (accp[0, :N, :] + accp[1, :N, :] + ts_ref[...]) * dis + b2_ref[...]
    h2 = jnp.where(h2 >= 0, h2, NEG_SLOPE * h2)
    m = jnp.max(h2, axis=1, keepdims=True)
    e = jnp.exp(h2 - m)
    out_ref[...] = e / jnp.sum(e, axis=1, keepdims=True)


def kernel(f_in, datac, gamma1, beta1, W1, b1, gamma2, beta2, W2, b2):
    src = datac[0]
    dst = datac[1]
    pad = EPAD - E
    pad_src = jnp.arange(pad, dtype=jnp.int32) % N
    pad_dst = N + jnp.arange(pad, dtype=jnp.int32) % (NPAD - N)
    srcp = jnp.concatenate([src, pad_src]).reshape(NW, KCH, CH)
    dstp = jnp.concatenate([dst, pad_dst]).reshape(NW, KCH, CH)

    zeros128 = jnp.zeros((NPAD, D_IN), jnp.float32)
    ones128 = jnp.ones((CH, D_IN), jnp.float32)

    degp = _deg_call(dstp, zeros128, ones128)
    dcol = degp[:, :N, 0:1]

    xs = pl.pallas_call(
        _pre_body,
        out_shape=jax.ShapeDtypeStruct((N, D_IN), jnp.float32),
    )(f_in, dcol, gamma1, beta1)

    acc1 = _agg_call(xs, srcp, dstp, zeros128)

    ts = pl.pallas_call(
        _mid_body,
        out_shape=jax.ShapeDtypeStruct((N, D_OUT), jnp.float32),
    )(acc1, xs, dcol, W1, b1, gamma2, beta2, W2)

    acc2 = _agg_call(ts, srcp, dstp, zeros128)

    out = pl.pallas_call(
        _post_body,
        out_shape=jax.ShapeDtypeStruct((N, D_OUT), jnp.float32),
    )(acc2, ts, dcol, b2)
    return out

# --- scband reference (transcript-rebuilt; emitter-appended) ---
"""Pipeline reference for scband-regc-7937099563199 (READ-ONLY COPY).

The authoritative reference and input builder live on the scoring server;
editing this copy changes nothing except your own understanding.
"""

import jax, jax.numpy as jnp
import numpy as np

N = 10000
E = 320000
D_IN = 128
D_HID = 256
D_OUT = 128
EPS = 1e-5
NEG_SLOPE = 0.01


def setup_inputs(seed: int = 0):
    key = jax.random.key(seed)
    ks = jax.random.split(key, 10)
    f_in = jax.random.normal(ks[0], (N, D_IN), dtype=jnp.float32)
    datac = jax.random.randint(ks[1], (2, E), 0, N, dtype=jnp.int32)
    gamma1 = jnp.ones((D_IN,), dtype=jnp.float32)
    beta1 = jnp.zeros((D_IN,), dtype=jnp.float32)
    W1 = jax.random.normal(ks[2], (D_IN, D_HID), dtype=jnp.float32) * (1.0 / np.sqrt(D_IN))
    b1 = jnp.zeros((D_HID,), dtype=jnp.float32)
    gamma2 = jnp.ones((D_HID,), dtype=jnp.float32)
    beta2 = jnp.zeros((D_HID,), dtype=jnp.float32)
    W2 = jax.random.normal(ks[3], (D_HID, D_OUT), dtype=jnp.float32) * (1.0 / np.sqrt(D_HID))
    b2 = jnp.zeros((D_OUT,), dtype=jnp.float32)
    return {"f_in": f_in, "datac": datac, "gamma1": gamma1, "beta1": beta1, "W1": W1, "b1": b1, "gamma2": gamma2, "beta2": beta2, "W2": W2, "b2": b2}


def _batchnorm(h, gamma, beta):
    mean = jnp.mean(h, axis=0)
    var = jnp.mean((h - mean) ** 2, axis=0)
    return gamma * (h - mean) / jnp.sqrt(var + EPS) + beta


def _gcn_conv(h, edge_index, W, b):
    h = h @ W
    loops = jnp.arange(N, dtype=edge_index.dtype)
    src = jnp.concatenate([edge_index[0], loops])
    dst = jnp.concatenate([edge_index[1], loops])
    ones = jnp.ones(src.shape[0], dtype=h.dtype)
    deg = jnp.zeros((N,), dtype=h.dtype).at[dst].add(ones)
    dis = jnp.where(deg > 0, 1.0 / jnp.sqrt(deg), 0.0)
    norm = dis[src] * dis[dst]
    msg = h[src] * norm[:, None]
    out = jnp.zeros((N, h.shape[1]), dtype=h.dtype).at[dst].add(msg)
    return out + b


def reference(f_in, datac, gamma1, beta1, W1, b1, gamma2, beta2, W2, b2):
    x = _batchnorm(f_in, gamma1, beta1)
    h1 = jax.nn.leaky_relu(_gcn_conv(x, datac, W1, b1), NEG_SLOPE)
    h1 = _batchnorm(h1, gamma2, beta2)
    h2 = jax.nn.leaky_relu(_gcn_conv(h1, datac, W2, b2), NEG_SLOPE)
    return jax.nn.softmax(h2, axis=1)

if __name__ == "__main__":
    import jax
    _d = setup_inputs()
    print(jax.jit(kernel)(*tuple(_d.values())))

</pallas_src>

<mosaic_0001>
#map = affine_map<(d0, d1) -> (0, 0)>
#map1 = affine_map<(d0, d1) -> (0, 0, 0)>
module attributes {stable_mosaic.version = 14 : i64} {
  func.func @_agg_body(%arg0: i32, %arg1: i32, %arg2: memref<10000x128xf32, #tpu.memory_space<hbm>>, %arg3: memref<32x160x64xi32, #tpu.memory_space<hbm>>, %arg4: memref<32x160x64xi32, #tpu.memory_space<hbm>>, %arg5: memref<10240x128xf32, #tpu.memory_space<hbm>>, %arg6: memref<2x10240x128xf32, #tpu.memory_space<hbm>>, %arg7: memref<80x64xi32, #tpu.memory_space<vmem>>, %arg8: memref<80x64xi32, #tpu.memory_space<vmem>>, %arg9: memref<64x128xf32, #tpu.memory_space<vmem>>, %arg10: memref<64x128xf32, #tpu.memory_space<vmem>>, %arg11: memref<10240x128xf32, #tpu.memory_space<vmem_shared>>, %arg12: memref<!tpu.dma_semaphore, #tpu.memory_space<semaphore_mem>>, %arg13: memref<!tpu.dma_semaphore, #tpu.memory_space<semaphore_mem>>, %arg14: memref<!tpu.dma_semaphore, #tpu.memory_space<semaphore_mem>>, %arg15: memref<!tpu.dma_semaphore, #tpu.memory_space<semaphore_mem>>, %arg16: memref<!tpu.dma_semaphore, #tpu.memory_space<semaphore_mem>>) attributes {dimension_semantics = [#tpu.dimension_semantics<core_parallel>, #tpu.dimension_semantics<subcore_parallel>], iteration_bounds = array<i64: 2, 16>, scalar_prefetch = 0 : i64, scratch_operands = 10 : i64, tpu.core_type = #tpu.core_type<sc_vector_subcore>, window_params = [{transform_indices = #map}, {transform_indices = #map1}, {transform_indices = #map1}, {transform_indices = #map}, {transform_indices = #map1}]} {
    %mul3A = arith.constant 16 : i32
    %mul3A_0 = arith.muli %arg0, %mul3A : i32
    %add3A = arith.addi %mul3A_0, %arg1 : i32
    %dma_start3A = arith.constant 0 : i32
    %dma_start3A_1 = arith.constant 0 : i32
    %dma_start3A_2 = tpu.memref_slice %arg3[%add3A, %dma_start3A, %dma_start3A_1] : memref<32x160x64xi32, #tpu.memory_space<hbm>> -> memref<1x80x64xi32, #tpu.memory_space<hbm>>
    %dma_start3A_3 = tpu.memref_squeeze %dma_start3A_2 : memref<1x80x64xi32, #tpu.memory_space<hbm>> -> memref<80x64xi32, #tpu.memory_space<hbm>>
    %dma_start3A_4 = arith.constant 0 : i32
    %dma_start3A_5 = arith.constant 0 : i32
    %dma_start3A_6 = tpu.memref_slice %arg3[%add3A, %dma_start3A_4, %dma_start3A_5] : memref<32x160x64xi32, #tpu.memory_space<hbm>> -> memref<1x80x64xi32, #tpu.memory_space<hbm>>
    %dma_start3A_7 = tpu.memref_squeeze %dma_start3A_6 : memref<1x80x64xi32, #tpu.memory_space<hbm>> -> memref<80x64xi32, #tpu.memory_space<hbm>>
    tpu.enqueue_dma source(%dma_start3A_7 : memref<80x64xi32, #tpu.memory_space<hbm>>) target(%arg7 : memref<80x64xi32, #tpu.memory_space<vmem>>) target_semaphore(%arg12 : memref<!tpu.dma_semaphore, #tpu.memory_space<semaphore_mem>>)
    %dma_start3A_8 = arith.constant 0 : i32
    %dma_start3A_9 = arith.constant 0 : i32
    %dma_start3A_10 = tpu.memref_slice %arg4[%add3A, %dma_start3A_8, %dma_start3A_9] : memref<32x160x64xi32, #tpu.memory_space<hbm>> -> memref<1x80x64xi32, #tpu.memory_space<hbm>>
    %dma_start3A_11 = tpu.memref_squeeze %dma_start3A_10 : memref<1x80x64xi32, #tpu.memory_space<hbm>> -> memref<80x64xi32, #tpu.memory_space<hbm>>
    %dma_start3A_12 = arith.constant 0 : i32
    %dma_start3A_13 = arith.constant 0 : i32
    %dma_start3A_14 = tpu.memref_slice %arg4[%add3A, %dma_start3A_12, %dma_start3A_13] : memref<32x160x64xi32, #tpu.memory_space<hbm>> -> memref<1x80x64xi32, #tpu.memory_space<hbm>>
    %dma_start3A_15 = tpu.memref_squeeze %dma_start3A_14 : memref<1x80x64xi32, #tpu.memory_space<hbm>> -> memref<80x64xi32, #tpu.memory_space<hbm>>
    tpu.enqueue_dma source(%dma_start3A_15 : memref<80x64xi32, #tpu.memory_space<hbm>>) target(%arg8 : memref<80x64xi32, #tpu.memory_space<vmem>>) target_semaphore(%arg12 : memref<!tpu.dma_semaphore, #tpu.memory_space<semaphore_mem>>)
    %mul3A_16 = arith.constant 640 : i32
    %mul3A_17 = arith.muli %arg1, %mul3A_16 : i32
    %mul3A_18 = arith.constant 640 : i32
    %mul3A_19 = arith.muli %arg1, %mul3A_18 : i32
    "tpu.region"() ({
      %run_scoped3A = tpu.sem_alloc : memref<!tpu.dma_semaphore, #tpu.memory_space<semaphore_mem>>
      %dma_start3A_165 = arith.constant 0 : i32
      %dma_start3A_166 = tpu.memref_slice %arg11[%mul3A_19, %dma_start3A_165] : memref<10240x128xf32, #tpu.memory_space<vmem_shared>> -> memref<640x128xf32, #tpu.memory_space<vmem_shared>>
      %dma_start3A_167 = arith.constant 0 : i32
      %dma_start3A_168 = tpu.memref_slice %arg5[%mul3A_17, %dma_start3A_167] : memref<10240x128xf32, #tpu.memory_space<hbm>> -> memref<640x128xf32, #tpu.memory_space<hbm>>
      tpu.enqueue_dma source(%dma_start3A_168 : memref<640x128xf32, #tpu.memory_space<hbm>>) target(%dma_start3A_166 : memref<640x128xf32, #tpu.memory_space<vmem_shared>>) target_semaphore(%run_scoped3A : memref<!tpu.dma_semaphore, #tpu.memory_space<semaphore_mem>>)
      %dma_wait3A_169 = arith.constant 0 : i32
      %dma_wait3A_170 = tpu.memref_slice %arg11[%mul3A_19, %dma_wait3A_169] : memref<10240x128xf32, #tpu.memory_space<vmem_shared>> -> memref<640x128xf32, #tpu.memory_space<vmem_shared>>
      %dma_wait3A_171 = arith.constant 0 : i32
      %dma_wait3A_172 = tpu.memref_slice %arg5[%mul3A_17, %dma_wait3A_171] : memref<10240x128xf32, #tpu.memory_space<hbm>> -> memref<640x128xf32, #tpu.memory_space<hbm>>
      tpu.wait_dma2 semaphore(%run_scoped3A : memref<!tpu.dma_semaphore, #tpu.memory_space<semaphore_mem>>) src(%dma_wait3A_172 : memref<640x128xf32, #tpu.memory_space<hbm>>) dst(%dma_wait3A_170 : memref<640x128xf32, #tpu.memory_space<vmem_shared>>)
      tpu.yield
    }) : () -> ()
    %dma_wait3A = arith.constant 0 : i32
    %dma_wait3A_20 = arith.constant 0 : i32
    %dma_wait3A_21 = tpu.memref_slice %arg3[%add3A, %dma_wait3A, %dma_wait3A_20] : memref<32x160x64xi32, #tpu.memory_space<hbm>> -> memref<1x80x64xi32, #tpu.memory_space<hbm>>
    %dma_wait3A_22 = tpu.memref_squeeze %dma_wait3A_21 : memref<1x80x64xi32, #tpu.memory_space<hbm>> -> memref<80x64xi32, #tpu.memory_space<hbm>>
    %dma_wait3A_23 = arith.constant 0 : i32
    %dma_wait3A_24 = arith.constant 0 : i32
    %dma_wait3A_25 = tpu.memref_slice %arg3[%add3A, %dma_wait3A_23, %dma_wait3A_24] : memref<32x160x64xi32, #tpu.memory_space<hbm>> -> memref<1x80x64xi32, #tpu.memory_space<hbm>>
    %dma_wait3A_26 = tpu.memref_squeeze %dma_wait3A_25 : memref<1x80x64xi32, #tpu.memory_space<hbm>> -> memref<80x64xi32, #tpu.memory_space<hbm>>
    tpu.wait_dma2 semaphore(%arg12 : memref<!tpu.dma_semaphore, #tpu.memory_space<semaphore_mem>>) src(%dma_wait3A_26 : memref<80x64xi32, #tpu.memory_space<hbm>>) dst(%arg7 : memref<80x64xi32, #tpu.memory_space<vmem>>)
    %dma_wait3A_27 = arith.constant 0 : i32
    %dma_wait3A_28 = arith.constant 0 : i32
    %dma_wait3A_29 = tpu.memref_slice %arg4[%add3A, %dma_wait3A_27, %dma_wait3A_28] : memref<32x160x64xi32, #tpu.memory_space<hbm>> -> memref<1x80x64xi32, #tpu.memory_space<hbm>>
    %dma_wait3A_30 = tpu.memref_squeeze %dma_wait3A_29 : memref<1x80x64xi32, #tpu.memory_space<hbm>> -> memref<80x64xi32, #tpu.memory_space<hbm>>
    %dma_wait3A_31 = arith.constant 0 : i32
    %dma_wait3A_32 = arith.constant 0 : i32
    %dma_wait3A_33 = tpu.memref_slice %arg4[%add3A, %dma_wait3A_31, %dma_wait3A_32] : memref<32x160x64xi32, #tpu.memory_space<hbm>> -> memref<1x80x64xi32, #tpu.memory_space<hbm>>
    %dma_wait3A_34 = tpu.memref_squeeze %dma_wait3A_33 : memref<1x80x64xi32, #tpu.memory_space<hbm>> -> memref<80x64xi32, #tpu.memory_space<hbm>>
    tpu.wait_dma2 semaphore(%arg12 : memref<!tpu.dma_semaphore, #tpu.memory_space<semaphore_mem>>) src(%dma_wait3A_34 : memref<80x64xi32, #tpu.memory_space<hbm>>) dst(%arg8 : memref<80x64xi32, #tpu.memory_space<vmem>>)
    %barrier3A = arith.constant 0 : index
    tpu.barrier barrier_id(%barrier3A)
    %dma_start3A_35 = arith.constant 0 : i32
    %dma_start3A_36 = arith.constant 0 : i32
    %dma_start3A_37 = tpu.memref_slice %arg7[%dma_start3A_35, %dma_start3A_36] : memref<80x64xi32, #tpu.memory_space<vmem>> -> memref<1x64xi32, #tpu.memory_space<vmem>>
    %dma_start3A_38 = tpu.memref_squeeze %dma_start3A_37 : memref<1x64xi32, #tpu.memory_space<vmem>> -> memref<64xi32, #tpu.memory_space<vmem>>
    %dma_start3A_39 = arith.constant 0 : i32
    %dma_start3A_40 = arith.constant 0 : i32
    %dma_start3A_41 = tpu.memref_slice %arg2[%dma_start3A_39, %dma_start3A_40] : memref<10000x128xf32, #tpu.memory_space<hbm>> -> memref<10000x128xf32, #tpu.memory_space<hbm>>
    tpu.enqueue_indirect_dma source(%dma_start3A_41 : memref<10000x128xf32, #tpu.memory_space<hbm>>) target(%arg9 : memref<64x128xf32, #tpu.memory_space<vmem>>) offsets(%dma_start3A_38 : memref<64xi32, #tpu.memory_space<vmem>>) semaphore(%arg13 : memref<!tpu.dma_semaphore, #tpu.memory_space<semaphore_mem>>)
    %dma_start3A_42 = arith.constant 1 : i32
    %dma_start3A_43 = arith.constant 0 : i32
    %dma_start3A_44 = tpu.memref_slice %arg7[%dma_start3A_42, %dma_start3A_43] : memref<80x64xi32, #tpu.memory_space<vmem>> -> memref<1x64xi32, #tpu.memory_space<vmem>>
    %dma_start3A_45 = tpu.memref_squeeze %dma_start3A_44 : memref<1x64xi32, #tpu.memory_space<vmem>> -> memref<64xi32, #tpu.memory_space<vmem>>
    %dma_start3A_46 = arith.constant 0 : i32
    %dma_start3A_47 = arith.constant 0 : i32
    %dma_start3A_48 = tpu.memref_slice %arg2[%dma_start3A_46, %dma_start3A_47] : memref<10000x128xf32, #tpu.memory_space<hbm>> -> memref<10000x128xf32, #tpu.memory_space<hbm>>
    tpu.enqueue_indirect_dma source(%dma_start3A_48 : memref<10000x128xf32, #tpu.memory_space<hbm>>) target(%arg10 : memref<64x128xf32, #tpu.memory_space<vmem>>) offsets(%dma_start3A_45 : memref<64xi32, #tpu.memory_space<vmem>>) semaphore(%arg14 : memref<!tpu.dma_semaphore, #tpu.memory_space<semaphore_mem>>)
    %scan3A = arith.constant 0 : i32
    %scan3A_49 = arith.constant 0 : i32
    %scan3A_50 = arith.constant 39 : i32
    %scan3A_51 = arith.addi %scan3A_49, %scan3A_50 : i32
    %scan3A_52 = arith.constant 1 : i32
    %scan3A_53 = scf.for %scan3A_165 = %scan3A_49 to %scan3A_51 step %scan3A_52 iter_args(%scan3A_166 = %scan3A) -> (i32)  : i32 {
      %mul3A_167 = arith.constant 2 : i32
      %mul3A_168 = arith.muli %mul3A_167, %scan3A_165 : i32
      %dma_wait3A_169 = arith.constant 0 : i32
      %dma_wait3A_170 = tpu.memref_slice %arg7[%mul3A_168, %dma_wait3A_169] : memref<80x64xi32, #tpu.memory_space<vmem>> -> memref<1x64xi32, #tpu.memory_space<vmem>>
      %dma_wait3A_171 = tpu.memref_squeeze %dma_wait3A_170 : memref<1x64xi32, #tpu.memory_space<vmem>> -> memref<64xi32, #tpu.memory_space<vmem>>
      %dma_wait3A_172 = arith.constant 0 : i32
      %dma_wait3A_173 = arith.constant 0 : i32
      %dma_wait3A_174 = tpu.memref_slice %arg2[%dma_wait3A_172, %dma_wait3A_173] : memref<10000x128xf32, #tpu.memory_space<hbm>> -> memref<10000x128xf32, #tpu.memory_space<hbm>>
      tpu.wait_indirect_dma semaphore(%arg13 : memref<!tpu.dma_semaphore, #tpu.memory_space<semaphore_mem>>) src(%dma_wait3A_174 : memref<10000x128xf32, #tpu.memory_space<hbm>>) dst(%arg9 : memref<64x128xf32, #tpu.memory_space<vmem>>)
      %dma_start3A_175 = arith.constant 0 : i32
      %dma_start3A_176 = tpu.memref_slice %arg8[%mul3A_168, %dma_start3A_175] : memref<80x64xi32, #tpu.memory_space<vmem>> -> memref<1x64xi32, #tpu.memory_space<vmem>>
      %dma_start3A_177 = tpu.memref_squeeze %dma_start3A_176 : memref<1x64xi32, #tpu.memory_space<vmem>> -> memref<64xi32, #tpu.memory_space<vmem>>
      %dma_start3A_178 = arith.constant 0 : i32
      %dma_start3A_179 = arith.constant 0 : i32
      %dma_start3A_180 = tpu.memref_slice %arg11[%dma_start3A_178, %dma_start3A_179] : memref<10240x128xf32, #tpu.memory_space<vmem_shared>> -> memref<10240x128xf32, #tpu.memory_space<vmem_shared>>
      tpu.enqueue_indirect_dma source(%arg9 : memref<64x128xf32, #tpu.memory_space<vmem>>) target(%dma_start3A_180 : memref<10240x128xf32, #tpu.memory_space<vmem_shared>>) offsets(%dma_start3A_177 : memref<64xi32, #tpu.memory_space<vmem>>) semaphore(%arg15 : memref<!tpu.dma_semaphore, #tpu.memory_space<semaphore_mem>>) {add = true}
      %add3A_181 = arith.constant 1 : i32
      %add3A_182 = arith.addi %mul3A_168, %add3A_181 : i32
      %dma_wait3A_183 = arith.constant 0 : i32
      %dma_wait3A_184 = tpu.memref_slice %arg7[%add3A_182, %dma_wait3A_183] : memref<80x64xi32, #tpu.memory_space<vmem>> -> memref<1x64xi32, #tpu.memory_space<vmem>>
      %dma_wait3A_185 = tpu.memref_squeeze %dma_wait3A_184 : memref<1x64xi32, #tpu.memory_space<vmem>> -> memref<64xi32, #tpu.memory_space<vmem>>
      %dma_wait3A_186 = arith.constant 0 : i32
      %dma_wait3A_187 = arith.constant 0 : i32
      %dma_wait3A_188 = tpu.memref_slice %arg2[%dma_wait3A_186, %dma_wait3A_187] : memref<10000x128xf32, #tpu.memory_space<hbm>> -> memref<10000x128xf32, #tpu.memory_space<hbm>>
      tpu.wait_indirect_dma semaphore(%arg14 : memref<!tpu.dma_semaphore, #tpu.memory_space<semaphore_mem>>) src(%dma_wait3A_188 : memref<10000x128xf32, #tpu.memory_space<hbm>>) dst(%arg10 : memref<64x128xf32, #tpu.memory_space<vmem>>)
      %add3A_189 = arith.constant 1 : i32
      %add3A_190 = arith.addi %mul3A_168, %add3A_189 : i32
      %dma_start3A_191 = arith.constant 0 : i32
      %dma_start3A_192 = tpu.memref_slice %arg8[%add3A_190, %dma_start3A_191] : memref<80x64xi32, #tpu.memory_space<vmem>> -> memref<1x64xi32, #tpu.memory_space<vmem>>
      %dma_start3A_193 = tpu.memref_squeeze %dma_start3A_192 : memref<1x64xi32, #tpu.memory_space<vmem>> -> memref<64xi32, #tpu.memory_space<vmem>>
      %dma_start3A_194 = arith.constant 0 : i32
      %dma_start3A_195 = arith.constant 0 : i32
      %dma_start3A_196 = tpu.memref_slice %arg11[%dma_start3A_194, %dma_start3A_195] : memref<10240x128xf32, #tpu.memory_space<vmem_shared>> -> memref<10240x128xf32, #tpu.memory_space<vmem_shared>>
      tpu.enqueue_indirect_dma source(%arg10 : memref<64x128xf32, #tpu.memory_space<vmem>>) target(%dma_start3A_196 : memref<10240x128xf32, #tpu.memory_space<vmem_shared>>) offsets(%dma_start3A_193 : memref<64xi32, #tpu.memory_space<vmem>>) semaphore(%arg16 : memref<!tpu.dma_semaphore, #tpu.memory_space<semaphore_mem>>) {add = true}
      %dma_wait3A_197 = arith.constant 0 : i32
      %dma_wait3A_198 = tpu.memref_slice %arg8[%mul3A_168, %dma_wait3A_197] : memref<80x64xi32, #tpu.memory_space<vmem>> -> memref<1x64xi32, #tpu.memory_space<vmem>>
      %dma_wait3A_199 = tpu.memref_squeeze %dma_wait3A_198 : memref<1x64xi32, #tpu.memory_space<vmem>> -> memref<64xi32, #tpu.memory_space<vmem>>
      %dma_wait3A_200 = arith.constant 0 : i32
      %dma_wait3A_201 = arith.constant 0 : i32
      %dma_wait3A_202 = tpu.memref_slice %arg11[%dma_wait3A_200, %dma_wait3A_201] : memref<10240x128xf32, #tpu.memory_space<vmem_shared>> -> memref<10240x128xf32, #tpu.memory_space<vmem_shared>>
      tpu.wait_indirect_dma semaphore(%arg15 : memref<!tpu.dma_semaphore, #tpu.memory_space<semaphore_mem>>) src(%arg9 : memref<64x128xf32, #tpu.memory_space<vmem>>) dst(%dma_wait3A_202 : memref<10240x128xf32, #tpu.memory_space<vmem_shared>>)
      %add3A_203 = arith.constant 2 : i32
      %add3A_204 = arith.addi %mul3A_168, %add3A_203 : i32
      %dma_start3A_205 = arith.constant 0 : i32
      %dma_start3A_206 = tpu.memref_slice %arg7[%add3A_204, %dma_start3A_205] : memref<80x64xi32, #tpu.memory_space<vmem>> -> memref<1x64xi32, #tpu.memory_space<vmem>>
      %dma_start3A_207 = tpu.memref_squeeze %dma_start3A_206 : memref<1x64xi32, #tpu.memory_space<vmem>> -> memref<64xi32, #tpu.memory_space<vmem>>
      %dma_start3A_208 = arith.constant 0 : i32
      %dma_start3A_209 = arith.constant 0 : i32
      %dma_start3A_210 = tpu.memref_slice %arg2[%dma_start3A_208, %dma_start3A_209] : memref<10000x128xf32, #tpu.memory_space<hbm>> -> memref<10000x128xf32, #tpu.memory_space<hbm>>
      tpu.enqueue_indirect_dma source(%dma_start3A_210 : memref<10000x128xf32, #tpu.memory_space<hbm>>) target(%arg9 : memref<64x128xf32, #tpu.memory_space<vmem>>) offsets(%dma_start3A_207 : memref<64xi32, #tpu.memory_space<vmem>>) semaphore(%arg13 : memref<!tpu.dma_semaphore, #tpu.memory_space<semaphore_mem>>)
      %add3A_211 = arith.constant 1 : i32
      %add3A_212 = arith.addi %mul3A_168, %add3A_211 : i32
      %dma_wait3A_213 = arith.constant 0 : i32
      %dma_wait3A_214 = tpu.memref_slice %arg8[%add3A_212, %dma_wait3A_213] : memref<80x64xi32, #tpu.memory_space<vmem>> -> memref<1x64xi32, #tpu.memory_space<vmem>>
      %dma_wait3A_215 = tpu.memref_squeeze %dma_wait3A_214 : memref<1x64xi32, #tpu.memory_space<vmem>> -> memref<64xi32, #tpu.memory_space<vmem>>
      %dma_wait3A_216 = arith.constant 0 : i32
      %dma_wait3A_217 = arith.constant 0 : i32
      %dma_wait3A_218 = tpu.memref_slice %arg11[%dma_wait3A_216, %dma_wait3A_217] : memref<10240x128xf32, #tpu.memory_space<vmem_shared>> -> memref<10240x128xf32, #tpu.memory_space<vmem_shared>>
      tpu.wait_indirect_dma semaphore(%arg16 : memref<!tpu.dma_semaphore, #tpu.memory_space<semaphore_mem>>) src(%arg10 : memref<64x128xf32, #tpu.memory_space<vmem>>) dst(%dma_wait3A_218 : memref<10240x128xf32, #tpu.memory_space<vmem_shared>>)
      %add3A_219 = arith.constant 3 : i32
      %add3A_220 = arith.addi %mul3A_168, %add3A_219 : i32
      %dma_start3A_221 = arith.constant 0 : i32
      %dma_start3A_222 = tpu.memref_slice %arg7[%add3A_220, %dma_start3A_221] : memref<80x64xi32, #tpu.memory_space<vmem>> -> memref<1x64xi32, #tpu.memory_space<vmem>>
      %dma_start3A_223 = tpu.memref_squeeze %dma_start3A_222 : memref<1x64xi32, #tpu.memory_space<vmem>> -> memref<64xi32, #tpu.memory_space<vmem>>
      %dma_start3A_224 = arith.constant 0 : i32
      %dma_start3A_225 = arith.constant 0 : i32
      %dma_start3A_226 = tpu.memref_slice %arg2[%dma_start3A_224, %dma_start3A_225] : memref<10000x128xf32, #tpu.memory_space<hbm>> -> memref<10000x128xf32, #tpu.memory_space<hbm>>
      tpu.enqueue_indirect_dma source(%dma_start3A_226 : memref<10000x128xf32, #tpu.memory_space<hbm>>) target(%arg10 : memref<64x128xf32, #tpu.memory_space<vmem>>) offsets(%dma_start3A_223 : memref<64xi32, #tpu.memory_space<vmem>>) semaphore(%arg14 : memref<!tpu.dma_semaphore, #tpu.memory_space<semaphore_mem>>)
      %scan3A_227 = arith.constant 0 : i32
      scf.yield %scan3A_227 : i32
    }
    %scan3A_54 = arith.constant 39 : i32
    %dma_wait3A_55 = arith.constant 78 : i32
    %dma_wait3A_56 = arith.constant 0 : i32
    %dma_wait3A_57 = tpu.memref_slice %arg7[%dma_wait3A_55, %dma_wait3A_56] : memref<80x64xi32, #tpu.memory_space<vmem>> -> memref<1x64xi32, #tpu.memory_space<vmem>>
    %dma_wait3A_58 = tpu.memref_squeeze %dma_wait3A_57 : memref<1x64xi32, #tpu.memory_space<vmem>> -> memref<64xi32, #tpu.memory_space<vmem>>
    %dma_wait3A_59 = arith.constant 0 : i32
    %dma_wait3A_60 = arith.constant 0 : i32
    %dma_wait3A_61 = tpu.memref_slice %arg2[%dma_wait3A_59, %dma_wait3A_60] : memref<10000x128xf32, #tpu.memory_space<hbm>> -> memref<10000x128xf32, #tpu.memory_space<hbm>>
    tpu.wait_indirect_dma semaphore(%arg13 : memref<!tpu.dma_semaphore, #tpu.memory_space<semaphore_mem>>) src(%dma_wait3A_61 : memref<10000x128xf32, #tpu.memory_space<hbm>>) dst(%arg9 : memref<64x128xf32, #tpu.memory_space<vmem>>)
    %dma_start3A_62 = arith.constant 78 : i32
    %dma_start3A_63 = arith.constant 0 : i32
    %dma_start3A_64 = tpu.memref_slice %arg8[%dma_start3A_62, %dma_start3A_63] : memref<80x64xi32, #tpu.memory_space<vmem>> -> memref<1x64xi32, #tpu.memory_space<vmem>>
    %dma_start3A_65 = tpu.memref_squeeze %dma_start3A_64 : memref<1x64xi32, #tpu.memory_space<vmem>> -> memref<64xi32, #tpu.memory_space<vmem>>
    %dma_start3A_66 = arith.constant 0 : i32
    %dma_start3A_67 = arith.constant 0 : i32
    %dma_start3A_68 = tpu.memref_slice %arg11[%dma_start3A_66, %dma_start3A_67] : memref<10240x128xf32, #tpu.memory_space<vmem_shared>> -> memref<10240x128xf32, #tpu.memory_space<vmem_shared>>
    tpu.enqueue_indirect_dma source(%arg9 : memref<64x128xf32, #tpu.memory_space<vmem>>) target(%dma_start3A_68 : memref<10240x128xf32, #tpu.memory_space<vmem_shared>>) offsets(%dma_start3A_65 : memref<64xi32, #tpu.memory_space<vmem>>) semaphore(%arg15 : memref<!tpu.dma_semaphore, #tpu.memory_space<semaphore_mem>>) {add = true}
    %dma_wait3A_69 = arith.constant 79 : i32
    %dma_wait3A_70 = arith.constant 0 : i32
    %dma_wait3A_71 = tpu.memref_slice %arg7[%dma_wait3A_69, %dma_wait3A_70] : memref<80x64xi32, #tpu.memory_space<vmem>> -> memref<1x64xi32, #tpu.memory_space<vmem>>
    %dma_wait3A_72 = tpu.memref_squeeze %dma_wait3A_71 : memref<1x64xi32, #tpu.memory_space<vmem>> -> memref<64xi32, #tpu.memory_space<vmem>>
    %dma_wait3A_73 = arith.constant 0 : i32
    %dma_wait3A_74 = arith.constant 0 : i32
    %dma_wait3A_75 = tpu.memref_slice %arg2[%dma_wait3A_73, %dma_wait3A_74] : memref<10000x128xf32, #tpu.memory_space<hbm>> -> memref<10000x128xf32, #tpu.memory_space<hbm>>
    tpu.wait_indirect_dma semaphore(%arg14 : memref<!tpu.dma_semaphore, #tpu.memory_space<semaphore_mem>>) src(%dma_wait3A_75 : memref<10000x128xf32, #tpu.memory_space<hbm>>) dst(%arg10 : memref<64x128xf32, #tpu.memory_space<vmem>>)
    %dma_start3A_76 = arith.constant 79 : i32
    %dma_start3A_77 = arith.constant 0 : i32
    %dma_start3A_78 = tpu.memref_slice %arg8[%dma_start3A_76, %dma_start3A_77] : memref<80x64xi32, #tpu.memory_space<vmem>> -> memref<1x64xi32, #tpu.memory_space<vmem>>
    %dma_start3A_79 = tpu.memref_squeeze %dma_start3A_78 : memref<1x64xi32, #tpu.memory_space<vmem>> -> memref<64xi32, #tpu.memory_space<vmem>>
    %dma_start3A_80 = arith.constant 0 : i32
    %dma_start3A_81 = arith.constant 0 : i32
    %dma_start3A_82 = tpu.memref_slice %arg11[%dma_start3A_80, %dma_start3A_81] : memref<10240x128xf32, #tpu.memory_space<vmem_shared>> -> memref<10240x128xf32, #tpu.memory_space<vmem_shared>>
    tpu.enqueue_indirect_dma source(%arg10 : memref<64x128xf32, #tpu.memory_space<vmem>>) target(%dma_start3A_82 : memref<10240x128xf32, #tpu.memory_space<vmem_shared>>) offsets(%dma_start3A_79 : memref<64xi32, #tpu.memory_space<vmem>>) semaphore(%arg16 : memref<!tpu.dma_semaphore, #tpu.memory_space<semaphore_mem>>) {add = true}
    %dma_wait3A_83 = arith.constant 78 : i32
    %dma_wait3A_84 = arith.constant 0 : i32
    %dma_wait3A_85 = tpu.memref_slice %arg8[%dma_wait3A_83, %dma_wait3A_84] : memref<80x64xi32, #tpu.memory_space<vmem>> -> memref<1x64xi32, #tpu.memory_space<vmem>>
    %dma_wait3A_86 = tpu.memref_squeeze %dma_wait3A_85 : memref<1x64xi32, #tpu.memory_space<vmem>> -> memref<64xi32, #tpu.memory_space<vmem>>
    %dma_wait3A_87 = arith.constant 0 : i32
    %dma_wait3A_88 = arith.constant 0 : i32
    %dma_wait3A_89 = tpu.memref_slice %arg11[%dma_wait3A_87, %dma_wait3A_88] : memref<10240x128xf32, #tpu.memory_space<vmem_shared>> -> memref<10240x128xf32, #tpu.memory_space<vmem_shared>>
    tpu.wait_indirect_dma semaphore(%arg15 : memref<!tpu.dma_semaphore, #tpu.memory_space<semaphore_mem>>) src(%arg9 : memref<64x128xf32, #tpu.memory_space<vmem>>) dst(%dma_wait3A_89 : memref<10240x128xf32, #tpu.memory_space<vmem_shared>>)
    %dma_wait3A_90 = arith.constant 79 : i32
    %dma_wait3A_91 = arith.constant 0 : i32
    %dma_wait3A_92 = tpu.memref_slice %arg8[%dma_wait3A_90, %dma_wait3A_91] : memref<80x64xi32, #tpu.memory_space<vmem>> -> memref<1x64xi32, #tpu.memory_space<vmem>>
    %dma_wait3A_93 = tpu.memref_squeeze %dma_wait3A_92 : memref<1x64xi32, #tpu.memory_space<vmem>> -> memref<64xi32, #tpu.memory_space<vmem>>
    %dma_wait3A_94 = arith.constant 0 : i32
    %dma_wait3A_95 = arith.constant 0 : i32
    %dma_wait3A_96 = tpu.memref_slice %arg11[%dma_wait3A_94, %dma_wait3A_95] : memref<10240x128xf32, #tpu.memory_space<vmem_shared>> -> memref<10240x128xf32, #tpu.memory_space<vmem_shared>>
    tpu.wait_indirect_dma semaphore(%arg16 : memref<!tpu.dma_semaphore, #tpu.memory_space<semaphore_mem>>) src(%arg10 : memref<64x128xf32, #tpu.memory_space<vmem>>) dst(%dma_wait3A_96 : memref<10240x128xf32, #tpu.memory_space<vmem_shared>>)
    "tpu.region"() ({
      %run_scoped3A = tpu.sem_alloc : memref<!tpu.dma_semaphore, #tpu.memory_space<semaphore_mem>>
      %dma_start3A_165 = arith.constant 80 : i32
      %dma_start3A_166 = arith.constant 0 : i32
      %dma_start3A_167 = tpu.memref_slice %arg3[%add3A, %dma_start3A_165, %dma_start3A_166] : memref<32x160x64xi32, #tpu.memory_space<hbm>> -> memref<1x80x64xi32, #tpu.memory_space<hbm>>
      %dma_start3A_168 = tpu.memref_squeeze %dma_start3A_167 : memref<1x80x64xi32, #tpu.memory_space<hbm>> -> memref<80x64xi32, #tpu.memory_space<hbm>>
      %dma_start3A_169 = arith.constant 80 : i32
      %dma_start3A_170 = arith.constant 0 : i32
      %dma_start3A_171 = tpu.memref_slice %arg3[%add3A, %dma_start3A_169, %dma_start3A_170] : memref<32x160x64xi32, #tpu.memory_space<hbm>> -> memref<1x80x64xi32, #tpu.memory_space<hbm>>
      %dma_start3A_172 = tpu.memref_squeeze %dma_start3A_171 : memref<1x80x64xi32, #tpu.memory_space<hbm>> -> memref<80x64xi32, #tpu.memory_space<hbm>>
      tpu.enqueue_dma source(%dma_start3A_172 : memref<80x64xi32, #tpu.memory_space<hbm>>) target(%arg7 : memref<80x64xi32, #tpu.memory_space<vmem>>) target_semaphore(%run_scoped3A : memref<!tpu.dma_semaphore, #tpu.memory_space<semaphore_mem>>)
      %dma_wait3A_173 = arith.constant 80 : i32
      %dma_wait3A_174 = arith.constant 0 : i32
      %dma_wait3A_175 = tpu.memref_slice %arg3[%add3A, %dma_wait3A_173, %dma_wait3A_174] : memref<32x160x64xi32, #tpu.memory_space<hbm>> -> memref<1x80x64xi32, #tpu.memory_space<hbm>>
      %dma_wait3A_176 = tpu.memref_squeeze %dma_wait3A_175 : memref<1x80x64xi32, #tpu.memory_space<hbm>> -> memref<80x64xi32, #tpu.memory_space<hbm>>
      %dma_wait3A_177 = arith.constant 80 : i32
      %dma_wait3A_178 = arith.constant 0 : i32
      %dma_wait3A_179 = tpu.memref_slice %arg3[%add3A, %dma_wait3A_177, %dma_wait3A_178] : memref<32x160x64xi32, #tpu.memory_space<hbm>> -> memref<1x80x64xi32, #tpu.memory_space<hbm>>
      %dma_wait3A_180 = tpu.memref_squeeze %dma_wait3A_179 : memref<1x80x64xi32, #tpu.memory_space<hbm>> -> memref<80x64xi32, #tpu.memory_space<hbm>>
      tpu.wait_dma2 semaphore(%run_scoped3A : memref<!tpu.dma_semaphore, #tpu.memory_space<semaphore_mem>>) src(%dma_wait3A_180 : memref<80x64xi32, #tpu.memory_space<hbm>>) dst(%arg7 : memref<80x64xi32, #tpu.memory_space<vmem>>)
      tpu.yield
    }) : () -> ()
    "tpu.region"() ({
      %run_scoped3A = tpu.sem_alloc : memref<!tpu.dma_semaphore, #tpu.memory_space<semaphore_mem>>
      %dma_start3A_165 = arith.constant 80 : i32
      %dma_start3A_166 = arith.constant 0 : i32
      %dma_start3A_167 = tpu.memref_slice %arg4[%add3A, %dma_start3A_165, %dma_start3A_166] : memref<32x160x64xi32, #tpu.memory_space<hbm>> -> memref<1x80x64xi32, #tpu.memory_space<hbm>>
      %dma_start3A_168 = tpu.memref_squeeze %dma_start3A_167 : memref<1x80x64xi32, #tpu.memory_space<hbm>> -> memref<80x64xi32, #tpu.memory_space<hbm>>
      %dma_start3A_169 = arith.constant 80 : i32
      %dma_start3A_170 = arith.constant 0 : i32
      %dma_start3A_171 = tpu.memref_slice %arg4[%add3A, %dma_start3A_169, %dma_start3A_170] : memref<32x160x64xi32, #tpu.memory_space<hbm>> -> memref<1x80x64xi32, #tpu.memory_space<hbm>>
      %dma_start3A_172 = tpu.memref_squeeze %dma_start3A_171 : memref<1x80x64xi32, #tpu.memory_space<hbm>> -> memref<80x64xi32, #tpu.memory_space<hbm>>
      tpu.enqueue_dma source(%dma_start3A_172 : memref<80x64xi32, #tpu.memory_space<hbm>>) target(%arg8 : memref<80x64xi32, #tpu.memory_space<vmem>>) target_semaphore(%run_scoped3A : memref<!tpu.dma_semaphore, #tpu.memory_space<semaphore_mem>>)
      %dma_wait3A_173 = arith.constant 80 : i32
      %dma_wait3A_174 = arith.constant 0 : i32
      %dma_wait3A_175 = tpu.memref_slice %arg4[%add3A, %dma_wait3A_173, %dma_wait3A_174] : memref<32x160x64xi32, #tpu.memory_space<hbm>> -> memref<1x80x64xi32, #tpu.memory_space<hbm>>
      %dma_wait3A_176 = tpu.memref_squeeze %dma_wait3A_175 : memref<1x80x64xi32, #tpu.memory_space<hbm>> -> memref<80x64xi32, #tpu.memory_space<hbm>>
      %dma_wait3A_177 = arith.constant 80 : i32
      %dma_wait3A_178 = arith.constant 0 : i32
      %dma_wait3A_179 = tpu.memref_slice %arg4[%add3A, %dma_wait3A_177, %dma_wait3A_178] : memref<32x160x64xi32, #tpu.memory_space<hbm>> -> memref<1x80x64xi32, #tpu.memory_space<hbm>>
      %dma_wait3A_180 = tpu.memref_squeeze %dma_wait3A_179 : memref<1x80x64xi32, #tpu.memory_space<hbm>> -> memref<80x64xi32, #tpu.memory_space<hbm>>
      tpu.wait_dma2 semaphore(%run_scoped3A : memref<!tpu.dma_semaphore, #tpu.memory_space<semaphore_mem>>) src(%dma_wait3A_180 : memref<80x64xi32, #tpu.memory_space<hbm>>) dst(%arg8 : memref<80x64xi32, #tpu.memory_space<vmem>>)
      tpu.yield
    }) : () -> ()
    %dma_start3A_97 = arith.constant 0 : i32
    %dma_start3A_98 = arith.constant 0 : i32
    %dma_start3A_99 = tpu.memref_slice %arg7[%dma_start3A_97, %dma_start3A_98] : memref<80x64xi32, #tpu.memory_space<vmem>> -> memref<1x64xi32, #tpu.memory_space<vmem>>
    %dma_start3A_100 = tpu.memref_squeeze %dma_start3A_99 : memref<1x64xi32, #tpu.memory_space<vmem>> -> memref<64xi32, #tpu.memory_space<vmem>>
    %dma_start3A_101 = arith.constant 0 : i32
    %dma_start3A_102 = arith.constant 0 : i32
    %dma_start3A_103 = tpu.memref_slice %arg2[%dma_start3A_101, %dma_start3A_102] : memref<10000x128xf32, #tpu.memory_space<hbm>> -> memref<10000x128xf32, #tpu.memory_space<hbm>>
    tpu.enqueue_indirect_dma source(%dma_start3A_103 : memref<10000x128xf32, #tpu.memory_space<hbm>>) target(%arg9 : memref<64x128xf32, #tpu.memory_space<vmem>>) offsets(%dma_start3A_100 : memref<64xi32, #tpu.memory_space<vmem>>) semaphore(%arg13 : memref<!tpu.dma_semaphore, #tpu.memory_space<semaphore_mem>>)
    %dma_start3A_104 = arith.constant 1 : i32
    %dma_start3A_105 = arith.constant 0 : i32
    %dma_start3A_106 = tpu.memref_slice %arg7[%dma_start3A_104, %dma_start3A_105] : memref<80x64xi32, #tpu.memory_space<vmem>> -> memref<1x64xi32, #tpu.memory_space<vmem>>
    %dma_start3A_107 = tpu.memref_squeeze %dma_start3A_106 : memref<1x64xi32, #tpu.memory_space<vmem>> -> memref<64xi32, #tpu.memory_space<vmem>>
    %dma_start3A_108 = arith.constant 0 : i32
    %dma_start3A_109 = arith.constant 0 : i32
    %dma_start3A_110 = tpu.memref_slice %arg2[%dma_start3A_108, %dma_start3A_109] : memref<10000x128xf32, #tpu.memory_space<hbm>> -> memref<10000x128xf32, #tpu.memory_space<hbm>>
    tpu.enqueue_indirect_dma source(%dma_start3A_110 : memref<10000x128xf32, #tpu.memory_space<hbm>>) target(%arg10 : memref<64x128xf32, #tpu.memory_space<vmem>>) offsets(%dma_start3A_107 : memref<64xi32, #tpu.memory_space<vmem>>) semaphore(%arg14 : memref<!tpu.dma_semaphore, #tpu.memory_space<semaphore_mem>>)
    %scan3A_111 = arith.constant 0 : i32
    %scan3A_112 = arith.constant 0 : i32
    %scan3A_113 = arith.constant 39 : i32
    %scan3A_114 = arith.addi %scan3A_112, %scan3A_113 : i32
    %scan3A_115 = arith.constant 1 : i32
    %scan3A_116 = scf.for %scan3A_165 = %scan3A_112 to %scan3A_114 step %scan3A_115 iter_args(%scan3A_166 = %scan3A_111) -> (i32)  : i32 {
      %mul3A_167 = arith.constant 2 : i32
      %mul3A_168 = arith.muli %mul3A_167, %scan3A_165 : i32
      %dma_wait3A_169 = arith.constant 0 : i32
      %dma_wait3A_170 = tpu.memref_slice %arg7[%mul3A_168, %dma_wait3A_169] : memref<80x64xi32, #tpu.memory_space<vmem>> -> memref<1x64xi32, #tpu.memory_space<vmem>>
      %dma_wait3A_171 = tpu.memref_squeeze %dma_wait3A_170 : memref<1x64xi32, #tpu.memory_space<vmem>> -> memref<64xi32, #tpu.memory_space<vmem>>
      %dma_wait3A_172 = arith.constant 0 : i32
      %dma_wait3A_173 = arith.constant 0 : i32
      %dma_wait3A_174 = tpu.memref_slice %arg2[%dma_wait3A_172, %dma_wait3A_173] : memref<10000x128xf32, #tpu.memory_space<hbm>> -> memref<10000x128xf32, #tpu.memory_space<hbm>>
      tpu.wait_indirect_dma semaphore(%arg13 : memref<!tpu.dma_semaphore, #tpu.memory_space<semaphore_mem>>) src(%dma_wait3A_174 : memref<10000x128xf32, #tpu.memory_space<hbm>>) dst(%arg9 : memref<64x128xf32, #tpu.memory_space<vmem>>)
      %dma_start3A_175 = arith.constant 0 : i32
      %dma_start3A_176 = tpu.memref_slice %arg8[%mul3A_168, %dma_start3A_175] : memref<80x64xi32, #tpu.memory_space<vmem>> -> memref<1x64xi32, #tpu.memory_space<vmem>>
      %dma_start3A_177 = tpu.memref_squeeze %dma_start3A_176 : memref<1x64xi32, #tpu.memory_space<vmem>> -> memref<64xi32, #tpu.memory_space<vmem>>
      %dma_start3A_178 = arith.constant 0 : i32
      %dma_start3A_179 = arith.constant 0 : i32
      %dma_start3A_180 = tpu.memref_slice %arg11[%dma_start3A_178, %dma_start3A_179] : memref<10240x128xf32, #tpu.memory_space<vmem_shared>> -> memref<10240x128xf32, #tpu.memory_space<vmem_shared>>
      tpu.enqueue_indirect_dma source(%arg9 : memref<64x128xf32, #tpu.memory_space<vmem>>) target(%dma_start3A_180 : memref<10240x128xf32, #tpu.memory_space<vmem_shared>>) offsets(%dma_start3A_177 : memref<64xi32, #tpu.memory_space<vmem>>) semaphore(%arg15 : memref<!tpu.dma_semaphore, #tpu.memory_space<semaphore_mem>>) {add = true}
      %add3A_181 = arith.constant 1 : i32
      %add3A_182 = arith.addi %mul3A_168, %add3A_181 : i32
      %dma_wait3A_183 = arith.constant 0 : i32
      %dma_wait3A_184 = tpu.memref_slice %arg7[%add3A_182, %dma_wait3A_183] : memref<80x64xi32, #tpu.memory_space<vmem>> -> memref<1x64xi32, #tpu.memory_space<vmem>>
      %dma_wait3A_185 = tpu.memref_squeeze %dma_wait3A_184 : memref<1x64xi32, #tpu.memory_space<vmem>> -> memref<64xi32, #tpu.memory_space<vmem>>
      %dma_wait3A_186 = arith.constant 0 : i32
      %dma_wait3A_187 = arith.constant 0 : i32
      %dma_wait3A_188 = tpu.memref_slice %arg2[%dma_wait3A_186, %dma_wait3A_187] : memref<10000x128xf32, #tpu.memory_space<hbm>> -> memref<10000x128xf32, #tpu.memory_space<hbm>>
      tpu.wait_indirect_dma semaphore(%arg14 : memref<!tpu.dma_semaphore, #tpu.memory_space<semaphore_mem>>) src(%dma_wait3A_188 : memref<10000x128xf32, #tpu.memory_space<hbm>>) dst(%arg10 : memref<64x128xf32, #tpu.memory_space<vmem>>)
      %add3A_189 = arith.constant 1 : i32
      %add3A_190 = arith.addi %mul3A_168, %add3A_189 : i32
      %dma_start3A_191 = arith.constant 0 : i32
      %dma_start3A_192 = tpu.memref_slice %arg8[%add3A_190, %dma_start3A_191] : memref<80x64xi32, #tpu.memory_space<vmem>> -> memref<1x64xi32, #tpu.memory_space<vmem>>
      %dma_start3A_193 = tpu.memref_squeeze %dma_start3A_192 : memref<1x64xi32, #tpu.memory_space<vmem>> -> memref<64xi32, #tpu.memory_space<vmem>>
      %dma_start3A_194 = arith.constant 0 : i32
      %dma_start3A_195 = arith.constant 0 : i32
      %dma_start3A_196 = tpu.memref_slice %arg11[%dma_start3A_194, %dma_start3A_195] : memref<10240x128xf32, #tpu.memory_space<vmem_shared>> -> memref<10240x128xf32, #tpu.memory_space<vmem_shared>>
      tpu.enqueue_indirect_dma source(%arg10 : memref<64x128xf32, #tpu.memory_space<vmem>>) target(%dma_start3A_196 : memref<10240x128xf32, #tpu.memory_space<vmem_shared>>) offsets(%dma_start3A_193 : memref<64xi32, #tpu.memory_space<vmem>>) semaphore(%arg16 : memref<!tpu.dma_semaphore, #tpu.memory_space<semaphore_mem>>) {add = true}
      %dma_wait3A_197 = arith.constant 0 : i32
      %dma_wait3A_198 = tpu.memref_slice %arg8[%mul3A_168, %dma_wait3A_197] : memref<80x64xi32, #tpu.memory_space<vmem>> -> memref<1x64xi32, #tpu.memory_space<vmem>>
      %dma_wait3A_199 = tpu.memref_squeeze %dma_wait3A_198 : memref<1x64xi32, #tpu.memory_space<vmem>> -> memref<64xi32, #tpu.memory_space<vmem>>
      %dma_wait3A_200 = arith.constant 0 : i32
      %dma_wait3A_201 = arith.constant 0 : i32
      %dma_wait3A_202 = tpu.memref_slice %arg11[%dma_wait3A_200, %dma_wait3A_201] : memref<10240x128xf32, #tpu.memory_space<vmem_shared>> -> memref<10240x128xf32, #tpu.memory_space<vmem_shared>>
      tpu.wait_indirect_dma semaphore(%arg15 : memref<!tpu.dma_semaphore, #tpu.memory_space<semaphore_mem>>) src(%arg9 : memref<64x128xf32, #tpu.memory_space<vmem>>) dst(%dma_wait3A_202 : memref<10240x128xf32, #tpu.memory_space<vmem_shared>>)
      %add3A_203 = arith.constant 2 : i32
      %add3A_204 = arith.addi %mul3A_168, %add3A_203 : i32
      %dma_start3A_205 = arith.constant 0 : i32
      %dma_start3A_206 = tpu.memref_slice %arg7[%add3A_204, %dma_start3A_205] : memref<80x64xi32, #tpu.memory_space<vmem>> -> memref<1x64xi32, #tpu.memory_space<vmem>>
      %dma_start3A_207 = tpu.memref_squeeze %dma_start3A_206 : memref<1x64xi32, #tpu.memory_space<vmem>> -> memref<64xi32, #tpu.memory_space<vmem>>
      %dma_start3A_208 = arith.constant 0 : i32
      %dma_start3A_209 = arith.constant 0 : i32
      %dma_start3A_210 = tpu.memref_slice %arg2[%dma_start3A_208, %dma_start3A_209] : memref<10000x128xf32, #tpu.memory_space<hbm>> -> memref<10000x128xf32, #tpu.memory_space<hbm>>
      tpu.enqueue_indirect_dma source(%dma_start3A_210 : memref<10000x128xf32, #tpu.memory_space<hbm>>) target(%arg9 : memref<64x128xf32, #tpu.memory_space<vmem>>) offsets(%dma_start3A_207 : memref<64xi32, #tpu.memory_space<vmem>>) semaphore(%arg13 : memref<!tpu.dma_semaphore, #tpu.memory_space<semaphore_mem>>)
      %add3A_211 = arith.constant 1 : i32
      %add3A_212 = arith.addi %mul3A_168, %add3A_211 : i32
      %dma_wait3A_213 = arith.constant 0 : i32
      %dma_wait3A_214 = tpu.memref_slice %arg8[%add3A_212, %dma_wait3A_213] : memref<80x64xi32, #tpu.memory_space<vmem>> -> memref<1x64xi32, #tpu.memory_space<vmem>>
      %dma_wait3A_215 = tpu.memref_squeeze %dma_wait3A_214 : memref<1x64xi32, #tpu.memory_space<vmem>> -> memref<64xi32, #tpu.memory_space<vmem>>
      %dma_wait3A_216 = arith.constant 0 : i32
      %dma_wait3A_217 = arith.constant 0 : i32
      %dma_wait3A_218 = tpu.memref_slice %arg11[%dma_wait3A_216, %dma_wait3A_217] : memref<10240x128xf32, #tpu.memory_space<vmem_shared>> -> memref<10240x128xf32, #tpu.memory_space<vmem_shared>>
      tpu.wait_indirect_dma semaphore(%arg16 : memref<!tpu.dma_semaphore, #tpu.memory_space<semaphore_mem>>) src(%arg10 : memref<64x128xf32, #tpu.memory_space<vmem>>) dst(%dma_wait3A_218 : memref<10240x128xf32, #tpu.memory_space<vmem_shared>>)
      %add3A_219 = arith.constant 3 : i32
      %add3A_220 = arith.addi %mul3A_168, %add3A_219 : i32
      %dma_start3A_221 = arith.constant 0 : i32
      %dma_start3A_222 = tpu.memref_slice %arg7[%add3A_220, %dma_start3A_221] : memref<80x64xi32, #tpu.memory_space<vmem>> -> memref<1x64xi32, #tpu.memory_space<vmem>>
      %dma_start3A_223 = tpu.memref_squeeze %dma_start3A_222 : memref<1x64xi32, #tpu.memory_space<vmem>> -> memref<64xi32, #tpu.memory_space<vmem>>
      %dma_start3A_224 = arith.constant 0 : i32
      %dma_start3A_225 = arith.constant 0 : i32
      %dma_start3A_226 = tpu.memref_slice %arg2[%dma_start3A_224, %dma_start3A_225] : memref<10000x128xf32, #tpu.memory_space<hbm>> -> memref<10000x128xf32, #tpu.memory_space<hbm>>
      tpu.enqueue_indirect_dma source(%dma_start3A_226 : memref<10000x128xf32, #tpu.memory_space<hbm>>) target(%arg10 : memref<64x128xf32, #tpu.memory_space<vmem>>) offsets(%dma_start3A_223 : memref<64xi32, #tpu.memory_space<vmem>>) semaphore(%arg14 : memref<!tpu.dma_semaphore, #tpu.memory_space<semaphore_mem>>)
      %scan3A_227 = arith.constant 0 : i32
      scf.yield %scan3A_227 : i32
    }
    %scan3A_117 = arith.constant 39 : i32
    %dma_wait3A_118 = arith.constant 78 : i32
    %dma_wait3A_119 = arith.constant 0 : i32
    %dma_wait3A_120 = tpu.memref_slice %arg7[%dma_wait3A_118, %dma_wait3A_119] : memref<80x64xi32, #tpu.memory_space<vmem>> -> memref<1x64xi32, #tpu.memory_space<vmem>>
    %dma_wait3A_121 = tpu.memref_squeeze %dma_wait3A_120 : memref<1x64xi32, #tpu.memory_space<vmem>> -> memref<64xi32, #tpu.memory_space<vmem>>
    %dma_wait3A_122 = arith.constant 0 : i32
    %dma_wait3A_123 = arith.constant 0 : i32
    %dma_wait3A_124 = tpu.memref_slice %arg2[%dma_wait3A_122, %dma_wait3A_123] : memref<10000x128xf32, #tpu.memory_space<hbm>> -> memref<10000x128xf32, #tpu.memory_space<hbm>>
    tpu.wait_indirect_dma semaphore(%arg13 : memref<!tpu.dma_semaphore, #tpu.memory_space<semaphore_mem>>) src(%dma_wait3A_124 : memref<10000x128xf32, #tpu.memory_space<hbm>>) dst(%arg9 : memref<64x128xf32, #tpu.memory_space<vmem>>)
    %dma_start3A_125 = arith.constant 78 : i32
    %dma_start3A_126 = arith.constant 0 : i32
    %dma_start3A_127 = tpu.memref_slice %arg8[%dma_start3A_125, %dma_start3A_126] : memref<80x64xi32, #tpu.memory_space<vmem>> -> memref<1x64xi32, #tpu.memory_space<vmem>>
    %dma_start3A_128 = tpu.memref_squeeze %dma_start3A_127 : memref<1x64xi32, #tpu.memory_space<vmem>> -> memref<64xi32, #tpu.memory_space<vmem>>
    %dma_start3A_129 = arith.constant 0 : i32
    %dma_start3A_130 = arith.constant 0 : i32
    %dma_start3A_131 = tpu.memref_slice %arg11[%dma_start3A_129, %dma_start3A_130] : memref<10240x128xf32, #tpu.memory_space<vmem_shared>> -> memref<10240x128xf32, #tpu.memory_space<vmem_shared>>
    tpu.enqueue_indirect_dma source(%arg9 : memref<64x128xf32, #tpu.memory_space<vmem>>) target(%dma_start3A_131 : memref<10240x128xf32, #tpu.memory_space<vmem_shared>>) offsets(%dma_start3A_128 : memref<64xi32, #tpu.memory_space<vmem>>) semaphore(%arg15 : memref<!tpu.dma_semaphore, #tpu.memory_space<semaphore_mem>>) {add = true}
    %dma_wait3A_132 = arith.constant 79 : i32
    %dma_wait3A_133 = arith.constant 0 : i32
    %dma_wait3A_134 = tpu.memref_slice %arg7[%dma_wait3A_132, %dma_wait3A_133] : memref<80x64xi32, #tpu.memory_space<vmem>> -> memref<1x64xi32, #tpu.memory_space<vmem>>
    %dma_wait3A_135 = tpu.memref_squeeze %dma_wait3A_134 : memref<1x64xi32, #tpu.memory_space<vmem>> -> memref<64xi32, #tpu.memory_space<vmem>>
    %dma_wait3A_136 = arith.constant 0 : i32
    %dma_wait3A_137 = arith.constant 0 : i32
    %dma_wait3A_138 = tpu.memref_slice %arg2[%dma_wait3A_136, %dma_wait3A_137] : memref<10000x128xf32, #tpu.memory_space<hbm>> -> memref<10000x128xf32, #tpu.memory_space<hbm>>
    tpu.wait_indirect_dma semaphore(%arg14 : memref<!tpu.dma_semaphore, #tpu.memory_space<semaphore_mem>>) src(%dma_wait3A_138 : memref<10000x128xf32, #tpu.memory_space<hbm>>) dst(%arg10 : memref<64x128xf32, #tpu.memory_space<vmem>>)
    %dma_start3A_139 = arith.constant 79 : i32
    %dma_start3A_140 = arith.constant 0 : i32
    %dma_start3A_141 = tpu.memref_slice %arg8[%dma_start3A_139, %dma_start3A_140] : memref<80x64xi32, #tpu.memory_space<vmem>> -> memref<1x64xi32, #tpu.memory_space<vmem>>
    %dma_start3A_142 = tpu.memref_squeeze %dma_start3A_141 : memref<1x64xi32, #tpu.memory_space<vmem>> -> memref<64xi32, #tpu.memory_space<vmem>>
    %dma_start3A_143 = arith.constant 0 : i32
    %dma_start3A_144 = arith.constant 0 : i32
    %dma_start3A_145 = tpu.memref_slice %arg11[%dma_start3A_143, %dma_start3A_144] : memref<10240x128xf32, #tpu.memory_space<vmem_shared>> -> memref<10240x128xf32, #tpu.memory_space<vmem_shared>>
    tpu.enqueue_indirect_dma source(%arg10 : memref<64x128xf32, #tpu.memory_space<vmem>>) target(%dma_start3A_145 : memref<10240x128xf32, #tpu.memory_space<vmem_shared>>) offsets(%dma_start3A_142 : memref<64xi32, #tpu.memory_space<vmem>>) semaphore(%arg16 : memref<!tpu.dma_semaphore, #tpu.memory_space<semaphore_mem>>) {add = true}
    %dma_wait3A_146 = arith.constant 78 : i32
    %dma_wait3A_147 = arith.constant 0 : i32
    %dma_wait3A_148 = tpu.memref_slice %arg8[%dma_wait3A_146, %dma_wait3A_147] : memref<80x64xi32, #tpu.memory_space<vmem>> -> memref<1x64xi32, #tpu.memory_space<vmem>>
    %dma_wait3A_149 = tpu.memref_squeeze %dma_wait3A_148 : memref<1x64xi32, #tpu.memory_space<vmem>> -> memref<64xi32, #tpu.memory_space<vmem>>
    %dma_wait3A_150 = arith.constant 0 : i32
    %dma_wait3A_151 = arith.constant 0 : i32
    %dma_wait3A_152 = tpu.memref_slice %arg11[%dma_wait3A_150, %dma_wait3A_151] : memref<10240x128xf32, #tpu.memory_space<vmem_shared>> -> memref<10240x128xf32, #tpu.memory_space<vmem_shared>>
    tpu.wait_indirect_dma semaphore(%arg15 : memref<!tpu.dma_semaphore, #tpu.memory_space<semaphore_mem>>) src(%arg9 : memref<64x128xf32, #tpu.memory_space<vmem>>) dst(%dma_wait3A_152 : memref<10240x128xf32, #tpu.memory_space<vmem_shared>>)
    %dma_wait3A_153 = arith.constant 79 : i32
    %dma_wait3A_154 = arith.constant 0 : i32
    %dma_wait3A_155 = tpu.memref_slice %arg8[%dma_wait3A_153, %dma_wait3A_154] : memref<80x64xi32, #tpu.memory_space<vmem>> -> memref<1x64xi32, #tpu.memory_space<vmem>>
    %dma_wait3A_156 = tpu.memref_squeeze %dma_wait3A_155 : memref<1x64xi32, #tpu.memory_space<vmem>> -> memref<64xi32, #tpu.memory_space<vmem>>
    %dma_wait3A_157 = arith.constant 0 : i32
    %dma_wait3A_158 = arith.constant 0 : i32
    %dma_wait3A_159 = tpu.memref_slice %arg11[%dma_wait3A_157, %dma_wait3A_158] : memref<10240x128xf32, #tpu.memory_space<vmem_shared>> -> memref<10240x128xf32, #tpu.memory_space<vmem_shared>>
    tpu.wait_indirect_dma semaphore(%arg16 : memref<!tpu.dma_semaphore, #tpu.memory_space<semaphore_mem>>) src(%arg10 : memref<64x128xf32, #tpu.memory_space<vmem>>) dst(%dma_wait3A_159 : memref<10240x128xf32, #tpu.memory_space<vmem_shared>>)
    %barrier3A_160 = arith.constant 0 : index
    tpu.barrier barrier_id(%barrier3A_160)
    %mul3A_161 = arith.constant 640 : i32
    %mul3A_162 = arith.muli %arg1, %mul3A_161 : i32
    %mul3A_163 = arith.constant 640 : i32
    %mul3A_164 = arith.muli %arg1, %mul3A_163 : i32
    "tpu.region"() ({
      %run_scoped3A = tpu.sem_alloc : memref<!tpu.dma_semaphore, #tpu.memory_space<semaphore_mem>>
      %dma_start3A_165 = arith.constant 0 : i32
      %dma_start3A_166 = tpu.memref_slice %arg6[%arg0, %mul3A_164, %dma_start3A_165] : memref<2x10240x128xf32, #tpu.memory_space<hbm>> -> memref<1x640x128xf32, #tpu.memory_space<hbm>>
      %dma_start3A_167 = tpu.memref_squeeze %dma_start3A_166 : memref<1x640x128xf32, #tpu.memory_space<hbm>> -> memref<640x128xf32, #tpu.memory_space<hbm>>
      %dma_start3A_168 = arith.constant 0 : i32
      %dma_start3A_169 = tpu.memref_slice %arg11[%mul3A_162, %dma_start3A_168] : memref<10240x128xf32, #tpu.memory_space<vmem_shared>> -> memref<640x128xf32, #tpu.memory_space<vmem_shared>>
      tpu.enqueue_dma source(%dma_start3A_169 : memref<640x128xf32, #tpu.memory_space<vmem_shared>>) target(%dma_start3A_167 : memref<640x128xf32, #tpu.memory_space<hbm>>) target_semaphore(%run_scoped3A : memref<!tpu.dma_semaphore, #tpu.memory_space<semaphore_mem>>)
      %dma_wait3A_170 = arith.constant 0 : i32
      %dma_wait3A_171 = tpu.memref_slice %arg6[%arg0, %mul3A_164, %dma_wait3A_170] : memref<2x10240x128xf32, #tpu.memory_space<hbm>> -> memref<1x640x128xf32, #tpu.memory_space<hbm>>
      %dma_wait3A_172 = tpu.memref_squeeze %dma_wait3A_171 : memref<1x640x128xf32, #tpu.memory_space<hbm>> -> memref<640x128xf32, #tpu.memory_space<hbm>>
      %dma_wait3A_173 = arith.constant 0 : i32
      %dma_wait3A_174 = tpu.memref_slice %arg11[%mul3A_162, %dma_wait3A_173] : memref<10240x128xf32, #tpu.memory_space<vmem_shared>> -> memref<640x128xf32, #tpu.memory_space<vmem_shared>>
      tpu.wait_dma2 semaphore(%run_scoped3A : memref<!tpu.dma_semaphore, #tpu.memory_space<semaphore_mem>>) src(%dma_wait3A_174 : memref<640x128xf32, #tpu.memory_space<vmem_shared>>) dst(%dma_wait3A_172 : memref<640x128xf32, #tpu.memory_space<hbm>>)
      tpu.yield
    }) : () -> ()
    return
  }
}

#map = affine_map<(d0, d1) -> (0, 0, 0)>
#map1 = affine_map<(d0, d1) -> (0, 0)>
module attributes {stable_mosaic.version = 14 : i64} {
  func.func @_deg_body(%arg0: i32, %arg1: i32, %arg2: memref<32x160x64xi32, #tpu.memory_space<hbm>>, %arg3: memref<10240x128xf32, #tpu.memory_space<hbm>>, %arg4: memref<64x128xf32, #tpu.memory_space<hbm>>, %arg5: memref<2x10240x128xf32, #tpu.memory_space<hbm>>, %arg6: memref<80x64xi32, #tpu.memory_space<vmem>>, %arg7: memref<64x128xf32, #tpu.memory_space<vmem>>, %arg8: memref<10240x128xf32, #tpu.memory_space<vmem_shared>>, %arg9: memref<!tpu.dma_semaphore, #tpu.memory_space<semaphore_mem>>) attributes {dimension_semantics = [#tpu.dimension_semantics<core_parallel>, #tpu.dimension_semantics<subcore_parallel>], iteration_bounds = array<i64: 2, 16>, scalar_prefetch = 0 : i64, scratch_operands = 4 : i64, tpu.core_type = #tpu.core_type<sc_vector_subcore>, window_params = [{transform_indices = #map}, {transform_indices = #map1}, {transform_indices = #map1}, {transform_indices = #map}]} {
    %mul3A = arith.constant 16 : i32
    %mul3A_0 = arith.muli %arg0, %mul3A : i32
    %add3A = arith.addi %mul3A_0, %arg1 : i32
    %dma_start3A = arith.constant 0 : i32
    %dma_start3A_1 = arith.constant 0 : i32
    %dma_start3A_2 = tpu.memref_slice %arg2[%add3A, %dma_start3A, %dma_start3A_1] : memref<32x160x64xi32, #tpu.memory_space<hbm>> -> memref<1x80x64xi32, #tpu.memory_space<hbm>>
    %dma_start3A_3 = tpu.memref_squeeze %dma_start3A_2 : memref<1x80x64xi32, #tpu.memory_space<hbm>> -> memref<80x64xi32, #tpu.memory_space<hbm>>
    %dma_start3A_4 = arith.constant 0 : i32
    %dma_start3A_5 = arith.constant 0 : i32
    %dma_start3A_6 = tpu.memref_slice %arg2[%add3A, %dma_start3A_4, %dma_start3A_5] : memref<32x160x64xi32, #tpu.memory_space<hbm>> -> memref<1x80x64xi32, #tpu.memory_space<hbm>>
    %dma_start3A_7 = tpu.memref_squeeze %dma_start3A_6 : memref<1x80x64xi32, #tpu.memory_space<hbm>> -> memref<80x64xi32, #tpu.memory_space<hbm>>
    tpu.enqueue_dma source(%dma_start3A_7 : memref<80x64xi32, #tpu.memory_space<hbm>>) target(%arg6 : memref<80x64xi32, #tpu.memory_space<vmem>>) target_semaphore(%arg9 : memref<!tpu.dma_semaphore, #tpu.memory_space<semaphore_mem>>)
    %mul3A_8 = arith.constant 640 : i32
    %mul3A_9 = arith.muli %arg1, %mul3A_8 : i32
    %mul3A_10 = arith.constant 640 : i32
    %mul3A_11 = arith.muli %arg1, %mul3A_10 : i32
    "tpu.region"() ({
      %run_scoped3A = tpu.sem_alloc : memref<!tpu.dma_semaphore, #tpu.memory_space<semaphore_mem>>
      %dma_start3A_149 = arith.constant 0 : i32
      %dma_start3A_150 = tpu.memref_slice %arg8[%mul3A_11, %dma_start3A_149] : memref<10240x128xf32, #tpu.memory_space<vmem_shared>> -> memref<640x128xf32, #tpu.memory_space<vmem_shared>>
      %dma_start3A_151 = arith.constant 0 : i32
      %dma_start3A_152 = tpu.memref_slice %arg3[%mul3A_9, %dma_start3A_151] : memref<10240x128xf32, #tpu.memory_space<hbm>> -> memref<640x128xf32, #tpu.memory_space<hbm>>
      tpu.enqueue_dma source(%dma_start3A_152 : memref<640x128xf32, #tpu.memory_space<hbm>>) target(%dma_start3A_150 : memref<640x128xf32, #tpu.memory_space<vmem_shared>>) target_semaphore(%run_scoped3A : memref<!tpu.dma_semaphore, #tpu.memory_space<semaphore_mem>>)
      %dma_wait3A_153 = arith.constant 0 : i32
      %dma_wait3A_154 = tpu.memref_slice %arg8[%mul3A_11, %dma_wait3A_153] : memref<10240x128xf32, #tpu.memory_space<vmem_shared>> -> memref<640x128xf32, #tpu.memory_space<vmem_shared>>
      %dma_wait3A_155 = arith.constant 0 : i32
      %dma_wait3A_156 = tpu.memref_slice %arg3[%mul3A_9, %dma_wait3A_155] : memref<10240x128xf32, #tpu.memory_space<hbm>> -> memref<640x128xf32, #tpu.memory_space<hbm>>
      tpu.wait_dma2 semaphore(%run_scoped3A : memref<!tpu.dma_semaphore, #tpu.memory_space<semaphore_mem>>) src(%dma_wait3A_156 : memref<640x128xf32, #tpu.memory_space<hbm>>) dst(%dma_wait3A_154 : memref<640x128xf32, #tpu.memory_space<vmem_shared>>)
      tpu.yield
    }) : () -> ()
    "tpu.region"() ({
      %run_scoped3A = tpu.sem_alloc : memref<!tpu.dma_semaphore, #tpu.memory_space<semaphore_mem>>
      tpu.enqueue_dma source(%arg4 : memref<64x128xf32, #tpu.memory_space<hbm>>) target(%arg7 : memref<64x128xf32, #tpu.memory_space<vmem>>) target_semaphore(%run_scoped3A : memref<!tpu.dma_semaphore, #tpu.memory_space<semaphore_mem>>)
      tpu.wait_dma2 semaphore(%run_scoped3A : memref<!tpu.dma_semaphore, #tpu.memory_space<semaphore_mem>>) src(%arg4 : memref<64x128xf32, #tpu.memory_space<hbm>>) dst(%arg7 : memref<64x128xf32, #tpu.memory_space<vmem>>)
      tpu.yield
    }) : () -> ()
    %dma_wait3A = arith.constant 0 : i32
    %dma_wait3A_12 = arith.constant 0 : i32
    %dma_wait3A_13 = tpu.memref_slice %arg2[%add3A, %dma_wait3A, %dma_wait3A_12] : memref<32x160x64xi32, #tpu.memory_space<hbm>> -> memref<1x80x64xi32, #tpu.memory_space<hbm>>
    %dma_wait3A_14 = tpu.memref_squeeze %dma_wait3A_13 : memref<1x80x64xi32, #tpu.memory_space<hbm>> -> memref<80x64xi32, #tpu.memory_space<hbm>>
    %dma_wait3A_15 = arith.constant 0 : i32
    %dma_wait3A_16 = arith.constant 0 : i32
    %dma_wait3A_17 = tpu.memref_slice %arg2[%add3A, %dma_wait3A_15, %dma_wait3A_16] : memref<32x160x64xi32, #tpu.memory_space<hbm>> -> memref<1x80x64xi32, #tpu.memory_space<hbm>>
    %dma_wait3A_18 = tpu.memref_squeeze %dma_wait3A_17 : memref<1x80x64xi32, #tpu.memory_space<hbm>> -> memref<80x64xi32, #tpu.memory_space<hbm>>
    tpu.wait_dma2 semaphore(%arg9 : memref<!tpu.dma_semaphore, #tpu.memory_space<semaphore_mem>>) src(%dma_wait3A_18 : memref<80x64xi32, #tpu.memory_space<hbm>>) dst(%arg6 : memref<80x64xi32, #tpu.memory_space<vmem>>)
    %barrier3A = arith.constant 0 : index
    tpu.barrier barrier_id(%barrier3A)
    %dma_start3A_19 = arith.constant 0 : i32
    %dma_start3A_20 = arith.constant 0 : i32
    %dma_start3A_21 = tpu.memref_slice %arg6[%dma_start3A_19, %dma_start3A_20] : memref<80x64xi32, #tpu.memory_space<vmem>> -> memref<1x64xi32, #tpu.memory_space<vmem>>
    %dma_start3A_22 = tpu.memref_squeeze %dma_start3A_21 : memref<1x64xi32, #tpu.memory_space<vmem>> -> memref<64xi32, #tpu.memory_space<vmem>>
    %dma_start3A_23 = arith.constant 0 : i32
    %dma_start3A_24 = arith.constant 0 : i32
    %dma_start3A_25 = tpu.memref_slice %arg8[%dma_start3A_23, %dma_start3A_24] : memref<10240x128xf32, #tpu.memory_space<vmem_shared>> -> memref<10240x128xf32, #tpu.memory_space<vmem_shared>>
    tpu.enqueue_indirect_dma source(%arg7 : memref<64x128xf32, #tpu.memory_space<vmem>>) target(%dma_start3A_25 : memref<10240x128xf32, #tpu.memory_space<vmem_shared>>) offsets(%dma_start3A_22 : memref<64xi32, #tpu.memory_space<vmem>>) semaphore(%arg9 : memref<!tpu.dma_semaphore, #tpu.memory_space<semaphore_mem>>) {add = true}
    %dma_start3A_26 = arith.constant 1 : i32
    %dma_start3A_27 = arith.constant 0 : i32
    %dma_start3A_28 = tpu.memref_slice %arg6[%dma_start3A_26, %dma_start3A_27] : memref<80x64xi32, #tpu.memory_space<vmem>> -> memref<1x64xi32, #tpu.memory_space<vmem>>
    %dma_start3A_29 = tpu.memref_squeeze %dma_start3A_28 : memref<1x64xi32, #tpu.memory_space<vmem>> -> memref<64xi32, #tpu.memory_space<vmem>>
    %dma_start3A_30 = arith.constant 0 : i32
    %dma_start3A_31 = arith.constant 0 : i32
    %dma_start3A_32 = tpu.memref_slice %arg8[%dma_start3A_30, %dma_start3A_31] : memref<10240x128xf32, #tpu.memory_space<vmem_shared>> -> memref<10240x128xf32, #tpu.memory_space<vmem_shared>>
    tpu.enqueue_indirect_dma source(%arg7 : memref<64x128xf32, #tpu.memory_space<vmem>>) target(%dma_start3A_32 : memref<10240x128xf32, #tpu.memory_space<vmem_shared>>) offsets(%dma_start3A_29 : memref<64xi32, #tpu.memory_space<vmem>>) semaphore(%arg9 : memref<!tpu.dma_semaphore, #tpu.memory_space<semaphore_mem>>) {add = true}
    %dma_start3A_33 = arith.constant 2 : i32
    %dma_start3A_34 = arith.constant 0 : i32
    %dma_start3A_35 = tpu.memref_slice %arg6[%dma_start3A_33, %dma_start3A_34] : memref<80x64xi32, #tpu.memory_space<vmem>> -> memref<1x64xi32, #tpu.memory_space<vmem>>
    %dma_start3A_36 = tpu.memref_squeeze %dma_start3A_35 : memref<1x64xi32, #tpu.memory_space<vmem>> -> memref<64xi32, #tpu.memory_space<vmem>>
    %dma_start3A_37 = arith.constant 0 : i32
    %dma_start3A_38 = arith.constant 0 : i32
    %dma_start3A_39 = tpu.memref_slice %arg8[%dma_start3A_37, %dma_start3A_38] : memref<10240x128xf32, #tpu.memory_space<vmem_shared>> -> memref<10240x128xf32, #tpu.memory_space<vmem_shared>>
    tpu.enqueue_indirect_dma source(%arg7 : memref<64x128xf32, #tpu.memory_space<vmem>>) target(%dma_start3A_39 : memref<10240x128xf32, #tpu.memory_space<vmem_shared>>) offsets(%dma_start3A_36 : memref<64xi32, #tpu.memory_space<vmem>>) semaphore(%arg9 : memref<!tpu.dma_semaphore, #tpu.memory_space<semaphore_mem>>) {add = true}
    %dma_start3A_40 = arith.constant 3 : i32
    %dma_start3A_41 = arith.constant 0 : i32
    %dma_start3A_42 = tpu.memref_slice %arg6[%dma_start3A_40, %dma_start3A_41] : memref<80x64xi32, #tpu.memory_space<vmem>> -> memref<1x64xi32, #tpu.memory_space<vmem>>
    %dma_start3A_43 = tpu.memref_squeeze %dma_start3A_42 : memref<1x64xi32, #tpu.memory_space<vmem>> -> memref<64xi32, #tpu.memory_space<vmem>>
    %dma_start3A_44 = arith.constant 0 : i32
    %dma_start3A_45 = arith.constant 0 : i32
    %dma_start3A_46 = tpu.memref_slice %arg8[%dma_start3A_44, %dma_start3A_45] : memref<10240x128xf32, #tpu.memory_space<vmem_shared>> -> memref<10240x128xf32, #tpu.memory_space<vmem_shared>>
    tpu.enqueue_indirect_dma source(%arg7 : memref<64x128xf32, #tpu.memory_space<vmem>>) target(%dma_start3A_46 : memref<10240x128xf32, #tpu.memory_space<vmem_shared>>) offsets(%dma_start3A_43 : memref<64xi32, #tpu.memory_space<vmem>>) semaphore(%arg9 : memref<!tpu.dma_semaphore, #tpu.memory_space<semaphore_mem>>) {add = true}
    %scan3A = arith.constant 0 : i32
    %scan3A_47 = arith.constant 0 : i32
    %scan3A_48 = arith.constant 76 : i32
    %scan3A_49 = arith.addi %scan3A_47, %scan3A_48 : i32
    %scan3A_50 = arith.constant 1 : i32
    %scan3A_51 = scf.for %scan3A_149 = %scan3A_47 to %scan3A_49 step %scan3A_50 iter_args(%scan3A_150 = %scan3A) -> (i32)  : i32 {
      %dma_wait3A_151 = arith.constant 0 : i32
      %dma_wait3A_152 = arith.constant 0 : i32
      %dma_wait3A_153 = tpu.memref_slice %arg6[%dma_wait3A_151, %dma_wait3A_152] : memref<80x64xi32, #tpu.memory_space<vmem>> -> memref<1x64xi32, #tpu.memory_space<vmem>>
      %dma_wait3A_154 = tpu.memref_squeeze %dma_wait3A_153 : memref<1x64xi32, #tpu.memory_space<vmem>> -> memref<64xi32, #tpu.memory_space<vmem>>
      %dma_wait3A_155 = arith.constant 0 : i32
      %dma_wait3A_156 = arith.constant 0 : i32
      %dma_wait3A_157 = tpu.memref_slice %arg8[%dma_wait3A_155, %dma_wait3A_156] : memref<10240x128xf32, #tpu.memory_space<vmem_shared>> -> memref<10240x128xf32, #tpu.memory_space<vmem_shared>>
      tpu.wait_indirect_dma semaphore(%arg9 : memref<!tpu.dma_semaphore, #tpu.memory_space<semaphore_mem>>) src(%arg7 : memref<64x128xf32, #tpu.memory_space<vmem>>) dst(%dma_wait3A_157 : memref<10240x128xf32, #tpu.memory_space<vmem_shared>>)
      %add3A_158 = arith.constant 4 : i32
      %add3A_159 = arith.addi %scan3A_149, %add3A_158 : i32
      %dma_start3A_160 = arith.constant 0 : i32
      %dma_start3A_161 = tpu.memref_slice %arg6[%add3A_159, %dma_start3A_160] : memref<80x64xi32, #tpu.memory_space<vmem>> -> memref<1x64xi32, #tpu.memory_space<vmem>>
      %dma_start3A_162 = tpu.memref_squeeze %dma_start3A_161 : memref<1x64xi32, #tpu.memory_space<vmem>> -> memref<64xi32, #tpu.memory_space<vmem>>
      %dma_start3A_163 = arith.constant 0 : i32
      %dma_start3A_164 = arith.constant 0 : i32
      %dma_start3A_165 = tpu.memref_slice %arg8[%dma_start3A_163, %dma_start3A_164] : memref<10240x128xf32, #tpu.memory_space<vmem_shared>> -> memref<10240x128xf32, #tpu.memory_space<vmem_shared>>
      tpu.enqueue_indirect_dma source(%arg7 : memref<64x128xf32, #tpu.memory_space<vmem>>) target(%dma_start3A_165 : memref<10240x128xf32, #tpu.memory_space<vmem_shared>>) offsets(%dma_start3A_162 : memref<64xi32, #tpu.memory_space<vmem>>) semaphore(%arg9 : memref<!tpu.dma_semaphore, #tpu.memory_space<semaphore_mem>>) {add = true}
      %scan3A_166 = arith.constant 0 : i32
      scf.yield %scan3A_166 : i32
    }
    %scan3A_52 = arith.constant 76 : i32
    %dma_wait3A_53 = arith.constant 0 : i32
    %dma_wait3A_54 = arith.constant 0 : i32
    %dma_wait3A_55 = tpu.memref_slice %arg6[%dma_wait3A_53, %dma_wait3A_54] : memref<80x64xi32, #tpu.memory_space<vmem>> -> memref<1x64xi32, #tpu.memory_space<vmem>>
    %dma_wait3A_56 = tpu.memref_squeeze %dma_wait3A_55 : memref<1x64xi32, #tpu.memory_space<vmem>> -> memref<64xi32, #tpu.memory_space<vmem>>
    %dma_wait3A_57 = arith.constant 0 : i32
    %dma_wait3A_58 = arith.constant 0 : i32
    %dma_wait3A_59 = tpu.memref_slice %arg8[%dma_wait3A_57, %dma_wait3A_58] : memref<10240x128xf32, #tpu.memory_space<vmem_shared>> -> memref<10240x128xf32, #tpu.memory_space<vmem_shared>>
    tpu.wait_indirect_dma semaphore(%arg9 : memref<!tpu.dma_semaphore, #tpu.memory_space<semaphore_mem>>) src(%arg7 : memref<64x128xf32, #tpu.memory_space<vmem>>) dst(%dma_wait3A_59 : memref<10240x128xf32, #tpu.memory_space<vmem_shared>>)
    %dma_wait3A_60 = arith.constant 0 : i32
    %dma_wait3A_61 = arith.constant 0 : i32
    %dma_wait3A_62 = tpu.memref_slice %arg6[%dma_wait3A_60, %dma_wait3A_61] : memref<80x64xi32, #tpu.memory_space<vmem>> -> memref<1x64xi32, #tpu.memory_space<vmem>>
    %dma_wait3A_63 = tpu.memref_squeeze %dma_wait3A_62 : memref<1x64xi32, #tpu.memory_space<vmem>> -> memref<64xi32, #tpu.memory_space<vmem>>
    %dma_wait3A_64 = arith.constant 0 : i32
    %dma_wait3A_65 = arith.constant 0 : i32
    %dma_wait3A_66 = tpu.memref_slice %arg8[%dma_wait3A_64, %dma_wait3A_65] : memref<10240x128xf32, #tpu.memory_space<vmem_shared>> -> memref<10240x128xf32, #tpu.memory_space<vmem_shared>>
    tpu.wait_indirect_dma semaphore(%arg9 : memref<!tpu.dma_semaphore, #tpu.memory_space<semaphore_mem>>) src(%arg7 : memref<64x128xf32, #tpu.memory_space<vmem>>) dst(%dma_wait3A_66 : memref<10240x128xf32, #tpu.memory_space<vmem_shared>>)
    %dma_wait3A_67 = arith.constant 0 : i32
    %dma_wait3A_68 = arith.constant 0 : i32
    %dma_wait3A_69 = tpu.memref_slice %arg6[%dma_wait3A_67, %dma_wait3A_68] : memref<80x64xi32, #tpu.memory_space<vmem>> -> memref<1x64xi32, #tpu.memory_space<vmem>>
    %dma_wait3A_70 = tpu.memref_squeeze %dma_wait3A_69 : memref<1x64xi32, #tpu.memory_space<vmem>> -> memref<64xi32, #tpu.memory_space<vmem>>
    %dma_wait3A_71 = arith.constant 0 : i32
    %dma_wait3A_72 = arith.constant 0 : i32
    %dma_wait3A_73 = tpu.memref_slice %arg8[%dma_wait3A_71, %dma_wait3A_72] : memref<10240x128xf32, #tpu.memory_space<vmem_shared>> -> memref<10240x128xf32, #tpu.memory_space<vmem_shared>>
    tpu.wait_indirect_dma semaphore(%arg9 : memref<!tpu.dma_semaphore, #tpu.memory_space<semaphore_mem>>) src(%arg7 : memref<64x128xf32, #tpu.memory_space<vmem>>) dst(%dma_wait3A_73 : memref<10240x128xf32, #tpu.memory_space<vmem_shared>>)
    %dma_wait3A_74 = arith.constant 0 : i32
    %dma_wait3A_75 = arith.constant 0 : i32
    %dma_wait3A_76 = tpu.memref_slice %arg6[%dma_wait3A_74, %dma_wait3A_75] : memref<80x64xi32, #tpu.memory_space<vmem>> -> memref<1x64xi32, #tpu.memory_space<vmem>>
    %dma_wait3A_77 = tpu.memref_squeeze %dma_wait3A_76 : memref<1x64xi32, #tpu.memory_space<vmem>> -> memref<64xi32, #tpu.memory_space<vmem>>
    %dma_wait3A_78 = arith.constant 0 : i32
    %dma_wait3A_79 = arith.constant 0 : i32
    %dma_wait3A_80 = tpu.memref_slice %arg8[%dma_wait3A_78, %dma_wait3A_79] : memref<10240x128xf32, #tpu.memory_space<vmem_shared>> -> memref<10240x128xf32, #tpu.memory_space<vmem_shared>>
    tpu.wait_indirect_dma semaphore(%arg9 : memref<!tpu.dma_semaphore, #tpu.memory_space<semaphore_mem>>) src(%arg7 : memref<64x128xf32, #tpu.memory_space<vmem>>) dst(%dma_wait3A_80 : memref<10240x128xf32, #tpu.memory_space<vmem_shared>>)
    "tpu.region"() ({
      %run_scoped3A = tpu.sem_alloc : memref<!tpu.dma_semaphore, #tpu.memory_space<semaphore_mem>>
      %dma_start3A_149 = arith.constant 80 : i32
      %dma_start3A_150 = arith.constant 0 : i32
      %dma_start3A_151 = tpu.memref_slice %arg2[%add3A, %dma_start3A_149, %dma_start3A_150] : memref<32x160x64xi32, #tpu.memory_space<hbm>> -> memref<1x80x64xi32, #tpu.memory_space<hbm>>
      %dma_start3A_152 = tpu.memref_squeeze %dma_start3A_151 : memref<1x80x64xi32, #tpu.memory_space<hbm>> -> memref<80x64xi32, #tpu.memory_space<hbm>>
      %dma_start3A_153 = arith.constant 80 : i32
      %dma_start3A_154 = arith.constant 0 : i32
      %dma_start3A_155 = tpu.memref_slice %arg2[%add3A, %dma_start3A_153, %dma_start3A_154] : memref<32x160x64xi32, #tpu.memory_space<hbm>> -> memref<1x80x64xi32, #tpu.memory_space<hbm>>
      %dma_start3A_156 = tpu.memref_squeeze %dma_start3A_155 : memref<1x80x64xi32, #tpu.memory_space<hbm>> -> memref<80x64xi32, #tpu.memory_space<hbm>>
      tpu.enqueue_dma source(%dma_start3A_156 : memref<80x64xi32, #tpu.memory_space<hbm>>) target(%arg6 : memref<80x64xi32, #tpu.memory_space<vmem>>) target_semaphore(%run_scoped3A : memref<!tpu.dma_semaphore, #tpu.memory_space<semaphore_mem>>)
      %dma_wait3A_157 = arith.constant 80 : i32
      %dma_wait3A_158 = arith.constant 0 : i32
      %dma_wait3A_159 = tpu.memref_slice %arg2[%add3A, %dma_wait3A_157, %dma_wait3A_158] : memref<32x160x64xi32, #tpu.memory_space<hbm>> -> memref<1x80x64xi32, #tpu.memory_space<hbm>>
      %dma_wait3A_160 = tpu.memref_squeeze %dma_wait3A_159 : memref<1x80x64xi32, #tpu.memory_space<hbm>> -> memref<80x64xi32, #tpu.memory_space<hbm>>
      %dma_wait3A_161 = arith.constant 80 : i32
      %dma_wait3A_162 = arith.constant 0 : i32
      %dma_wait3A_163 = tpu.memref_slice %arg2[%add3A, %dma_wait3A_161, %dma_wait3A_162] : memref<32x160x64xi32, #tpu.memory_space<hbm>> -> memref<1x80x64xi32, #tpu.memory_space<hbm>>
      %dma_wait3A_164 = tpu.memref_squeeze %dma_wait3A_163 : memref<1x80x64xi32, #tpu.memory_space<hbm>> -> memref<80x64xi32, #tpu.memory_space<hbm>>
      tpu.wait_dma2 semaphore(%run_scoped3A : memref<!tpu.dma_semaphore, #tpu.memory_space<semaphore_mem>>) src(%dma_wait3A_164 : memref<80x64xi32, #tpu.memory_space<hbm>>) dst(%arg6 : memref<80x64xi32, #tpu.memory_space<vmem>>)
      tpu.yield
    }) : () -> ()
    %dma_start3A_81 = arith.constant 0 : i32
    %dma_start3A_82 = arith.constant 0 : i32
    %dma_start3A_83 = tpu.memref_slice %arg6[%dma_start3A_81, %dma_start3A_82] : memref<80x64xi32, #tpu.memory_space<vmem>> -> memref<1x64xi32, #tpu.memory_space<vmem>>
    %dma_start3A_84 = tpu.memref_squeeze %dma_start3A_83 : memref<1x64xi32, #tpu.memory_space<vmem>> -> memref<64xi32, #tpu.memory_space<vmem>>
    %dma_start3A_85 = arith.constant 0 : i32
    %dma_start3A_86 = arith.constant 0 : i32
    %dma_start3A_87 = tpu.memref_slice %arg8[%dma_start3A_85, %dma_start3A_86] : memref<10240x128xf32, #tpu.memory_space<vmem_shared>> -> memref<10240x128xf32, #tpu.memory_space<vmem_shared>>
    tpu.enqueue_indirect_dma source(%arg7 : memref<64x128xf32, #tpu.memory_space<vmem>>) target(%dma_start3A_87 : memref<10240x128xf32, #tpu.memory_space<vmem_shared>>) offsets(%dma_start3A_84 : memref<64xi32, #tpu.memory_space<vmem>>) semaphore(%arg9 : memref<!tpu.dma_semaphore, #tpu.memory_space<semaphore_mem>>) {add = true}
    %dma_start3A_88 = arith.constant 1 : i32
    %dma_start3A_89 = arith.constant 0 : i32
    %dma_start3A_90 = tpu.memref_slice %arg6[%dma_start3A_88, %dma_start3A_89] : memref<80x64xi32, #tpu.memory_space<vmem>> -> memref<1x64xi32, #tpu.memory_space<vmem>>
    %dma_start3A_91 = tpu.memref_squeeze %dma_start3A_90 : memref<1x64xi32, #tpu.memory_space<vmem>> -> memref<64xi32, #tpu.memory_space<vmem>>
    %dma_start3A_92 = arith.constant 0 : i32
    %dma_start3A_93 = arith.constant 0 : i32
    %dma_start3A_94 = tpu.memref_slice %arg8[%dma_start3A_92, %dma_start3A_93] : memref<10240x128xf32, #tpu.memory_space<vmem_shared>> -> memref<10240x128xf32, #tpu.memory_space<vmem_shared>>
    tpu.enqueue_indirect_dma source(%arg7 : memref<64x128xf32, #tpu.memory_space<vmem>>) target(%dma_start3A_94 : memref<10240x128xf32, #tpu.memory_space<vmem_shared>>) offsets(%dma_start3A_91 : memref<64xi32, #tpu.memory_space<vmem>>) semaphore(%arg9 : memref<!tpu.dma_semaphore, #tpu.memory_space<semaphore_mem>>) {add = true}
    %dma_start3A_95 = arith.constant 2 : i32
    %dma_start3A_96 = arith.constant 0 : i32
    %dma_start3A_97 = tpu.memref_slice %arg6[%dma_start3A_95, %dma_start3A_96] : memref<80x64xi32, #tpu.memory_space<vmem>> -> memref<1x64xi32, #tpu.memory_space<vmem>>
    %dma_start3A_98 = tpu.memref_squeeze %dma_start3A_97 : memref<1x64xi32, #tpu.memory_space<vmem>> -> memref<64xi32, #tpu.memory_space<vmem>>
    %dma_start3A_99 = arith.constant 0 : i32
    %dma_start3A_100 = arith.constant 0 : i32
    %dma_start3A_101 = tpu.memref_slice %arg8[%dma_start3A_99, %dma_start3A_100] : memref<10240x128xf32, #tpu.memory_space<vmem_shared>> -> memref<10240x128xf32, #tpu.memory_space<vmem_shared>>
    tpu.enqueue_indirect_dma source(%arg7 : memref<64x128xf32, #tpu.memory_space<vmem>>) target(%dma_start3A_101 : memref<10240x128xf32, #tpu.memory_space<vmem_shared>>) offsets(%dma_start3A_98 : memref<64xi32, #tpu.memory_space<vmem>>) semaphore(%arg9 : memref<!tpu.dma_semaphore, #tpu.memory_space<semaphore_mem>>) {add = true}
    %dma_start3A_102 = arith.constant 3 : i32
    %dma_start3A_103 = arith.constant 0 : i32
    %dma_start3A_104 = tpu.memref_slice %arg6[%dma_start3A_102, %dma_start3A_103] : memref<80x64xi32, #tpu.memory_space<vmem>> -> memref<1x64xi32, #tpu.memory_space<vmem>>
    %dma_start3A_105 = tpu.memref_squeeze %dma_start3A_104 : memref<1x64xi32, #tpu.memory_space<vmem>> -> memref<64xi32, #tpu.memory_space<vmem>>
    %dma_start3A_106 = arith.constant 0 : i32
    %dma_start3A_107 = arith.constant 0 : i32
    %dma_start3A_108 = tpu.memref_slice %arg8[%dma_start3A_106, %dma_start3A_107] : memref<10240x128xf32, #tpu.memory_space<vmem_shared>> -> memref<10240x128xf32, #tpu.memory_space<vmem_shared>>
    tpu.enqueue_indirect_dma source(%arg7 : memref<64x128xf32, #tpu.memory_space<vmem>>) target(%dma_start3A_108 : memref<10240x128xf32, #tpu.memory_space<vmem_shared>>) offsets(%dma_start3A_105 : memref<64xi32, #tpu.memory_space<vmem>>) semaphore(%arg9 : memref<!tpu.dma_semaphore, #tpu.memory_space<semaphore_mem>>) {add = true}
    %scan3A_109 = arith.constant 0 : i32
    %scan3A_110 = arith.constant 0 : i32
    %scan3A_111 = arith.constant 76 : i32
    %scan3A_112 = arith.addi %scan3A_110, %scan3A_111 : i32
    %scan3A_113 = arith.constant 1 : i32
    %scan3A_114 = scf.for %scan3A_149 = %scan3A_110 to %scan3A_112 step %scan3A_113 iter_args(%scan3A_150 = %scan3A_109) -> (i32)  : i32 {
      %dma_wait3A_151 = arith.constant 0 : i32
      %dma_wait3A_152 = arith.constant 0 : i32
      %dma_wait3A_153 = tpu.memref_slice %arg6[%dma_wait3A_151, %dma_wait3A_152] : memref<80x64xi32, #tpu.memory_space<vmem>> -> memref<1x64xi32, #tpu.memory_space<vmem>>
      %dma_wait3A_154 = tpu.memref_squeeze %dma_wait3A_153 : memref<1x64xi32, #tpu.memory_space<vmem>> -> memref<64xi32, #tpu.memory_space<vmem>>
      %dma_wait3A_155 = arith.constant 0 : i32
      %dma_wait3A_156 = arith.constant 0 : i32
      %dma_wait3A_157 = tpu.memref_slice %arg8[%dma_wait3A_155, %dma_wait3A_156] : memref<10240x128xf32, #tpu.memory_space<vmem_shared>> -> memref<10240x128xf32, #tpu.memory_space<vmem_shared>>
      tpu.wait_indirect_dma semaphore(%arg9 : memref<!tpu.dma_semaphore, #tpu.memory_space<semaphore_mem>>) src(%arg7 : memref<64x128xf32, #tpu.memory_space<vmem>>) dst(%dma_wait3A_157 : memref<10240x128xf32, #tpu.memory_space<vmem_shared>>)
      %add3A_158 = arith.constant 4 : i32
      %add3A_159 = arith.addi %scan3A_149, %add3A_158 : i32
      %dma_start3A_160 = arith.constant 0 : i32
      %dma_start3A_161 = tpu.memref_slice %arg6[%add3A_159, %dma_start3A_160] : memref<80x64xi32, #tpu.memory_space<vmem>> -> memref<1x64xi32, #tpu.memory_space<vmem>>
      %dma_start3A_162 = tpu.memref_squeeze %dma_start3A_161 : memref<1x64xi32, #tpu.memory_space<vmem>> -> memref<64xi32, #tpu.memory_space<vmem>>
      %dma_start3A_163 = arith.constant 0 : i32
      %dma_start3A_164 = arith.constant 0 : i32
      %dma_start3A_165 = tpu.memref_slice %arg8[%dma_start3A_163, %dma_start3A_164] : memref<10240x128xf32, #tpu.memory_space<vmem_shared>> -> memref<10240x128xf32, #tpu.memory_space<vmem_shared>>
      tpu.enqueue_indirect_dma source(%arg7 : memref<64x128xf32, #tpu.memory_space<vmem>>) target(%dma_start3A_165 : memref<10240x128xf32, #tpu.memory_space<vmem_shared>>) offsets(%dma_start3A_162 : memref<64xi32, #tpu.memory_space<vmem>>) semaphore(%arg9 : memref<!tpu.dma_semaphore, #tpu.memory_space<semaphore_mem>>) {add = true}
      %scan3A_166 = arith.constant 0 : i32
      scf.yield %scan3A_166 : i32
    }
    %scan3A_115 = arith.constant 76 : i32
    %dma_wait3A_116 = arith.constant 0 : i32
    %dma_wait3A_117 = arith.constant 0 : i32
    %dma_wait3A_118 = tpu.memref_slice %arg6[%dma_wait3A_116, %dma_wait3A_117] : memref<80x64xi32, #tpu.memory_space<vmem>> -> memref<1x64xi32, #tpu.memory_space<vmem>>
    %dma_wait3A_119 = tpu.memref_squeeze %dma_wait3A_118 : memref<1x64xi32, #tpu.memory_space<vmem>> -> memref<64xi32, #tpu.memory_space<vmem>>
    %dma_wait3A_120 = arith.constant 0 : i32
    %dma_wait3A_121 = arith.constant 0 : i32
    %dma_wait3A_122 = tpu.memref_slice %arg8[%dma_wait3A_120, %dma_wait3A_121] : memref<10240x128xf32, #tpu.memory_space<vmem_shared>> -> memref<10240x128xf32, #tpu.memory_space<vmem_shared>>
    tpu.wait_indirect_dma semaphore(%arg9 : memref<!tpu.dma_semaphore, #tpu.memory_space<semaphore_mem>>) src(%arg7 : memref<64x128xf32, #tpu.memory_space<vmem>>) dst(%dma_wait3A_122 : memref<10240x128xf32, #tpu.memory_space<vmem_shared>>)
    %dma_wait3A_123 = arith.constant 0 : i32
    %dma_wait3A_124 = arith.constant 0 : i32
    %dma_wait3A_125 = tpu.memref_slice %arg6[%dma_wait3A_123, %dma_wait3A_124] : memref<80x64xi32, #tpu.memory_space<vmem>> -> memref<1x64xi32, #tpu.memory_space<vmem>>
    %dma_wait3A_126 = tpu.memref_squeeze %dma_wait3A_125 : memref<1x64xi32, #tpu.memory_space<vmem>> -> memref<64xi32, #tpu.memory_space<vmem>>
    %dma_wait3A_127 = arith.constant 0 : i32
    %dma_wait3A_128 = arith.constant 0 : i32
    %dma_wait3A_129 = tpu.memref_slice %arg8[%dma_wait3A_127, %dma_wait3A_128] : memref<10240x128xf32, #tpu.memory_space<vmem_shared>> -> memref<10240x128xf32, #tpu.memory_space<vmem_shared>>
    tpu.wait_indirect_dma semaphore(%arg9 : memref<!tpu.dma_semaphore, #tpu.memory_space<semaphore_mem>>) src(%arg7 : memref<64x128xf32, #tpu.memory_space<vmem>>) dst(%dma_wait3A_129 : memref<10240x128xf32, #tpu.memory_space<vmem_shared>>)
    %dma_wait3A_130 = arith.constant 0 : i32
    %dma_wait3A_131 = arith.constant 0 : i32
    %dma_wait3A_132 = tpu.memref_slice %arg6[%dma_wait3A_130, %dma_wait3A_131] : memref<80x64xi32, #tpu.memory_space<vmem>> -> memref<1x64xi32, #tpu.memory_space<vmem>>
    %dma_wait3A_133 = tpu.memref_squeeze %dma_wait3A_132 : memref<1x64xi32, #tpu.memory_space<vmem>> -> memref<64xi32, #tpu.memory_space<vmem>>
    %dma_wait3A_134 = arith.constant 0 : i32
    %dma_wait3A_135 = arith.constant 0 : i32
    %dma_wait3A_136 = tpu.memref_slice %arg8[%dma_wait3A_134, %dma_wait3A_135] : memref<10240x128xf32, #tpu.memory_space<vmem_shared>> -> memref<10240x128xf32, #tpu.memory_space<vmem_shared>>
    tpu.wait_indirect_dma semaphore(%arg9 : memref<!tpu.dma_semaphore, #tpu.memory_space<semaphore_mem>>) src(%arg7 : memref<64x128xf32, #tpu.memory_space<vmem>>) dst(%dma_wait3A_136 : memref<10240x128xf32, #tpu.memory_space<vmem_shared>>)
    %dma_wait3A_137 = arith.constant 0 : i32
    %dma_wait3A_138 = arith.constant 0 : i32
    %dma_wait3A_139 = tpu.memref_slice %arg6[%dma_wait3A_137, %dma_wait3A_138] : memref<80x64xi32, #tpu.memory_space<vmem>> -> memref<1x64xi32, #tpu.memory_space<vmem>>
    %dma_wait3A_140 = tpu.memref_squeeze %dma_wait3A_139 : memref<1x64xi32, #tpu.memory_space<vmem>> -> memref<64xi32, #tpu.memory_space<vmem>>
    %dma_wait3A_141 = arith.constant 0 : i32
    %dma_wait3A_142 = arith.constant 0 : i32
    %dma_wait3A_143 = tpu.memref_slice %arg8[%dma_wait3A_141, %dma_wait3A_142] : memref<10240x128xf32, #tpu.memory_space<vmem_shared>> -> memref<10240x128xf32, #tpu.memory_space<vmem_shared>>
    tpu.wait_indirect_dma semaphore(%arg9 : memref<!tpu.dma_semaphore, #tpu.memory_space<semaphore_mem>>) src(%arg7 : memref<64x128xf32, #tpu.memory_space<vmem>>) dst(%dma_wait3A_143 : memref<10240x128xf32, #tpu.memory_space<vmem_shared>>)
    %barrier3A_144 = arith.constant 0 : index
    tpu.barrier barrier_id(%barrier3A_144)
    %mul3A_145 = arith.constant 640 : i32
    %mul3A_146 = arith.muli %arg1, %mul3A_145 : i32
    %mul3A_147 = arith.constant 640 : i32
    %mul3A_148 = arith.muli %arg1, %mul3A_147 : i32
    "tpu.region"() ({
      %run_scoped3A = tpu.sem_alloc : memref<!tpu.dma_semaphore, #tpu.memory_space<semaphore_mem>>
      %dma_start3A_149 = arith.constant 0 : i32
      %dma_start3A_150 = tpu.memref_slice %arg5[%arg0, %mul3A_148, %dma_start3A_149] : memref<2x10240x128xf32, #tpu.memory_space<hbm>> -> memref<1x640x128xf32, #tpu.memory_space<hbm>>
      %dma_start3A_151 = tpu.memref_squeeze %dma_start3A_150 : memref<1x640x128xf32, #tpu.memory_space<hbm>> -> memref<640x128xf32, #tpu.memory_space<hbm>>
      %dma_start3A_152 = arith.constant 0 : i32
      %dma_start3A_153 = tpu.memref_slice %arg8[%mul3A_146, %dma_start3A_152] : memref<10240x128xf32, #tpu.memory_space<vmem_shared>> -> memref<640x128xf32, #tpu.memory_space<vmem_shared>>
      tpu.enqueue_dma source(%dma_start3A_153 : memref<640x128xf32, #tpu.memory_space<vmem_shared>>) target(%dma_start3A_151 : memref<640x128xf32, #tpu.memory_space<hbm>>) target_semaphore(%run_scoped3A : memref<!tpu.dma_semaphore, #tpu.memory_space<semaphore_mem>>)
      %dma_wait3A_154 = arith.constant 0 : i32
      %dma_wait3A_155 = tpu.memref_slice %arg5[%arg0, %mul3A_148, %dma_wait3A_154] : memref<2x10240x128xf32, #tpu.memory_space<hbm>> -> memref<1x640x128xf32, #tpu.memory_space<hbm>>
      %dma_wait3A_156 = tpu.memref_squeeze %dma_wait3A_155 : memref<1x640x128xf32, #tpu.memory_space<hbm>> -> memref<640x128xf32, #tpu.memory_space<hbm>>
      %dma_wait3A_157 = arith.constant 0 : i32
      %dma_wait3A_158 = tpu.memref_slice %arg8[%mul3A_146, %dma_wait3A_157] : memref<10240x128xf32, #tpu.memory_space<vmem_shared>> -> memref<640x128xf32, #tpu.memory_space<vmem_shared>>
      tpu.wait_dma2 semaphore(%run_scoped3A : memref<!tpu.dma_semaphore, #tpu.memory_space<semaphore_mem>>) src(%dma_wait3A_158 : memref<640x128xf32, #tpu.memory_space<vmem_shared>>) dst(%dma_wait3A_156 : memref<640x128xf32, #tpu.memory_space<hbm>>)
      tpu.yield
    }) : () -> ()
    return
  }
}

#map = affine_map<(d0, d1) -> (0, 0)>
#map1 = affine_map<(d0, d1) -> (0, 0, 0)>
module attributes {stable_mosaic.version = 14 : i64} {
  func.func @_agg_body(%arg0: i32, %arg1: i32, %arg2: memref<10000x128xf32, #tpu.memory_space<hbm>>, %arg3: memref<32x160x64xi32, #tpu.memory_space<hbm>>, %arg4: memref<32x160x64xi32, #tpu.memory_space<hbm>>, %arg5: memref<10240x128xf32, #tpu.memory_space<hbm>>, %arg6: memref<2x10240x128xf32, #tpu.memory_space<hbm>>, %arg7: memref<80x64xi32, #tpu.memory_space<vmem>>, %arg8: memref<80x64xi32, #tpu.memory_space<vmem>>, %arg9: memref<64x128xf32, #tpu.memory_space<vmem>>, %arg10: memref<64x128xf32, #tpu.memory_space<vmem>>, %arg11: memref<10240x128xf32, #tpu.memory_space<vmem_shared>>, %arg12: memref<!tpu.dma_semaphore, #tpu.memory_space<semaphore_mem>>, %arg13: memref<!tpu.dma_semaphore, #tpu.memory_space<semaphore_mem>>, %arg14: memref<!tpu.dma_semaphore, #tpu.memory_space<semaphore_mem>>, %arg15: memref<!tpu.dma_semaphore, #tpu.memory_space<semaphore_mem>>, %arg16: memref<!tpu.dma_semaphore, #tpu.memory_space<semaphore_mem>>) attributes {dimension_semantics = [#tpu.dimension_semantics<core_parallel>, #tpu.dimension_semantics<subcore_parallel>], iteration_bounds = array<i64: 2, 16>, scalar_prefetch = 0 : i64, scratch_operands = 10 : i64, tpu.core_type = #tpu.core_type<sc_vector_subcore>, window_params = [{transform_indices = #map}, {transform_indices = #map1}, {transform_indices = #map1}, {transform_indices = #map}, {transform_indices = #map1}]} {
    %mul3A = arith.constant 16 : i32
    %mul3A_0 = arith.muli %arg0, %mul3A : i32
    %add3A = arith.addi %mul3A_0, %arg1 : i32
    %dma_start3A = arith.constant 0 : i32
    %dma_start3A_1 = arith.constant 0 : i32
    %dma_start3A_2 = tpu.memref_slice %arg3[%add3A, %dma_start3A, %dma_start3A_1] : memref<32x160x64xi32, #tpu.memory_space<hbm>> -> memref<1x80x64xi32, #tpu.memory_space<hbm>>
    %dma_start3A_3 = tpu.memref_squeeze %dma_start3A_2 : memref<1x80x64xi32, #tpu.memory_space<hbm>> -> memref<80x64xi32, #tpu.memory_space<hbm>>
    %dma_start3A_4 = arith.constant 0 : i32
    %dma_start3A_5 = arith.constant 0 : i32
    %dma_start3A_6 = tpu.memref_slice %arg3[%add3A, %dma_start3A_4, %dma_start3A_5] : memref<32x160x64xi32, #tpu.memory_space<hbm>> -> memref<1x80x64xi32, #tpu.memory_space<hbm>>
    %dma_start3A_7 = tpu.memref_squeeze %dma_start3A_6 : memref<1x80x64xi32, #tpu.memory_space<hbm>> -> memref<80x64xi32, #tpu.memory_space<hbm>>
    tpu.enqueue_dma source(%dma_start3A_7 : memref<80x64xi32, #tpu.memory_space<hbm>>) target(%arg7 : memref<80x64xi32, #tpu.memory_space<vmem>>) target_semaphore(%arg12 : memref<!tpu.dma_semaphore, #tpu.memory_space<semaphore_mem>>)
    %dma_start3A_8 = arith.constant 0 : i32
    %dma_start3A_9 = arith.constant 0 : i32
    %dma_start3A_10 = tpu.memref_slice %arg4[%add3A, %dma_start3A_8, %dma_start3A_9] : memref<32x160x64xi32, #tpu.memory_space<hbm>> -> memref<1x80x64xi32, #tpu.memory_space<hbm>>
    %dma_start3A_11 = tpu.memref_squeeze %dma_start3A_10 : memref<1x80x64xi32, #tpu.memory_space<hbm>> -> memref<80x64xi32, #tpu.memory_space<hbm>>
    %dma_start3A_12 = arith.constant 0 : i32
    %dma_start3A_13 = arith.constant 0 : i32
    %dma_start3A_14 = tpu.memref_slice %arg4[%add3A, %dma_start3A_12, %dma_start3A_13] : memref<32x160x64xi32, #tpu.memory_space<hbm>> -> memref<1x80x64xi32, #tpu.memory_space<hbm>>
    %dma_start3A_15 = tpu.memref_squeeze %dma_start3A_14 : memref<1x80x64xi32, #tpu.memory_space<hbm>> -> memref<80x64xi32, #tpu.memory_space<hbm>>
    tpu.enqueue_dma source(%dma_start3A_15 : memref<80x64xi32, #tpu.memory_space<hbm>>) target(%arg8 : memref<80x64xi32, #tpu.memory_space<vmem>>) target_semaphore(%arg12 : memref<!tpu.dma_semaphore, #tpu.memory_space<semaphore_mem>>)
    %mul3A_16 = arith.constant 640 : i32
    %mul3A_17 = arith.muli %arg1, %mul3A_16 : i32
    %mul3A_18 = arith.constant 640 : i32
    %mul3A_19 = arith.muli %arg1, %mul3A_18 : i32
    "tpu.region"() ({
      %run_scoped3A = tpu.sem_alloc : memref<!tpu.dma_semaphore, #tpu.memory_space<semaphore_mem>>
      %dma_start3A_165 = arith.constant 0 : i32
      %dma_start3A_166 = tpu.memref_slice %arg11[%mul3A_19, %dma_start3A_165] : memref<10240x128xf32, #tpu.memory_space<vmem_shared>> -> memref<640x128xf32, #tpu.memory_space<vmem_shared>>
      %dma_start3A_167 = arith.constant 0 : i32
      %dma_start3A_168 = tpu.memref_slice %arg5[%mul3A_17, %dma_start3A_167] : memref<10240x128xf32, #tpu.memory_space<hbm>> -> memref<640x128xf32, #tpu.memory_space<hbm>>
      tpu.enqueue_dma source(%dma_start3A_168 : memref<640x128xf32, #tpu.memory_space<hbm>>) target(%dma_start3A_166 : memref<640x128xf32, #tpu.memory_space<vmem_shared>>) target_semaphore(%run_scoped3A : memref<!tpu.dma_semaphore, #tpu.memory_space<semaphore_mem>>)
      %dma_wait3A_169 = arith.constant 0 : i32
      %dma_wait3A_170 = tpu.memref_slice %arg11[%mul3A_19, %dma_wait3A_169] : memref<10240x128xf32, #tpu.memory_space<vmem_shared>> -> memref<640x128xf32, #tpu.memory_space<vmem_shared>>
      %dma_wait3A_171 = arith.constant 0 : i32
      %dma_wait3A_172 = tpu.memref_slice %arg5[%mul3A_17, %dma_wait3A_171] : memref<10240x128xf32, #tpu.memory_space<hbm>> -> memref<640x128xf32, #tpu.memory_space<hbm>>
      tpu.wait_dma2 semaphore(%run_scoped3A : memref<!tpu.dma_semaphore, #tpu.memory_space<semaphore_mem>>) src(%dma_wait3A_172 : memref<640x128xf32, #tpu.memory_space<hbm>>) dst(%dma_wait3A_170 : memref<640x128xf32, #tpu.memory_space<vmem_shared>>)
      tpu.yield
    }) : () -> ()
    %dma_wait3A = arith.constant 0 : i32
    %dma_wait3A_20 = arith.constant 0 : i32
    %dma_wait3A_21 = tpu.memref_slice %arg3[%add3A, %dma_wait3A, %dma_wait3A_20] : memref<32x160x64xi32, #tpu.memory_space<hbm>> -> memref<1x80x64xi32, #tpu.memory_space<hbm>>
    %dma_wait3A_22 = tpu.memref_squeeze %dma_wait3A_21 : memref<1x80x64xi32, #tpu.memory_space<hbm>> -> memref<80x64xi32, #tpu.memory_space<hbm>>
    %dma_wait3A_23 = arith.constant 0 : i32
    %dma_wait3A_24 = arith.constant 0 : i32
    %dma_wait3A_25 = tpu.memref_slice %arg3[%add3A, %dma_wait3A_23, %dma_wait3A_24] : memref<32x160x64xi32, #tpu.memory_space<hbm>> -> memref<1x80x64xi32, #tpu.memory_space<hbm>>
    %dma_wait3A_26 = tpu.memref_squeeze %dma_wait3A_25 : memref<1x80x64xi32, #tpu.memory_space<hbm>> -> memref<80x64xi32, #tpu.memory_space<hbm>>
    tpu.wait_dma2 semaphore(%arg12 : memref<!tpu.dma_semaphore, #tpu.memory_space<semaphore_mem>>) src(%dma_wait3A_26 : memref<80x64xi32, #tpu.memory_space<hbm>>) dst(%arg7 : memref<80x64xi32, #tpu.memory_space<vmem>>)
    %dma_wait3A_27 = arith.constant 0 : i32
    %dma_wait3A_28 = arith.constant 0 : i32
    %dma_wait3A_29 = tpu.memref_slice %arg4[%add3A, %dma_wait3A_27, %dma_wait3A_28] : memref<32x160x64xi32, #tpu.memory_space<hbm>> -> memref<1x80x64xi32, #tpu.memory_space<hbm>>
    %dma_wait3A_30 = tpu.memref_squeeze %dma_wait3A_29 : memref<1x80x64xi32, #tpu.memory_space<hbm>> -> memref<80x64xi32, #tpu.memory_space<hbm>>
    %dma_wait3A_31 = arith.constant 0 : i32
    %dma_wait3A_32 = arith.constant 0 : i32
    %dma_wait3A_33 = tpu.memref_slice %arg4[%add3A, %dma_wait3A_31, %dma_wait3A_32] : memref<32x160x64xi32, #tpu.memory_space<hbm>> -> memref<1x80x64xi32, #tpu.memory_space<hbm>>
    %dma_wait3A_34 = tpu.memref_squeeze %dma_wait3A_33 : memref<1x80x64xi32, #tpu.memory_space<hbm>> -> memref<80x64xi32, #tpu.memory_space<hbm>>
    tpu.wait_dma2 semaphore(%arg12 : memref<!tpu.dma_semaphore, #tpu.memory_space<semaphore_mem>>) src(%dma_wait3A_34 : memref<80x64xi32, #tpu.memory_space<hbm>>) dst(%arg8 : memref<80x64xi32, #tpu.memory_space<vmem>>)
    %barrier3A = arith.constant 0 : index
    tpu.barrier barrier_id(%barrier3A)
    %dma_start3A_35 = arith.constant 0 : i32
    %dma_start3A_36 = arith.constant 0 : i32
    %dma_start3A_37 = tpu.memref_slice %arg7[%dma_start3A_35, %dma_start3A_36] : memref<80x64xi32, #tpu.memory_space<vmem>> -> memref<1x64xi32, #tpu.memory_space<vmem>>
    %dma_start3A_38 = tpu.memref_squeeze %dma_start3A_37 : memref<1x64xi32, #tpu.memory_space<vmem>> -> memref<64xi32, #tpu.memory_space<vmem>>
    %dma_start3A_39 = arith.constant 0 : i32
    %dma_start3A_40 = arith.constant 0 : i32
    %dma_start3A_41 = tpu.memref_slice %arg2[%dma_start3A_39, %dma_start3A_40] : memref<10000x128xf32, #tpu.memory_space<hbm>> -> memref<10000x128xf32, #tpu.memory_space<hbm>>
    tpu.enqueue_indirect_dma source(%dma_start3A_41 : memref<10000x128xf32, #tpu.memory_space<hbm>>) target(%arg9 : memref<64x128xf32, #tpu.memory_space<vmem>>) offsets(%dma_start3A_38 : memref<64xi32, #tpu.memory_space<vmem>>) semaphore(%arg13 : memref<!tpu.dma_semaphore, #tpu.memory_space<semaphore_mem>>)
    %dma_start3A_42 = arith.constant 1 : i32
    %dma_start3A_43 = arith.constant 0 : i32
    %dma_start3A_44 = tpu.memref_slice %arg7[%dma_start3A_42, %dma_start3A_43] : memref<80x64xi32, #tpu.memory_space<vmem>> -> memref<1x64xi32, #tpu.memory_space<vmem>>
    %dma_start3A_45 = tpu.memref_squeeze %dma_start3A_44 : memref<1x64xi32, #tpu.memory_space<vmem>> -> memref<64xi32, #tpu.memory_space<vmem>>
    %dma_start3A_46 = arith.constant 0 : i32
    %dma_start3A_47 = arith.constant 0 : i32
    %dma_start3A_48 = tpu.memref_slice %arg2[%dma_start3A_46, %dma_start3A_47] : memref<10000x128xf32, #tpu.memory_space<hbm>> -> memref<10000x128xf32, #tpu.memory_space<hbm>>
    tpu.enqueue_indirect_dma source(%dma_start3A_48 : memref<10000x128xf32, #tpu.memory_space<hbm>>) target(%arg10 : memref<64x128xf32, #tpu.memory_space<vmem>>) offsets(%dma_start3A_45 : memref<64xi32, #tpu.memory_space<vmem>>) semaphore(%arg14 : memref<!tpu.dma_semaphore, #tpu.memory_space<semaphore_mem>>)
    %scan3A = arith.constant 0 : i32
    %scan3A_49 = arith.constant 0 : i32
    %scan3A_50 = arith.constant 39 : i32
    %scan3A_51 = arith.addi %scan3A_49, %scan3A_50 : i32
    %scan3A_52 = arith.constant 1 : i32
    %scan3A_53 = scf.for %scan3A_165 = %scan3A_49 to %scan3A_51 step %scan3A_52 iter_args(%scan3A_166 = %scan3A) -> (i32)  : i32 {
      %mul3A_167 = arith.constant 2 : i32
      %mul3A_168 = arith.muli %mul3A_167, %scan3A_165 : i32
      %dma_wait3A_169 = arith.constant 0 : i32
      %dma_wait3A_170 = tpu.memref_slice %arg7[%mul3A_168, %dma_wait3A_169] : memref<80x64xi32, #tpu.memory_space<vmem>> -> memref<1x64xi32, #tpu.memory_space<vmem>>
      %dma_wait3A_171 = tpu.memref_squeeze %dma_wait3A_170 : memref<1x64xi32, #tpu.memory_space<vmem>> -> memref<64xi32, #tpu.memory_space<vmem>>
      %dma_wait3A_172 = arith.constant 0 : i32
      %dma_wait3A_173 = arith.constant 0 : i32
      %dma_wait3A_174 = tpu.memref_slice %arg2[%dma_wait3A_172, %dma_wait3A_173] : memref<10000x128xf32, #tpu.memory_space<hbm>> -> memref<10000x128xf32, #tpu.memory_space<hbm>>
      tpu.wait_indirect_dma semaphore(%arg13 : memref<!tpu.dma_semaphore, #tpu.memory_space<semaphore_mem>>) src(%dma_wait3A_174 : memref<10000x128xf32, #tpu.memory_space<hbm>>) dst(%arg9 : memref<64x128xf32, #tpu.memory_space<vmem>>)
      %dma_start3A_175 = arith.constant 0 : i32
      %dma_start3A_176 = tpu.memref_slice %arg8[%mul3A_168, %dma_start3A_175] : memref<80x64xi32, #tpu.memory_space<vmem>> -> memref<1x64xi32, #tpu.memory_space<vmem>>
      %dma_start3A_177 = tpu.memref_squeeze %dma_start3A_176 : memref<1x64xi32, #tpu.memory_space<vmem>> -> memref<64xi32, #tpu.memory_space<vmem>>
      %dma_start3A_178 = arith.constant 0 : i32
      %dma_start3A_179 = arith.constant 0 : i32
      %dma_start3A_180 = tpu.memref_slice %arg11[%dma_start3A_178, %dma_start3A_179] : memref<10240x128xf32, #tpu.memory_space<vmem_shared>> -> memref<10240x128xf32, #tpu.memory_space<vmem_shared>>
      tpu.enqueue_indirect_dma source(%arg9 : memref<64x128xf32, #tpu.memory_space<vmem>>) target(%dma_start3A_180 : memref<10240x128xf32, #tpu.memory_space<vmem_shared>>) offsets(%dma_start3A_177 : memref<64xi32, #tpu.memory_space<vmem>>) semaphore(%arg15 : memref<!tpu.dma_semaphore, #tpu.memory_space<semaphore_mem>>) {add = true}
      %add3A_181 = arith.constant 1 : i32
      %add3A_182 = arith.addi %mul3A_168, %add3A_181 : i32
      %dma_wait3A_183 = arith.constant 0 : i32
      %dma_wait3A_184 = tpu.memref_slice %arg7[%add3A_182, %dma_wait3A_183] : memref<80x64xi32, #tpu.memory_space<vmem>> -> memref<1x64xi32, #tpu.memory_space<vmem>>
      %dma_wait3A_185 = tpu.memref_squeeze %dma_wait3A_184 : memref<1x64xi32, #tpu.memory_space<vmem>> -> memref<64xi32, #tpu.memory_space<vmem>>
      %dma_wait3A_186 = arith.constant 0 : i32
      %dma_wait3A_187 = arith.constant 0 : i32
      %dma_wait3A_188 = tpu.memref_slice %arg2[%dma_wait3A_186, %dma_wait3A_187] : memref<10000x128xf32, #tpu.memory_space<hbm>> -> memref<10000x128xf32, #tpu.memory_space<hbm>>
      tpu.wait_indirect_dma semaphore(%arg14 : memref<!tpu.dma_semaphore, #tpu.memory_space<semaphore_mem>>) src(%dma_wait3A_188 : memref<10000x128xf32, #tpu.memory_space<hbm>>) dst(%arg10 : memref<64x128xf32, #tpu.memory_space<vmem>>)
      %add3A_189 = arith.constant 1 : i32
      %add3A_190 = arith.addi %mul3A_168, %add3A_189 : i32
      %dma_start3A_191 = arith.constant 0 : i32
      %dma_start3A_192 = tpu.memref_slice %arg8[%add3A_190, %dma_start3A_191] : memref<80x64xi32, #tpu.memory_space<vmem>> -> memref<1x64xi32, #tpu.memory_space<vmem>>
      %dma_start3A_193 = tpu.memref_squeeze %dma_start3A_192 : memref<1x64xi32, #tpu.memory_space<vmem>> -> memref<64xi32, #tpu.memory_space<vmem>>
      %dma_start3A_194 = arith.constant 0 : i32
      %dma_start3A_195 = arith.constant 0 : i32
      %dma_start3A_196 = tpu.memref_slice %arg11[%dma_start3A_194, %dma_start3A_195] : memref<10240x128xf32, #tpu.memory_space<vmem_shared>> -> memref<10240x128xf32, #tpu.memory_space<vmem_shared>>
      tpu.enqueue_indirect_dma source(%arg10 : memref<64x128xf32, #tpu.memory_space<vmem>>) target(%dma_start3A_196 : memref<10240x128xf32, #tpu.memory_space<vmem_shared>>) offsets(%dma_start3A_193 : memref<64xi32, #tpu.memory_space<vmem>>) semaphore(%arg16 : memref<!tpu.dma_semaphore, #tpu.memory_space<semaphore_mem>>) {add = true}
      %dma_wait3A_197 = arith.constant 0 : i32
      %dma_wait3A_198 = tpu.memref_slice %arg8[%mul3A_168, %dma_wait3A_197] : memref<80x64xi32, #tpu.memory_space<vmem>> -> memref<1x64xi32, #tpu.memory_space<vmem>>
      %dma_wait3A_199 = tpu.memref_squeeze %dma_wait3A_198 : memref<1x64xi32, #tpu.memory_space<vmem>> -> memref<64xi32, #tpu.memory_space<vmem>>
      %dma_wait3A_200 = arith.constant 0 : i32
      %dma_wait3A_201 = arith.constant 0 : i32
      %dma_wait3A_202 = tpu.memref_slice %arg11[%dma_wait3A_200, %dma_wait3A_201] : memref<10240x128xf32, #tpu.memory_space<vmem_shared>> -> memref<10240x128xf32, #tpu.memory_space<vmem_shared>>
      tpu.wait_indirect_dma semaphore(%arg15 : memref<!tpu.dma_semaphore, #tpu.memory_space<semaphore_mem>>) src(%arg9 : memref<64x128xf32, #tpu.memory_space<vmem>>) dst(%dma_wait3A_202 : memref<10240x128xf32, #tpu.memory_space<vmem_shared>>)
      %add3A_203 = arith.constant 2 : i32
      %add3A_204 = arith.addi %mul3A_168, %add3A_203 : i32
      %dma_start3A_205 = arith.constant 0 : i32
      %dma_start3A_206 = tpu.memref_slice %arg7[%add3A_204, %dma_start3A_205] : memref<80x64xi32, #tpu.memory_space<vmem>> -> memref<1x64xi32, #tpu.memory_space<vmem>>
      %dma_start3A_207 = tpu.memref_squeeze %dma_start3A_206 : memref<1x64xi32, #tpu.memory_space<vmem>> -> memref<64xi32, #tpu.memory_space<vmem>>
      %dma_start3A_208 = arith.constant 0 : i32
      %dma_start3A_209 = arith.constant 0 : i32
      %dma_start3A_210 = tpu.memref_slice %arg2[%dma_start3A_208, %dma_start3A_209] : memref<10000x128xf32, #tpu.memory_space<hbm>> -> memref<10000x128xf32, #tpu.memory_space<hbm>>
      tpu.enqueue_indirect_dma source(%dma_start3A_210 : memref<10000x128xf32, #tpu.memory_space<hbm>>) target(%arg9 : memref<64x128xf32, #tpu.memory_space<vmem>>) offsets(%dma_start3A_207 : memref<64xi32, #tpu.memory_space<vmem>>) semaphore(%arg13 : memref<!tpu.dma_semaphore, #tpu.memory_space<semaphore_mem>>)
      %add3A_211 = arith.constant 1 : i32
      %add3A_212 = arith.addi %mul3A_168, %add3A_211 : i32
      %dma_wait3A_213 = arith.constant 0 : i32
      %dma_wait3A_214 = tpu.memref_slice %arg8[%add3A_212, %dma_wait3A_213] : memref<80x64xi32, #tpu.memory_space<vmem>> -> memref<1x64xi32, #tpu.memory_space<vmem>>
      %dma_wait3A_215 = tpu.memref_squeeze %dma_wait3A_214 : memref<1x64xi32, #tpu.memory_space<vmem>> -> memref<64xi32, #tpu.memory_space<vmem>>
      %dma_wait3A_216 = arith.constant 0 : i32
      %dma_wait3A_217 = arith.constant 0 : i32
      %dma_wait3A_218 = tpu.memref_slice %arg11[%dma_wait3A_216, %dma_wait3A_217] : memref<10240x128xf32, #tpu.memory_space<vmem_shared>> -> memref<10240x128xf32, #tpu.memory_space<vmem_shared>>
      tpu.wait_indirect_dma semaphore(%arg16 : memref<!tpu.dma_semaphore, #tpu.memory_space<semaphore_mem>>) src(%arg10 : memref<64x128xf32, #tpu.memory_space<vmem>>) dst(%dma_wait3A_218 : memref<10240x128xf32, #tpu.memory_space<vmem_shared>>)
      %add3A_219 = arith.constant 3 : i32
      %add3A_220 = arith.addi %mul3A_168, %add3A_219 : i32
      %dma_start3A_221 = arith.constant 0 : i32
      %dma_start3A_222 = tpu.memref_slice %arg7[%add3A_220, %dma_start3A_221] : memref<80x64xi32, #tpu.memory_space<vmem>> -> memref<1x64xi32, #tpu.memory_space<vmem>>
      %dma_start3A_223 = tpu.memref_squeeze %dma_start3A_222 : memref<1x64xi32, #tpu.memory_space<vmem>> -> memref<64xi32, #tpu.memory_space<vmem>>
      %dma_start3A_224 = arith.constant 0 : i32
      %dma_start3A_225 = arith.constant 0 : i32
      %dma_start3A_226 = tpu.memref_slice %arg2[%dma_start3A_224, %dma_start3A_225] : memref<10000x128xf32, #tpu.memory_space<hbm>> -> memref<10000x128xf32, #tpu.memory_space<hbm>>
      tpu.enqueue_indirect_dma source(%dma_start3A_226 : memref<10000x128xf32, #tpu.memory_space<hbm>>) target(%arg10 : memref<64x128xf32, #tpu.memory_space<vmem>>) offsets(%dma_start3A_223 : memref<64xi32, #tpu.memory_space<vmem>>) semaphore(%arg14 : memref<!tpu.dma_semaphore, #tpu.memory_space<semaphore_mem>>)
      %scan3A_227 = arith.constant 0 : i32
      scf.yield %scan3A_227 : i32
    }
    %scan3A_54 = arith.constant 39 : i32
    %dma_wait3A_55 = arith.constant 78 : i32
    %dma_wait3A_56 = arith.constant 0 : i32
    %dma_wait3A_57 = tpu.memref_slice %arg7[%dma_wait3A_55, %dma_wait3A_56] : memref<80x64xi32, #tpu.memory_space<vmem>> -> memref<1x64xi32, #tpu.memory_space<vmem>>
    %dma_wait3A_58 = tpu.memref_squeeze %dma_wait3A_57 : memref<1x64xi32, #tpu.memory_space<vmem>> -> memref<64xi32, #tpu.memory_space<vmem>>
    %dma_wait3A_59 = arith.constant 0 : i32
    %dma_wait3A_60 = arith.constant 0 : i32
    %dma_wait3A_61 = tpu.memref_slice %arg2[%dma_wait3A_59, %dma_wait3A_60] : memref<10000x128xf32, #tpu.memory_space<hbm>> -> memref<10000x128xf32, #tpu.memory_space<hbm>>
    tpu.wait_indirect_dma semaphore(%arg13 : memref<!tpu.dma_semaphore, #tpu.memory_space<semaphore_mem>>) src(%dma_wait3A_61 : memref<10000x128xf32, #tpu.memory_space<hbm>>) dst(%arg9 : memref<64x128xf32, #tpu.memory_space<vmem>>)
    %dma_start3A_62 = arith.constant 78 : i32
    %dma_start3A_63 = arith.constant 0 : i32
    %dma_start3A_64 = tpu.memref_slice %arg8[%dma_start3A_62, %dma_start3A_63] : memref<80x64xi32, #tpu.memory_space<vmem>> -> memref<1x64xi32, #tpu.memory_space<vmem>>
    %dma_start3A_65 = tpu.memref_squeeze %dma_start3A_64 : memref<1x64xi32, #tpu.memory_space<vmem>> -> memref<64xi32, #tpu.memory_space<vmem>>
    %dma_start3A_66 = arith.constant 0 : i32
    %dma_start3A_67 = arith.constant 0 : i32
    %dma_start3A_68 = tpu.memref_slice %arg11[%dma_start3A_66, %dma_start3A_67] : memref<10240x128xf32, #tpu.memory_space<vmem_shared>> -> memref<10240x128xf32, #tpu.memory_space<vmem_shared>>
    tpu.enqueue_indirect_dma source(%arg9 : memref<64x128xf32, #tpu.memory_space<vmem>>) target(%dma_start3A_68 : memref<10240x128xf32, #tpu.memory_space<vmem_shared>>) offsets(%dma_start3A_65 : memref<64xi32, #tpu.memory_space<vmem>>) semaphore(%arg15 : memref<!tpu.dma_semaphore, #tpu.memory_space<semaphore_mem>>) {add = true}
    %dma_wait3A_69 = arith.constant 79 : i32
    %dma_wait3A_70 = arith.constant 0 : i32
    %dma_wait3A_71 = tpu.memref_slice %arg7[%dma_wait3A_69, %dma_wait3A_70] : memref<80x64xi32, #tpu.memory_space<vmem>> -> memref<1x64xi32, #tpu.memory_space<vmem>>
    %dma_wait3A_72 = tpu.memref_squeeze %dma_wait3A_71 : memref<1x64xi32, #tpu.memory_space<vmem>> -> memref<64xi32, #tpu.memory_space<vmem>>
    %dma_wait3A_73 = arith.constant 0 : i32
    %dma_wait3A_74 = arith.constant 0 : i32
    %dma_wait3A_75 = tpu.memref_slice %arg2[%dma_wait3A_73, %dma_wait3A_74] : memref<10000x128xf32, #tpu.memory_space<hbm>> -> memref<10000x128xf32, #tpu.memory_space<hbm>>
    tpu.wait_indirect_dma semaphore(%arg14 : memref<!tpu.dma_semaphore, #tpu.memory_space<semaphore_mem>>) src(%dma_wait3A_75 : memref<10000x128xf32, #tpu.memory_space<hbm>>) dst(%arg10 : memref<64x128xf32, #tpu.memory_space<vmem>>)
    %dma_start3A_76 = arith.constant 79 : i32
    %dma_start3A_77 = arith.constant 0 : i32
    %dma_start3A_78 = tpu.memref_slice %arg8[%dma_start3A_76, %dma_start3A_77] : memref<80x64xi32, #tpu.memory_space<vmem>> -> memref<1x64xi32, #tpu.memory_space<vmem>>
    %dma_start3A_79 = tpu.memref_squeeze %dma_start3A_78 : memref<1x64xi32, #tpu.memory_space<vmem>> -> memref<64xi32, #tpu.memory_space<vmem>>
    %dma_start3A_80 = arith.constant 0 : i32
    %dma_start3A_81 = arith.constant 0 : i32
    %dma_start3A_82 = tpu.memref_slice %arg11[%dma_start3A_80, %dma_start3A_81] : memref<10240x128xf32, #tpu.memory_space<vmem_shared>> -> memref<10240x128xf32, #tpu.memory_space<vmem_shared>>
    tpu.enqueue_indirect_dma source(%arg10 : memref<64x128xf32, #tpu.memory_space<vmem>>) target(%dma_start3A_82 : memref<10240x128xf32, #tpu.memory_space<vmem_shared>>) offsets(%dma_start3A_79 : memref<64xi32, #tpu.memory_space<vmem>>) semaphore(%arg16 : memref<!tpu.dma_semaphore, #tpu.memory_space<semaphore_mem>>) {add = true}
    %dma_wait3A_83 = arith.constant 78 : i32
    %dma_wait3A_84 = arith.constant 0 : i32
    %dma_wait3A_85 = tpu.memref_slice %arg8[%dma_wait3A_83, %dma_wait3A_84] : memref<80x64xi32, #tpu.memory_space<vmem>> -> memref<1x64xi32, #tpu.memory_space<vmem>>
    %dma_wait3A_86 = tpu.memref_squeeze %dma_wait3A_85 : memref<1x64xi32, #tpu.memory_space<vmem>> -> memref<64xi32, #tpu.memory_space<vmem>>
    %dma_wait3A_87 = arith.constant 0 : i32
    %dma_wait3A_88 = arith.constant 0 : i32
    %dma_wait3A_89 = tpu.memref_slice %arg11[%dma_wait3A_87, %dma_wait3A_88] : memref<10240x128xf32, #tpu.memory_space<vmem_shared>> -> memref<10240x128xf32, #tpu.memory_space<vmem_shared>>
    tpu.wait_indirect_dma semaphore(%arg15 : memref<!tpu.dma_semaphore, #tpu.memory_space<semaphore_mem>>) src(%arg9 : memref<64x128xf32, #tpu.memory_space<vmem>>) dst(%dma_wait3A_89 : memref<10240x128xf32, #tpu.memory_space<vmem_shared>>)
    %dma_wait3A_90 = arith.constant 79 : i32
    %dma_wait3A_91 = arith.constant 0 : i32
    %dma_wait3A_92 = tpu.memref_slice %arg8[%dma_wait3A_90, %dma_wait3A_91] : memref<80x64xi32, #tpu.memory_space<vmem>> -> memref<1x64xi32, #tpu.memory_space<vmem>>
    %dma_wait3A_93 = tpu.memref_squeeze %dma_wait3A_92 : memref<1x64xi32, #tpu.memory_space<vmem>> -> memref<64xi32, #tpu.memory_space<vmem>>
    %dma_wait3A_94 = arith.constant 0 : i32
    %dma_wait3A_95 = arith.constant 0 : i32
    %dma_wait3A_96 = tpu.memref_slice %arg11[%dma_wait3A_94, %dma_wait3A_95] : memref<10240x128xf32, #tpu.memory_space<vmem_shared>> -> memref<10240x128xf32, #tpu.memory_space<vmem_shared>>
    tpu.wait_indirect_dma semaphore(%arg16 : memref<!tpu.dma_semaphore, #tpu.memory_space<semaphore_mem>>) src(%arg10 : memref<64x128xf32, #tpu.memory_space<vmem>>) dst(%dma_wait3A_96 : memref<10240x128xf32, #tpu.memory_space<vmem_shared>>)
    "tpu.region"() ({
      %run_scoped3A = tpu.sem_alloc : memref<!tpu.dma_semaphore, #tpu.memory_space<semaphore_mem>>
      %dma_start3A_165 = arith.constant 80 : i32
      %dma_start3A_166 = arith.constant 0 : i32
      %dma_start3A_167 = tpu.memref_slice %arg3[%add3A, %dma_start3A_165, %dma_start3A_166] : memref<32x160x64xi32, #tpu.memory_space<hbm>> -> memref<1x80x64xi32, #tpu.memory_space<hbm>>
      %dma_start3A_168 = tpu.memref_squeeze %dma_start3A_167 : memref<1x80x64xi32, #tpu.memory_space<hbm>> -> memref<80x64xi32, #tpu.memory_space<hbm>>
      %dma_start3A_169 = arith.constant 80 : i32
      %dma_start3A_170 = arith.constant 0 : i32
      %dma_start3A_171 = tpu.memref_slice %arg3[%add3A, %dma_start3A_169, %dma_start3A_170] : memref<32x160x64xi32, #tpu.memory_space<hbm>> -> memref<1x80x64xi32, #tpu.memory_space<hbm>>
      %dma_start3A_172 = tpu.memref_squeeze %dma_start3A_171 : memref<1x80x64xi32, #tpu.memory_space<hbm>> -> memref<80x64xi32, #tpu.memory_space<hbm>>
      tpu.enqueue_dma source(%dma_start3A_172 : memref<80x64xi32, #tpu.memory_space<hbm>>) target(%arg7 : memref<80x64xi32, #tpu.memory_space<vmem>>) target_semaphore(%run_scoped3A : memref<!tpu.dma_semaphore, #tpu.memory_space<semaphore_mem>>)
      %dma_wait3A_173 = arith.constant 80 : i32
      %dma_wait3A_174 = arith.constant 0 : i32
      %dma_wait3A_175 = tpu.memref_slice %arg3[%add3A, %dma_wait3A_173, %dma_wait3A_174] : memref<32x160x64xi32, #tpu.memory_space<hbm>> -> memref<1x80x64xi32, #tpu.memory_space<hbm>>
      %dma_wait3A_176 = tpu.memref_squeeze %dma_wait3A_175 : memref<1x80x64xi32, #tpu.memory_space<hbm>> -> memref<80x64xi32, #tpu.memory_space<hbm>>
      %dma_wait3A_177 = arith.constant 80 : i32
      %dma_wait3A_178 = arith.constant 0 : i32
      %dma_wait3A_179 = tpu.memref_slice %arg3[%add3A, %dma_wait3A_177, %dma_wait3A_178] : memref<32x160x64xi32, #tpu.memory_space<hbm>> -> memref<1x80x64xi32, #tpu.memory_space<hbm>>
      %dma_wait3A_180 = tpu.memref_squeeze %dma_wait3A_179 : memref<1x80x64xi32, #tpu.memory_space<hbm>> -> memref<80x64xi32, #tpu.memory_space<hbm>>
      tpu.wait_dma2 semaphore(%run_scoped3A : memref<!tpu.dma_semaphore, #tpu.memory_space<semaphore_mem>>) src(%dma_wait3A_180 : memref<80x64xi32, #tpu.memory_space<hbm>>) dst(%arg7 : memref<80x64xi32, #tpu.memory_space<vmem>>)
      tpu.yield
    }) : () -> ()
    "tpu.region"() ({
      %run_scoped3A = tpu.sem_alloc : memref<!tpu.dma_semaphore, #tpu.memory_space<semaphore_mem>>
      %dma_start3A_165 = arith.constant 80 : i32
      %dma_start3A_166 = arith.constant 0 : i32
      %dma_start3A_167 = tpu.memref_slice %arg4[%add3A, %dma_start3A_165, %dma_start3A_166] : memref<32x160x64xi32, #tpu.memory_space<hbm>> -> memref<1x80x64xi32, #tpu.memory_space<hbm>>
      %dma_start3A_168 = tpu.memref_squeeze %dma_start3A_167 : memref<1x80x64xi32, #tpu.memory_space<hbm>> -> memref<80x64xi32, #tpu.memory_space<hbm>>
      %dma_start3A_169 = arith.constant 80 : i32
      %dma_start3A_170 = arith.constant 0 : i32
      %dma_start3A_171 = tpu.memref_slice %arg4[%add3A, %dma_start3A_169, %dma_start3A_170] : memref<32x160x64xi32, #tpu.memory_space<hbm>> -> memref<1x80x64xi32, #tpu.memory_space<hbm>>
      %dma_start3A_172 = tpu.memref_squeeze %dma_start3A_171 : memref<1x80x64xi32, #tpu.memory_space<hbm>> -> memref<80x64xi32, #tpu.memory_space<hbm>>
      tpu.enqueue_dma source(%dma_start3A_172 : memref<80x64xi32, #tpu.memory_space<hbm>>) target(%arg8 : memref<80x64xi32, #tpu.memory_space<vmem>>) target_semaphore(%run_scoped3A : memref<!tpu.dma_semaphore, #tpu.memory_space<semaphore_mem>>)
      %dma_wait3A_173 = arith.constant 80 : i32
      %dma_wait3A_174 = arith.constant 0 : i32
      %dma_wait3A_175 = tpu.memref_slice %arg4[%add3A, %dma_wait3A_173, %dma_wait3A_174] : memref<32x160x64xi32, #tpu.memory_space<hbm>> -> memref<1x80x64xi32, #tpu.memory_space<hbm>>
      %dma_wait3A_176 = tpu.memref_squeeze %dma_wait3A_175 : memref<1x80x64xi32, #tpu.memory_space<hbm>> -> memref<80x64xi32, #tpu.memory_space<hbm>>
      %dma_wait3A_177 = arith.constant 80 : i32
      %dma_wait3A_178 = arith.constant 0 : i32
      %dma_wait3A_179 = tpu.memref_slice %arg4[%add3A, %dma_wait3A_177, %dma_wait3A_178] : memref<32x160x64xi32, #tpu.memory_space<hbm>> -> memref<1x80x64xi32, #tpu.memory_space<hbm>>
      %dma_wait3A_180 = tpu.memref_squeeze %dma_wait3A_179 : memref<1x80x64xi32, #tpu.memory_space<hbm>> -> memref<80x64xi32, #tpu.memory_space<hbm>>
      tpu.wait_dma2 semaphore(%run_scoped3A : memref<!tpu.dma_semaphore, #tpu.memory_space<semaphore_mem>>) src(%dma_wait3A_180 : memref<80x64xi32, #tpu.memory_space<hbm>>) dst(%arg8 : memref<80x64xi32, #tpu.memory_space<vmem>>)
      tpu.yield
    }) : () -> ()
    %dma_start3A_97 = arith.constant 0 : i32
    %dma_start3A_98 = arith.constant 0 : i32
    %dma_start3A_99 = tpu.memref_slice %arg7[%dma_start3A_97, %dma_start3A_98] : memref<80x64xi32, #tpu.memory_space<vmem>> -> memref<1x64xi32, #tpu.memory_space<vmem>>
    %dma_start3A_100 = tpu.memref_squeeze %dma_start3A_99 : memref<1x64xi32, #tpu.memory_space<vmem>> -> memref<64xi32, #tpu.memory_space<vmem>>
    %dma_start3A_101 = arith.constant 0 : i32
    %dma_start3A_102 = arith.constant 0 : i32
    %dma_start3A_103 = tpu.memref_slice %arg2[%dma_start3A_101, %dma_start3A_102] : memref<10000x128xf32, #tpu.memory_space<hbm>> -> memref<10000x128xf32, #tpu.memory_space<hbm>>
    tpu.enqueue_indirect_dma source(%dma_start3A_103 : memref<10000x128xf32, #tpu.memory_space<hbm>>) target(%arg9 : memref<64x128xf32, #tpu.memory_space<vmem>>) offsets(%dma_start3A_100 : memref<64xi32, #tpu.memory_space<vmem>>) semaphore(%arg13 : memref<!tpu.dma_semaphore, #tpu.memory_space<semaphore_mem>>)
    %dma_start3A_104 = arith.constant 1 : i32
    %dma_start3A_105 = arith.constant 0 : i32
    %dma_start3A_106 = tpu.memref_slice %arg7[%dma_start3A_104, %dma_start3A_105] : memref<80x64xi32, #tpu.memory_space<vmem>> -> memref<1x64xi32, #tpu.memory_space<vmem>>
    %dma_start3A_107 = tpu.memref_squeeze %dma_start3A_106 : memref<1x64xi32, #tpu.memory_space<vmem>> -> memref<64xi32, #tpu.memory_space<vmem>>
    %dma_start3A_108 = arith.constant 0 : i32
    %dma_start3A_109 = arith.constant 0 : i32
    %dma_start3A_110 = tpu.memref_slice %arg2[%dma_start3A_108, %dma_start3A_109] : memref<10000x128xf32, #tpu.memory_space<hbm>> -> memref<10000x128xf32, #tpu.memory_space<hbm>>
    tpu.enqueue_indirect_dma source(%dma_start3A_110 : memref<10000x128xf32, #tpu.memory_space<hbm>>) target(%arg10 : memref<64x128xf32, #tpu.memory_space<vmem>>) offsets(%dma_start3A_107 : memref<64xi32, #tpu.memory_space<vmem>>) semaphore(%arg14 : memref<!tpu.dma_semaphore, #tpu.memory_space<semaphore_mem>>)
    %scan3A_111 = arith.constant 0 : i32
    %scan3A_112 = arith.constant 0 : i32
    %scan3A_113 = arith.constant 39 : i32
    %scan3A_114 = arith.addi %scan3A_112, %scan3A_113 : i32
    %scan3A_115 = arith.constant 1 : i32
    %scan3A_116 = scf.for %scan3A_165 = %scan3A_112 to %scan3A_114 step %scan3A_115 iter_args(%scan3A_166 = %scan3A_111) -> (i32)  : i32 {
      %mul3A_167 = arith.constant 2 : i32
      %mul3A_168 = arith.muli %mul3A_167, %scan3A_165 : i32
      %dma_wait3A_169 = arith.constant 0 : i32
      %dma_wait3A_170 = tpu.memref_slice %arg7[%mul3A_168, %dma_wait3A_169] : memref<80x64xi32, #tpu.memory_space<vmem>> -> memref<1x64xi32, #tpu.memory_space<vmem>>
      %dma_wait3A_171 = tpu.memref_squeeze %dma_wait3A_170 : memref<1x64xi32, #tpu.memory_space<vmem>> -> memref<64xi32, #tpu.memory_space<vmem>>
      %dma_wait3A_172 = arith.constant 0 : i32
      %dma_wait3A_173 = arith.constant 0 : i32
      %dma_wait3A_174 = tpu.memref_slice %arg2[%dma_wait3A_172, %dma_wait3A_173] : memref<10000x128xf32, #tpu.memory_space<hbm>> -> memref<10000x128xf32, #tpu.memory_space<hbm>>
      tpu.wait_indirect_dma semaphore(%arg13 : memref<!tpu.dma_semaphore, #tpu.memory_space<semaphore_mem>>) src(%dma_wait3A_174 : memref<10000x128xf32, #tpu.memory_space<hbm>>) dst(%arg9 : memref<64x128xf32, #tpu.memory_space<vmem>>)
      %dma_start3A_175 = arith.constant 0 : i32
      %dma_start3A_176 = tpu.memref_slice %arg8[%mul3A_168, %dma_start3A_175] : memref<80x64xi32, #tpu.memory_space<vmem>> -> memref<1x64xi32, #tpu.memory_space<vmem>>
      %dma_start3A_177 = tpu.memref_squeeze %dma_start3A_176 : memref<1x64xi32, #tpu.memory_space<vmem>> -> memref<64xi32, #tpu.memory_space<vmem>>
      %dma_start3A_178 = arith.constant 0 : i32
      %dma_start3A_179 = arith.constant 0 : i32
      %dma_start3A_180 = tpu.memref_slice %arg11[%dma_start3A_178, %dma_start3A_179] : memref<10240x128xf32, #tpu.memory_space<vmem_shared>> -> memref<10240x128xf32, #tpu.memory_space<vmem_shared>>
      tpu.enqueue_indirect_dma source(%arg9 : memref<64x128xf32, #tpu.memory_space<vmem>>) target(%dma_start3A_180 : memref<10240x128xf32, #tpu.memory_space<vmem_shared>>) offsets(%dma_start3A_177 : memref<64xi32, #tpu.memory_space<vmem>>) semaphore(%arg15 : memref<!tpu.dma_semaphore, #tpu.memory_space<semaphore_mem>>) {add = true}
      %add3A_181 = arith.constant 1 : i32
      %add3A_182 = arith.addi %mul3A_168, %add3A_181 : i32
      %dma_wait3A_183 = arith.constant 0 : i32
      %dma_wait3A_184 = tpu.memref_slice %arg7[%add3A_182, %dma_wait3A_183] : memref<80x64xi32, #tpu.memory_space<vmem>> -> memref<1x64xi32, #tpu.memory_space<vmem>>
      %dma_wait3A_185 = tpu.memref_squeeze %dma_wait3A_184 : memref<1x64xi32, #tpu.memory_space<vmem>> -> memref<64xi32, #tpu.memory_space<vmem>>
      %dma_wait3A_186 = arith.constant 0 : i32
      %dma_wait3A_187 = arith.constant 0 : i32
      %dma_wait3A_188 = tpu.memref_slice %arg2[%dma_wait3A_186, %dma_wait3A_187] : memref<10000x128xf32, #tpu.memory_space<hbm>> -> memref<10000x128xf32, #tpu.memory_space<hbm>>
      tpu.wait_indirect_dma semaphore(%arg14 : memref<!tpu.dma_semaphore, #tpu.memory_space<semaphore_mem>>) src(%dma_wait3A_188 : memref<10000x128xf32, #tpu.memory_space<hbm>>) dst(%arg10 : memref<64x128xf32, #tpu.memory_space<vmem>>)
      %add3A_189 = arith.constant 1 : i32
      %add3A_190 = arith.addi %mul3A_168, %add3A_189 : i32
      %dma_start3A_191 = arith.constant 0 : i32
      %dma_start3A_192 = tpu.memref_slice %arg8[%add3A_190, %dma_start3A_191] : memref<80x64xi32, #tpu.memory_space<vmem>> -> memref<1x64xi32, #tpu.memory_space<vmem>>
      %dma_start3A_193 = tpu.memref_squeeze %dma_start3A_192 : memref<1x64xi32, #tpu.memory_space<vmem>> -> memref<64xi32, #tpu.memory_space<vmem>>
      %dma_start3A_194 = arith.constant 0 : i32
      %dma_start3A_195 = arith.constant 0 : i32
      %dma_start3A_196 = tpu.memref_slice %arg11[%dma_start3A_194, %dma_start3A_195] : memref<10240x128xf32, #tpu.memory_space<vmem_shared>> -> memref<10240x128xf32, #tpu.memory_space<vmem_shared>>
      tpu.enqueue_indirect_dma source(%arg10 : memref<64x128xf32, #tpu.memory_space<vmem>>) target(%dma_start3A_196 : memref<10240x128xf32, #tpu.memory_space<vmem_shared>>) offsets(%dma_start3A_193 : memref<64xi32, #tpu.memory_space<vmem>>) semaphore(%arg16 : memref<!tpu.dma_semaphore, #tpu.memory_space<semaphore_mem>>) {add = true}
      %dma_wait3A_197 = arith.constant 0 : i32
      %dma_wait3A_198 = tpu.memref_slice %arg8[%mul3A_168, %dma_wait3A_197] : memref<80x64xi32, #tpu.memory_space<vmem>> -> memref<1x64xi32, #tpu.memory_space<vmem>>
      %dma_wait3A_199 = tpu.memref_squeeze %dma_wait3A_198 : memref<1x64xi32, #tpu.memory_space<vmem>> -> memref<64xi32, #tpu.memory_space<vmem>>
      %dma_wait3A_200 = arith.constant 0 : i32
      %dma_wait3A_201 = arith.constant 0 : i32
      %dma_wait3A_202 = tpu.memref_slice %arg11[%dma_wait3A_200, %dma_wait3A_201] : memref<10240x128xf32, #tpu.memory_space<vmem_shared>> -> memref<10240x128xf32, #tpu.memory_space<vmem_shared>>
      tpu.wait_indirect_dma semaphore(%arg15 : memref<!tpu.dma_semaphore, #tpu.memory_space<semaphore_mem>>) src(%arg9 : memref<64x128xf32, #tpu.memory_space<vmem>>) dst(%dma_wait3A_202 : memref<10240x128xf32, #tpu.memory_space<vmem_shared>>)
      %add3A_203 = arith.constant 2 : i32
      %add3A_204 = arith.addi %mul3A_168, %add3A_203 : i32
      %dma_start3A_205 = arith.constant 0 : i32
      %dma_start3A_206 = tpu.memref_slice %arg7[%add3A_204, %dma_start3A_205] : memref<80x64xi32, #tpu.memory_space<vmem>> -> memref<1x64xi32, #tpu.memory_space<vmem>>
      %dma_start3A_207 = tpu.memref_squeeze %dma_start3A_206 : memref<1x64xi32, #tpu.memory_space<vmem>> -> memref<64xi32, #tpu.memory_space<vmem>>
      %dma_start3A_208 = arith.constant 0 : i32
      %dma_start3A_209 = arith.constant 0 : i32
      %dma_start3A_210 = tpu.memref_slice %arg2[%dma_start3A_208, %dma_start3A_209] : memref<10000x128xf32, #tpu.memory_space<hbm>> -> memref<10000x128xf32, #tpu.memory_space<hbm>>
      tpu.enqueue_indirect_dma source(%dma_start3A_210 : memref<10000x128xf32, #tpu.memory_space<hbm>>) target(%arg9 : memref<64x128xf32, #tpu.memory_space<vmem>>) offsets(%dma_start3A_207 : memref<64xi32, #tpu.memory_space<vmem>>) semaphore(%arg13 : memref<!tpu.dma_semaphore, #tpu.memory_space<semaphore_mem>>)
      %add3A_211 = arith.constant 1 : i32
      %add3A_212 = arith.addi %mul3A_168, %add3A_211 : i32
      %dma_wait3A_213 = arith.constant 0 : i32
      %dma_wait3A_214 = tpu.memref_slice %arg8[%add3A_212, %dma_wait3A_213] : memref<80x64xi32, #tpu.memory_space<vmem>> -> memref<1x64xi32, #tpu.memory_space<vmem>>
      %dma_wait3A_215 = tpu.memref_squeeze %dma_wait3A_214 : memref<1x64xi32, #tpu.memory_space<vmem>> -> memref<64xi32, #tpu.memory_space<vmem>>
      %dma_wait3A_216 = arith.constant 0 : i32
      %dma_wait3A_217 = arith.constant 0 : i32
      %dma_wait3A_218 = tpu.memref_slice %arg11[%dma_wait3A_216, %dma_wait3A_217] : memref<10240x128xf32, #tpu.memory_space<vmem_shared>> -> memref<10240x128xf32, #tpu.memory_space<vmem_shared>>
      tpu.wait_indirect_dma semaphore(%arg16 : memref<!tpu.dma_semaphore, #tpu.memory_space<semaphore_mem>>) src(%arg10 : memref<64x128xf32, #tpu.memory_space<vmem>>) dst(%dma_wait3A_218 : memref<10240x128xf32, #tpu.memory_space<vmem_shared>>)
      %add3A_219 = arith.constant 3 : i32
      %add3A_220 = arith.addi %mul3A_168, %add3A_219 : i32
      %dma_start3A_221 = arith.constant 0 : i32
      %dma_start3A_222 = tpu.memref_slice %arg7[%add3A_220, %dma_start3A_221] : memref<80x64xi32, #tpu.memory_space<vmem>> -> memref<1x64xi32, #tpu.memory_space<vmem>>
      %dma_start3A_223 = tpu.memref_squeeze %dma_start3A_222 : memref<1x64xi32, #tpu.memory_space<vmem>> -> memref<64xi32, #tpu.memory_space<vmem>>
      %dma_start3A_224 = arith.constant 0 : i32
      %dma_start3A_225 = arith.constant 0 : i32
      %dma_start3A_226 = tpu.memref_slice %arg2[%dma_start3A_224, %dma_start3A_225] : memref<10000x128xf32, #tpu.memory_space<hbm>> -> memref<10000x128xf32, #tpu.memory_space<hbm>>
      tpu.enqueue_indirect_dma source(%dma_start3A_226 : memref<10000x128xf32, #tpu.memory_space<hbm>>) target(%arg10 : memref<64x128xf32, #tpu.memory_space<vmem>>) offsets(%dma_start3A_223 : memref<64xi32, #tpu.memory_space<vmem>>) semaphore(%arg14 : memref<!tpu.dma_semaphore, #tpu.memory_space<semaphore_mem>>)
      %scan3A_227 = arith.constant 0 : i32
      scf.yield %scan3A_227 : i32
    }
    %scan3A_117 = arith.constant 39 : i32
    %dma_wait3A_118 = arith.constant 78 : i32
    %dma_wait3A_119 = arith.constant 0 : i32
    %dma_wait3A_120 = tpu.memref_slice %arg7[%dma_wait3A_118, %dma_wait3A_119] : memref<80x64xi32, #tpu.memory_space<vmem>> -> memref<1x64xi32, #tpu.memory_space<vmem>>
    %dma_wait3A_121 = tpu.memref_squeeze %dma_wait3A_120 : memref<1x64xi32, #tpu.memory_space<vmem>> -> memref<64xi32, #tpu.memory_space<vmem>>
    %dma_wait3A_122 = arith.constant 0 : i32
    %dma_wait3A_123 = arith.constant 0 : i32
    %dma_wait3A_124 = tpu.memref_slice %arg2[%dma_wait3A_122, %dma_wait3A_123] : memref<10000x128xf32, #tpu.memory_space<hbm>> -> memref<10000x128xf32, #tpu.memory_space<hbm>>
    tpu.wait_indirect_dma semaphore(%arg13 : memref<!tpu.dma_semaphore, #tpu.memory_space<semaphore_mem>>) src(%dma_wait3A_124 : memref<10000x128xf32, #tpu.memory_space<hbm>>) dst(%arg9 : memref<64x128xf32, #tpu.memory_space<vmem>>)
    %dma_start3A_125 = arith.constant 78 : i32
    %dma_start3A_126 = arith.constant 0 : i32
    %dma_start3A_127 = tpu.memref_slice %arg8[%dma_start3A_125, %dma_start3A_126] : memref<80x64xi32, #tpu.memory_space<vmem>> -> memref<1x64xi32, #tpu.memory_space<vmem>>
    %dma_start3A_128 = tpu.memref_squeeze %dma_start3A_127 : memref<1x64xi32, #tpu.memory_space<vmem>> -> memref<64xi32, #tpu.memory_space<vmem>>
    %dma_start3A_129 = arith.constant 0 : i32
    %dma_start3A_130 = arith.constant 0 : i32
    %dma_start3A_131 = tpu.memref_slice %arg11[%dma_start3A_129, %dma_start3A_130] : memref<10240x128xf32, #tpu.memory_space<vmem_shared>> -> memref<10240x128xf32, #tpu.memory_space<vmem_shared>>
    tpu.enqueue_indirect_dma source(%arg9 : memref<64x128xf32, #tpu.memory_space<vmem>>) target(%dma_start3A_131 : memref<10240x128xf32, #tpu.memory_space<vmem_shared>>) offsets(%dma_start3A_128 : memref<64xi32, #tpu.memory_space<vmem>>) semaphore(%arg15 : memref<!tpu.dma_semaphore, #tpu.memory_space<semaphore_mem>>) {add = true}
    %dma_wait3A_132 = arith.constant 79 : i32
    %dma_wait3A_133 = arith.constant 0 : i32
    %dma_wait3A_134 = tpu.memref_slice %arg7[%dma_wait3A_132, %dma_wait3A_133] : memref<80x64xi32, #tpu.memory_space<vmem>> -> memref<1x64xi32, #tpu.memory_space<vmem>>
    %dma_wait3A_135 = tpu.memref_squeeze %dma_wait3A_134 : memref<1x64xi32, #tpu.memory_space<vmem>> -> memref<64xi32, #tpu.memory_space<vmem>>
    %dma_wait3A_136 = arith.constant 0 : i32
    %dma_wait3A_137 = arith.constant 0 : i32
    %dma_wait3A_138 = tpu.memref_slice %arg2[%dma_wait3A_136, %dma_wait3A_137] : memref<10000x128xf32, #tpu.memory_space<hbm>> -> memref<10000x128xf32, #tpu.memory_space<hbm>>
    tpu.wait_indirect_dma semaphore(%arg14 : memref<!tpu.dma_semaphore, #tpu.memory_space<semaphore_mem>>) src(%dma_wait3A_138 : memref<10000x128xf32, #tpu.memory_space<hbm>>) dst(%arg10 : memref<64x128xf32, #tpu.memory_space<vmem>>)
    %dma_start3A_139 = arith.constant 79 : i32
    %dma_start3A_140 = arith.constant 0 : i32
    %dma_start3A_141 = tpu.memref_slice %arg8[%dma_start3A_139, %dma_start3A_140] : memref<80x64xi32, #tpu.memory_space<vmem>> -> memref<1x64xi32, #tpu.memory_space<vmem>>
    %dma_start3A_142 = tpu.memref_squeeze %dma_start3A_141 : memref<1x64xi32, #tpu.memory_space<vmem>> -> memref<64xi32, #tpu.memory_space<vmem>>
    %dma_start3A_143 = arith.constant 0 : i32
    %dma_start3A_144 = arith.constant 0 : i32
    %dma_start3A_145 = tpu.memref_slice %arg11[%dma_start3A_143, %dma_start3A_144] : memref<10240x128xf32, #tpu.memory_space<vmem_shared>> -> memref<10240x128xf32, #tpu.memory_space<vmem_shared>>
    tpu.enqueue_indirect_dma source(%arg10 : memref<64x128xf32, #tpu.memory_space<vmem>>) target(%dma_start3A_145 : memref<10240x128xf32, #tpu.memory_space<vmem_shared>>) offsets(%dma_start3A_142 : memref<64xi32, #tpu.memory_space<vmem>>) semaphore(%arg16 : memref<!tpu.dma_semaphore, #tpu.memory_space<semaphore_mem>>) {add = true}
    %dma_wait3A_146 = arith.constant 78 : i32
    %dma_wait3A_147 = arith.constant 0 : i32
    %dma_wait3A_148 = tpu.memref_slice %arg8[%dma_wait3A_146, %dma_wait3A_147] : memref<80x64xi32, #tpu.memory_space<vmem>> -> memref<1x64xi32, #tpu.memory_space<vmem>>
    %dma_wait3A_149 = tpu.memref_squeeze %dma_wait3A_148 : memref<1x64xi32, #tpu.memory_space<vmem>> -> memref<64xi32, #tpu.memory_space<vmem>>
    %dma_wait3A_150 = arith.constant 0 : i32
    %dma_wait3A_151 = arith.constant 0 : i32
    %dma_wait3A_152 = tpu.memref_slice %arg11[%dma_wait3A_150, %dma_wait3A_151] : memref<10240x128xf32, #tpu.memory_space<vmem_shared>> -> memref<10240x128xf32, #tpu.memory_space<vmem_shared>>
    tpu.wait_indirect_dma semaphore(%arg15 : memref<!tpu.dma_semaphore, #tpu.memory_space<semaphore_mem>>) src(%arg9 : memref<64x128xf32, #tpu.memory_space<vmem>>) dst(%dma_wait3A_152 : memref<10240x128xf32, #tpu.memory_space<vmem_shared>>)
    %dma_wait3A_153 = arith.constant 79 : i32
    %dma_wait3A_154 = arith.constant 0 : i32
    %dma_wait3A_155 = tpu.memref_slice %arg8[%dma_wait3A_153, %dma_wait3A_154] : memref<80x64xi32, #tpu.memory_space<vmem>> -> memref<1x64xi32, #tpu.memory_space<vmem>>
    %dma_wait3A_156 = tpu.memref_squeeze %dma_wait3A_155 : memref<1x64xi32, #tpu.memory_space<vmem>> -> memref<64xi32, #tpu.memory_space<vmem>>
    %dma_wait3A_157 = arith.constant 0 : i32
    %dma_wait3A_158 = arith.constant 0 : i32
    %dma_wait3A_159 = tpu.memref_slice %arg11[%dma_wait3A_157, %dma_wait3A_158] : memref<10240x128xf32, #tpu.memory_space<vmem_shared>> -> memref<10240x128xf32, #tpu.memory_space<vmem_shared>>
    tpu.wait_indirect_dma semaphore(%arg16 : memref<!tpu.dma_semaphore, #tpu.memory_space<semaphore_mem>>) src(%arg10 : memref<64x128xf32, #tpu.memory_space<vmem>>) dst(%dma_wait3A_159 : memref<10240x128xf32, #tpu.memory_space<vmem_shared>>)
    %barrier3A_160 = arith.constant 0 : index
    tpu.barrier barrier_id(%barrier3A_160)
    %mul3A_161 = arith.constant 640 : i32
    %mul3A_162 = arith.muli %arg1, %mul3A_161 : i32
    %mul3A_163 = arith.constant 640 : i32
    %mul3A_164 = arith.muli %arg1, %mul3A_163 : i32
    "tpu.region"() ({
      %run_scoped3A = tpu.sem_alloc : memref<!tpu.dma_semaphore, #tpu.memory_space<semaphore_mem>>
      %dma_start3A_165 = arith.constant 0 : i32
      %dma_start3A_166 = tpu.memref_slice %arg6[%arg0, %mul3A_164, %dma_start3A_165] : memref<2x10240x128xf32, #tpu.memory_space<hbm>> -> memref<1x640x128xf32, #tpu.memory_space<hbm>>
      %dma_start3A_167 = tpu.memref_squeeze %dma_start3A_166 : memref<1x640x128xf32, #tpu.memory_space<hbm>> -> memref<640x128xf32, #tpu.memory_space<hbm>>
      %dma_start3A_168 = arith.constant 0 : i32
      %dma_start3A_169 = tpu.memref_slice %arg11[%mul3A_162, %dma_start3A_168] : memref<10240x128xf32, #tpu.memory_space<vmem_shared>> -> memref<640x128xf32, #tpu.memory_space<vmem_shared>>
      tpu.enqueue_dma source(%dma_start3A_169 : memref<640x128xf32, #tpu.memory_space<vmem_shared>>) target(%dma_start3A_167 : memref<640x128xf32, #tpu.memory_space<hbm>>) target_semaphore(%run_scoped3A : memref<!tpu.dma_semaphore, #tpu.memory_space<semaphore_mem>>)
      %dma_wait3A_170 = arith.constant 0 : i32
      %dma_wait3A_171 = tpu.memref_slice %arg6[%arg0, %mul3A_164, %dma_wait3A_170] : memref<2x10240x128xf32, #tpu.memory_space<hbm>> -> memref<1x640x128xf32, #tpu.memory_space<hbm>>
      %dma_wait3A_172 = tpu.memref_squeeze %dma_wait3A_171 : memref<1x640x128xf32, #tpu.memory_space<hbm>> -> memref<640x128xf32, #tpu.memory_space<hbm>>
      %dma_wait3A_173 = arith.constant 0 : i32
      %dma_wait3A_174 = tpu.memref_slice %arg11[%mul3A_162, %dma_wait3A_173] : memref<10240x128xf32, #tpu.memory_space<vmem_shared>> -> memref<640x128xf32, #tpu.memory_space<vmem_shared>>
      tpu.wait_dma2 semaphore(%run_scoped3A : memref<!tpu.dma_semaphore, #tpu.memory_space<semaphore_mem>>) src(%dma_wait3A_174 : memref<640x128xf32, #tpu.memory_space<vmem_shared>>) dst(%dma_wait3A_172 : memref<640x128xf32, #tpu.memory_space<hbm>>)
      tpu.yield
    }) : () -> ()
    return
  }
}

module attributes {stable_mosaic.version = 14 : i64} {
  func.func @_pre_body(%arg0: memref<10000x128xf32, #tpu.memory_space<vmem>>, %arg1: memref<2x10000x1xf32, #tpu.memory_space<vmem>>, %arg2: memref<128xf32, #tpu.memory_space<vmem>>, %arg3: memref<128xf32, #tpu.memory_space<vmem>>, %arg4: memref<10000x128xf32, #tpu.memory_space<vmem>>) attributes {dimension_semantics = [], scalar_prefetch = 0 : i64, scratch_operands = 0 : i64, tpu.core_type = #tpu.core_type<tc>} {
    %get3A = arith.constant 0 : index
    %get3A_0 = arith.constant 0 : index
    %get3A_1 = vector.load %arg0[%get3A, %get3A_0] : memref<10000x128xf32, #tpu.memory_space<vmem>>, vector<10000x128xf32>
    %reduce_sum3A = arith.constant dense<0.000000e+00> : vector<128xf32>
    %reduce_sum3A_2 = vector.multi_reduction <add>, %get3A_1, %reduce_sum3A [0] : vector<10000x128xf32> to vector<128xf32>
    %broadcast_in_dim3A = vector.shape_cast %reduce_sum3A_2 : vector<128xf32> to vector<1x128xf32>
    %div3A = arith.constant 1.000000e+04 : f32
    %div3A_3 = vector.broadcast %div3A : f32 to vector<1x128xf32>
    %div3A_4 = arith.divf %broadcast_in_dim3A, %div3A_3 : vector<1x128xf32>
    %sub3A = vector.broadcast %div3A_4 : vector<1x128xf32> to vector<10000x128xf32>
    %sub3A_5 = arith.subf %get3A_1, %sub3A : vector<10000x128xf32>
    %integer_pow3A = arith.mulf %sub3A_5, %sub3A_5 : vector<10000x128xf32>
    %reduce_sum3A_6 = arith.constant dense<0.000000e+00> : vector<128xf32>
    %reduce_sum3A_7 = vector.multi_reduction <add>, %integer_pow3A, %reduce_sum3A_6 [0] : vector<10000x128xf32> to vector<128xf32>
    %broadcast_in_dim3A_8 = vector.shape_cast %reduce_sum3A_7 : vector<128xf32> to vector<1x128xf32>
    %div3A_9 = arith.constant 1.000000e+04 : f32
    %div3A_10 = vector.broadcast %div3A_9 : f32 to vector<1x128xf32>
    %div3A_11 = arith.divf %broadcast_in_dim3A_8, %div3A_10 : vector<1x128xf32>
    %get3A_12 = arith.constant 0 : index
    %get3A_13 = vector.load %arg2[%get3A_12] : memref<128xf32, #tpu.memory_space<vmem>>, vector<128xf32>
    %sub3A_14 = vector.broadcast %div3A_4 : vector<1x128xf32> to vector<10000x128xf32>
    %sub3A_15 = arith.subf %get3A_1, %sub3A_14 : vector<10000x128xf32>
    %broadcast_in_dim3A_16 = vector.shape_cast %get3A_13 : vector<128xf32> to vector<1x128xf32>
    %mul3A = vector.broadcast %broadcast_in_dim3A_16 : vector<1x128xf32> to vector<10000x128xf32>
    %mul3A_17 = arith.mulf %mul3A, %sub3A_15 : vector<10000x128xf32>
    %add3A = arith.constant 9.99999974E-6 : f32
    %add3A_18 = vector.broadcast %add3A : f32 to vector<1x128xf32>
    %add3A_19 = arith.addf %div3A_11, %add3A_18 : vector<1x128xf32>
    %rsqrt3A = math.rsqrt %add3A_19 : vector<1x128xf32>
    %mul3A_20 = vector.broadcast %rsqrt3A : vector<1x128xf32> to vector<10000x128xf32>
    %mul3A_21 = arith.mulf %mul3A_17, %mul3A_20 : vector<10000x128xf32>
    %get3A_22 = arith.constant 0 : index
    %get3A_23 = vector.load %arg3[%get3A_22] : memref<128xf32, #tpu.memory_space<vmem>>, vector<128xf32>
    %broadcast_in_dim3A_24 = vector.shape_cast %get3A_23 : vector<128xf32> to vector<1x128xf32>
    %add3A_25 = vector.broadcast %broadcast_in_dim3A_24 : vector<1x128xf32> to vector<10000x128xf32>
    %add3A_26 = arith.addf %mul3A_21, %add3A_25 : vector<10000x128xf32>
    %get3A_27 = arith.constant 0 : index
    %get3A_28 = arith.constant 0 : index
    %get3A_29 = arith.constant 0 : index
    %get3A_30 = vector.load %arg1[%get3A_27, %get3A_28, %get3A_29] : memref<2x10000x1xf32, #tpu.memory_space<vmem>>, vector<2x10000x1xf32>
    %slice3A = vector.extract_strided_slice %get3A_30 {offsets = [0, 0, 0], sizes = [1, 10000, 1], strides = [1, 1, 1]} : vector<2x10000x1xf32> to vector<1x10000x1xf32>
    %squeeze3A = vector.shape_cast %slice3A : vector<1x10000x1xf32> to vector<10000x1xf32>
    %slice3A_31 = vector.extract_strided_slice %get3A_30 {offsets = [1, 0, 0], sizes = [1, 10000, 1], strides = [1, 1, 1]} : vector<2x10000x1xf32> to vector<1x10000x1xf32>
    %squeeze3A_32 = vector.shape_cast %slice3A_31 : vector<1x10000x1xf32> to vector<10000x1xf32>
    %add3A_33 = arith.addf %squeeze3A, %squeeze3A_32 : vector<10000x1xf32>
    %add3A_34 = arith.constant 1.000000e+00 : f32
    %add3A_35 = vector.broadcast %add3A_34 : f32 to vector<10000x1xf32>
    %add3A_36 = arith.addf %add3A_33, %add3A_35 : vector<10000x1xf32>
    %rsqrt3A_37 = math.rsqrt %add3A_36 : vector<10000x1xf32>
    %mul3A_38 = vector.broadcast %rsqrt3A_37 : vector<10000x1xf32> to vector<10000x128xf32>
    %mul3A_39 = arith.mulf %add3A_26, %mul3A_38 : vector<10000x128xf32>
    %swap3A = arith.constant 0 : index
    %swap3A_40 = arith.constant 0 : index
    %swap3A_41 = vector.load %arg4[%swap3A, %swap3A_40] : memref<10000x128xf32, #tpu.memory_space<vmem>>, vector<10000x128xf32>
    tpu.vector_store %arg4[%swap3A, %swap3A_40], %mul3A_39 {strides = array<i32>} : memref<10000x128xf32, #tpu.memory_space<vmem>>, vector<10000x128xf32>,
    return
  }
}

module attributes {stable_mosaic.version = 14 : i64} {
  func.func @_mid_body(%arg0: memref<2x10240x128xf32, #tpu.memory_space<vmem>>, %arg1: memref<10000x128xf32, #tpu.memory_space<vmem>>, %arg2: memref<2x10000x1xf32, #tpu.memory_space<vmem>>, %arg3: memref<128x256xf32, #tpu.memory_space<vmem>>, %arg4: memref<256xf32, #tpu.memory_space<vmem>>, %arg5: memref<256xf32, #tpu.memory_space<vmem>>, %arg6: memref<256xf32, #tpu.memory_space<vmem>>, %arg7: memref<256x128xf32, #tpu.memory_space<vmem>>, %arg8: memref<10000x128xf32, #tpu.memory_space<vmem>>) attributes {dimension_semantics = [], scalar_prefetch = 0 : i64, scratch_operands = 0 : i64, tpu.core_type = #tpu.core_type<tc>} {
    %get3A = arith.constant 0 : index
    %get3A_0 = arith.constant 0 : index
    %get3A_1 = arith.constant 0 : index
    %get3A_2 = vector.load %arg0[%get3A, %get3A_0, %get3A_1] : memref<2x10240x128xf32, #tpu.memory_space<vmem>>, vector<2x10240x128xf32>
    %get3A_3 = arith.constant 0 : index
    %get3A_4 = arith.constant 0 : index
    %get3A_5 = arith.constant 0 : index
    %get3A_6 = vector.load %arg2[%get3A_3, %get3A_4, %get3A_5] : memref<2x10000x1xf32, #tpu.memory_space<vmem>>, vector<2x10000x1xf32>
    %slice3A = vector.extract_strided_slice %get3A_6 {offsets = [0, 0, 0], sizes = [1, 10000, 1], strides = [1, 1, 1]} : vector<2x10000x1xf32> to vector<1x10000x1xf32>
    %squeeze3A = vector.shape_cast %slice3A : vector<1x10000x1xf32> to vector<10000x1xf32>
    %slice3A_7 = vector.extract_strided_slice %get3A_6 {offsets = [1, 0, 0], sizes = [1, 10000, 1], strides = [1, 1, 1]} : vector<2x10000x1xf32> to vector<1x10000x1xf32>
    %squeeze3A_8 = vector.shape_cast %slice3A_7 : vector<1x10000x1xf32> to vector<10000x1xf32>
    %add3A = arith.addf %squeeze3A, %squeeze3A_8 : vector<10000x1xf32>
    %add3A_9 = arith.constant 1.000000e+00 : f32
    %add3A_10 = vector.broadcast %add3A_9 : f32 to vector<10000x1xf32>
    %add3A_11 = arith.addf %add3A, %add3A_10 : vector<10000x1xf32>
    %rsqrt3A = math.rsqrt %add3A_11 : vector<10000x1xf32>
    %slice3A_12 = vector.extract_strided_slice %get3A_2 {offsets = [0, 0, 0], sizes = [1, 10000, 128], strides = [1, 1, 1]} : vector<2x10240x128xf32> to vector<1x10000x128xf32>
    %squeeze3A_13 = vector.shape_cast %slice3A_12 : vector<1x10000x128xf32> to vector<10000x128xf32>
    %slice3A_14 = vector.extract_strided_slice %get3A_2 {offsets = [1, 0, 0], sizes = [1, 10000, 128], strides = [1, 1, 1]} : vector<2x10240x128xf32> to vector<1x10000x128xf32>
    %squeeze3A_15 = vector.shape_cast %slice3A_14 : vector<1x10000x128xf32> to vector<10000x128xf32>
    %add3A_16 = arith.addf %squeeze3A_13, %squeeze3A_15 : vector<10000x128xf32>
    %get3A_17 = arith.constant 0 : index
    %get3A_18 = arith.constant 0 : index
    %get3A_19 = vector.load %arg1[%get3A_17, %get3A_18] : memref<10000x128xf32, #tpu.memory_space<vmem>>, vector<10000x128xf32>
    %add3A_20 = arith.addf %add3A_16, %get3A_19 : vector<10000x128xf32>
    %mul3A = vector.broadcast %rsqrt3A : vector<10000x1xf32> to vector<10000x128xf32>
    %mul3A_21 = arith.mulf %add3A_20, %mul3A : vector<10000x128xf32>
    %get3A_22 = arith.constant 0 : index
    %get3A_23 = arith.constant 0 : index
    %get3A_24 = vector.load %arg3[%get3A_22, %get3A_23] : memref<128x256xf32, #tpu.memory_space<vmem>>, vector<128x256xf32>
    %dot_general3A = arith.constant dense<0.000000e+00> : vector<10000x256xf32>
    %dot_general3A_25 = tpu.matmul %mul3A_21, %get3A_24, %dot_general3A {dimension_numbers = #tpu.dot_dimension_numbers<[1], [0], [0], [1], [0, 0, 1, 1], [], []>, transpose_lhs_hint = false} : vector<10000x128xf32>, vector<128x256xf32>, vector<10000x256xf32> -> vector<10000x256xf32>
    %get3A_26 = arith.constant 0 : index
    %get3A_27 = vector.load %arg4[%get3A_26] : memref<256xf32, #tpu.memory_space<vmem>>, vector<256xf32>
    %broadcast_in_dim3A = vector.shape_cast %get3A_27 : vector<256xf32> to vector<1x256xf32>
    %add3A_28 = vector.broadcast %broadcast_in_dim3A : vector<1x256xf32> to vector<10000x256xf32>
    %add3A_29 = arith.addf %dot_general3A_25, %add3A_28 : vector<10000x256xf32>
    %ge3A = arith.constant 0.000000e+00 : f32
    %ge3A_30 = vector.broadcast %ge3A : f32 to vector<10000x256xf32>
    %ge3A_31 = arith.cmpf oge, %add3A_29, %ge3A_30 : vector<10000x256xf32>
    %mul3A_32 = arith.constant 0.00999999977 : f32
    %mul3A_33 = vector.broadcast %mul3A_32 : f32 to vector<10000x256xf32>
    %mul3A_34 = arith.mulf %mul3A_33, %add3A_29 : vector<10000x256xf32>
    %select_n3A = arith.select %ge3A_31, %add3A_29, %mul3A_34 : vector<10000x256xi1>, vector<10000x256xf32>
    %reduce_sum3A = arith.constant dense<0.000000e+00> : vector<256xf32>
    %reduce_sum3A_35 = vector.multi_reduction <add>, %select_n3A, %reduce_sum3A [0] : vector<10000x256xf32> to vector<256xf32>
    %broadcast_in_dim3A_36 = vector.shape_cast %reduce_sum3A_35 : vector<256xf32> to vector<1x256xf32>
    %div3A = arith.constant 1.000000e+04 : f32
    %div3A_37 = vector.broadcast %div3A : f32 to vector<1x256xf32>
    %div3A_38 = arith.divf %broadcast_in_dim3A_36, %div3A_37 : vector<1x256xf32>
    %sub3A = vector.broadcast %div3A_38 : vector<1x256xf32> to vector<10000x256xf32>
    %sub3A_39 = arith.subf %select_n3A, %sub3A : vector<10000x256xf32>
    %integer_pow3A = arith.mulf %sub3A_39, %sub3A_39 : vector<10000x256xf32>
    %reduce_sum3A_40 = arith.constant dense<0.000000e+00> : vector<256xf32>
    %reduce_sum3A_41 = vector.multi_reduction <add>, %integer_pow3A, %reduce_sum3A_40 [0] : vector<10000x256xf32> to vector<256xf32>
    %broadcast_in_dim3A_42 = vector.shape_cast %reduce_sum3A_41 : vector<256xf32> to vector<1x256xf32>
    %div3A_43 = arith.constant 1.000000e+04 : f32
    %div3A_44 = vector.broadcast %div3A_43 : f32 to vector<1x256xf32>
    %div3A_45 = arith.divf %broadcast_in_dim3A_42, %div3A_44 : vector<1x256xf32>
    %get3A_46 = arith.constant 0 : index
    %get3A_47 = vector.load %arg5[%get3A_46] : memref<256xf32, #tpu.memory_space<vmem>>, vector<256xf32>
    %sub3A_48 = vector.broadcast %div3A_38 : vector<1x256xf32> to vector<10000x256xf32>
    %sub3A_49 = arith.subf %select_n3A, %sub3A_48 : vector<10000x256xf32>
    %broadcast_in_dim3A_50 = vector.shape_cast %get3A_47 : vector<256xf32> to vector<1x256xf32>
    %mul3A_51 = vector.broadcast %broadcast_in_dim3A_50 : vector<1x256xf32> to vector<10000x256xf32>
    %mul3A_52 = arith.mulf %mul3A_51, %sub3A_49 : vector<10000x256xf32>
    %add3A_53 = arith.constant 9.99999974E-6 : f32
    %add3A_54 = vector.broadcast %add3A_53 : f32 to vector<1x256xf32>
    %add3A_55 = arith.addf %div3A_45, %add3A_54 : vector<1x256xf32>
    %rsqrt3A_56 = math.rsqrt %add3A_55 : vector<1x256xf32>
    %mul3A_57 = vector.broadcast %rsqrt3A_56 : vector<1x256xf32> to vector<10000x256xf32>
    %mul3A_58 = arith.mulf %mul3A_52, %mul3A_57 : vector<10000x256xf32>
    %get3A_59 = arith.constant 0 : index
    %get3A_60 = vector.load %arg6[%get3A_59] : memref<256xf32, #tpu.memory_space<vmem>>, vector<256xf32>
    %broadcast_in_dim3A_61 = vector.shape_cast %get3A_60 : vector<256xf32> to vector<1x256xf32>
    %add3A_62 = vector.broadcast %broadcast_in_dim3A_61 : vector<1x256xf32> to vector<10000x256xf32>
    %add3A_63 = arith.addf %mul3A_58, %add3A_62 : vector<10000x256xf32>
    %get3A_64 = arith.constant 0 : index
    %get3A_65 = arith.constant 0 : index
    %get3A_66 = vector.load %arg7[%get3A_64, %get3A_65] : memref<256x128xf32, #tpu.memory_space<vmem>>, vector<256x128xf32>
    %dot_general3A_67 = arith.constant dense<0.000000e+00> : vector<10000x128xf32>
    %dot_general3A_68 = tpu.matmul %add3A_63, %get3A_66, %dot_general3A_67 {dimension_numbers = #tpu.dot_dimension_numbers<[1], [0], [0], [1], [0, 0, 1, 1], [], []>, transpose_lhs_hint = false} : vector<10000x256xf32>, vector<256x128xf32>, vector<10000x128xf32> -> vector<10000x128xf32>
    %mul3A_69 = vector.broadcast %rsqrt3A : vector<10000x1xf32> to vector<10000x128xf32>
    %mul3A_70 = arith.mulf %dot_general3A_68, %mul3A_69 : vector<10000x128xf32>
    %swap3A = arith.constant 0 : index
    %swap3A_71 = arith.constant 0 : index
    %swap3A_72 = vector.load %arg8[%swap3A, %swap3A_71] : memref<10000x128xf32, #tpu.memory_space<vmem>>, vector<10000x128xf32>
    tpu.vector_store %arg8[%swap3A, %swap3A_71], %mul3A_70 {strides = array<i32>} : memref<10000x128xf32, #tpu.memory_space<vmem>>, vector<10000x128xf32>,
    return
  }
}

module attributes {stable_mosaic.version = 14 : i64} {
  func.func @_post_body(%arg0: memref<2x10240x128xf32, #tpu.memory_space<vmem>>, %arg1: memref<10000x128xf32, #tpu.memory_space<vmem>>, %arg2: memref<2x10000x1xf32, #tpu.memory_space<vmem>>, %arg3: memref<128xf32, #tpu.memory_space<vmem>>, %arg4: memref<10000x128xf32, #tpu.memory_space<vmem>>) attributes {dimension_semantics = [], scalar_prefetch = 0 : i64, scratch_operands = 0 : i64, tpu.core_type = #tpu.core_type<tc>} {
    %get3A = arith.constant 0 : index
    %get3A_0 = arith.constant 0 : index
    %get3A_1 = arith.constant 0 : index
    %get3A_2 = vector.load %arg0[%get3A, %get3A_0, %get3A_1] : memref<2x10240x128xf32, #tpu.memory_space<vmem>>, vector<2x10240x128xf32>
    %get3A_3 = arith.constant 0 : index
    %get3A_4 = arith.constant 0 : index
    %get3A_5 = arith.constant 0 : index
    %get3A_6 = vector.load %arg2[%get3A_3, %get3A_4, %get3A_5] : memref<2x10000x1xf32, #tpu.memory_space<vmem>>, vector<2x10000x1xf32>
    %slice3A = vector.extract_strided_slice %get3A_6 {offsets = [0, 0, 0], sizes = [1, 10000, 1], strides = [1, 1, 1]} : vector<2x10000x1xf32> to vector<1x10000x1xf32>
    %squeeze3A = vector.shape_cast %slice3A : vector<1x10000x1xf32> to vector<10000x1xf32>
    %slice3A_7 = vector.extract_strided_slice %get3A_6 {offsets = [1, 0, 0], sizes = [1, 10000, 1], strides = [1, 1, 1]} : vector<2x10000x1xf32> to vector<1x10000x1xf32>
    %squeeze3A_8 = vector.shape_cast %slice3A_7 : vector<1x10000x1xf32> to vector<10000x1xf32>
    %add3A = arith.addf %squeeze3A, %squeeze3A_8 : vector<10000x1xf32>
    %add3A_9 = arith.constant 1.000000e+00 : f32
    %add3A_10 = vector.broadcast %add3A_9 : f32 to vector<10000x1xf32>
    %add3A_11 = arith.addf %add3A, %add3A_10 : vector<10000x1xf32>
    %rsqrt3A = math.rsqrt %add3A_11 : vector<10000x1xf32>
    %slice3A_12 = vector.extract_strided_slice %get3A_2 {offsets = [0, 0, 0], sizes = [1, 10000, 128], strides = [1, 1, 1]} : vector<2x10240x128xf32> to vector<1x10000x128xf32>
    %squeeze3A_13 = vector.shape_cast %slice3A_12 : vector<1x10000x128xf32> to vector<10000x128xf32>
    %slice3A_14 = vector.extract_strided_slice %get3A_2 {offsets = [1, 0, 0], sizes = [1, 10000, 128], strides = [1, 1, 1]} : vector<2x10240x128xf32> to vector<1x10000x128xf32>
    %squeeze3A_15 = vector.shape_cast %slice3A_14 : vector<1x10000x128xf32> to vector<10000x128xf32>
    %add3A_16 = arith.addf %squeeze3A_13, %squeeze3A_15 : vector<10000x128xf32>
    %get3A_17 = arith.constant 0 : index
    %get3A_18 = arith.constant 0 : index
    %get3A_19 = vector.load %arg1[%get3A_17, %get3A_18] : memref<10000x128xf32, #tpu.memory_space<vmem>>, vector<10000x128xf32>
    %add3A_20 = arith.addf %add3A_16, %get3A_19 : vector<10000x128xf32>
    %mul3A = vector.broadcast %rsqrt3A : vector<10000x1xf32> to vector<10000x128xf32>
    %mul3A_21 = arith.mulf %add3A_20, %mul3A : vector<10000x128xf32>
    %get3A_22 = arith.constant 0 : index
    %get3A_23 = vector.load %arg3[%get3A_22] : memref<128xf32, #tpu.memory_space<vmem>>, vector<128xf32>
    %broadcast_in_dim3A = vector.shape_cast %get3A_23 : vector<128xf32> to vector<1x128xf32>
    %add3A_24 = vector.broadcast %broadcast_in_dim3A : vector<1x128xf32> to vector<10000x128xf32>
    %add3A_25 = arith.addf %mul3A_21, %add3A_24 : vector<10000x128xf32>
    %ge3A = arith.constant 0.000000e+00 : f32
    %ge3A_26 = vector.broadcast %ge3A : f32 to vector<10000x128xf32>
    %ge3A_27 = arith.cmpf oge, %add3A_25, %ge3A_26 : vector<10000x128xf32>
    %mul3A_28 = arith.constant 0.00999999977 : f32
    %mul3A_29 = vector.broadcast %mul3A_28 : f32 to vector<10000x128xf32>
    %mul3A_30 = arith.mulf %mul3A_29, %add3A_25 : vector<10000x128xf32>
    %select_n3A = arith.select %ge3A_27, %add3A_25, %mul3A_30 : vector<10000x128xi1>, vector<10000x128xf32>
    %reduce_max3A = arith.constant dense<0xFF800000> : vector<10000xf32>
    %reduce_max3A_31 = vector.multi_reduction <maximumf>, %select_n3A, %reduce_max3A [1] : vector<10000x128xf32> to vector<10000xf32>
    %broadcast_in_dim3A_32 = vector.shape_cast %reduce_max3A_31 : vector<10000xf32> to vector<10000x1xf32>
    %sub3A = vector.broadcast %broadcast_in_dim3A_32 : vector<10000x1xf32> to vector<10000x128xf32>
    %sub3A_33 = arith.subf %select_n3A, %sub3A : vector<10000x128xf32>
    %exp3A = math.exp %sub3A_33 : vector<10000x128xf32>
    %reduce_sum3A = arith.constant dense<0.000000e+00> : vector<10000xf32>
    %reduce_sum3A_34 = vector.multi_reduction <add>, %exp3A, %reduce_sum3A [1] : vector<10000x128xf32> to vector<10000xf32>
    %broadcast_in_dim3A_35 = vector.shape_cast %reduce_sum3A_34 : vector<10000xf32> to vector<10000x1xf32>
    %div3A = vector.broadcast %broadcast_in_dim3A_35 : vector<10000x1xf32> to vector<10000x128xf32>
    %div3A_36 = arith.divf %exp3A, %div3A : vector<10000x128xf32>
    %swap3A = arith.constant 0 : index
    %swap3A_37 = arith.constant 0 : index
    %swap3A_38 = vector.load %arg4[%swap3A, %swap3A_37] : memref<10000x128xf32, #tpu.memory_space<vmem>>, vector<10000x128xf32>
    tpu.vector_store %arg4[%swap3A, %swap3A_37], %div3A_36 {strides = array<i32>} : memref<10000x128xf32, #tpu.memory_space<vmem>>, vector<10000x128xf32>,
    return
  }
}

</mosaic_0001>

<sc_bundles>
// kernel: kernel.11.cloned.1.call-start
scs
__scs_entry_jumppad:
0x0: {  	(pc) =	sbr.rel $0x88, $3  }
0x1: {  	(tag) =	ssettag $0x0;
	lr =	simm.s32 $0x1  }
0x2: {  	[smem:$0x3F97] =	sst lr;
	_ =	strace $0xD0000000  }
0x3: {  	_ = 	snop  }
0x4: {  	_ = 	snop  }
0x5: {  	_ = 	snop  }
0x6: {  	_ = 	snop  }
0x7: {  	_ = 	snop  }
__scs_overlays_trampoline_lowered:
0x8: {  	[smem:$0x3FA6] =	sst s0  }
0x9: {  	[smem:$0x3FA7] =	sst s1  }
0xa: {  	[smem:$0x3FA8] =	sst s2  }
0xb: {  	[smem:$0x3FA9] =	sst s3  }
0xc: {  	[smem:$0x3FAA] =	sst s4  }
0xd: {  	[smem:$0x3FAB] =	sst s5  }
0xe: {  	[smem:$0x3FAC] =	sst s6  }
0xf: {  	[smem:$0x3FAD] =	sst s7  }
0x10: {  	[smem:$0x3FAE] =	sst s8  }
0x11: {  	[smem:$0x3FAF] =	sst s9;
	s0 =	simm.s32 @!p0 $0x0  }
0x12: {  	s1 =	sld [smem:$0x3F95];
	s0 =	simm.s32 @p0 $0x1  }
0x13: {  	[smem:$0x3FB0] =	sst s0;
	s0 =	simm.s32 @!p1 $0x0  }
0x14: {  	s2 =	sld [smem:$0x3F94];
	s0 =	simm.s32 @p1 $0x1  }
0x15: {  	[smem:$0x3FB1] =	sst s0;
	s0 =	simm.s32 @!p2 $0x0  }
0x16: {  	s3 =	sld [smem:$0x3FDB];
	s0 =	simm.s32 @p2 $0x1  }
0x17: {  	s4 =	simm.s32 $0x1BF5;
	[smem:$0x3FB3] =	sst s0  }
0x18: {  	s0 =	sld [smem:$0x3F96];
	_ =	swait.ge [sflag:s4], $0x0  }
0x19: {  	s7 =	sld [smem:$0x3F97]  }
0x1a: {  	s8 =	sadd.s32 $0xFFFFE003, lr  }
0x1b: {  	s9 =	sadd.s32 $0xFFFFFEF7, lr;
	s5 =	simm.s32 $0xFFFFFFFF;
	p2 =	slt.u32 s8, $0xFFFFF086  }
0x1c: {  	p1 =	slt.u32 s9, $0xF7A;
	s5 =	simm.s32 @!p2 $0x0  }
0x1d: {  	s5 =	simm.s32 @p1 $0x1;
	p0 =	seq.s32 s7, s2  }
0x1e: {  	s7 =	smul.u32 @!p0 $0xF7A, s2;
	p2 =	seq.s32 @!p0 s5, $0x0  }
0x1f: {  	s9 =	smul.u32 $0xF7A, s1;
	s8 =	simm.s32 @!p0 $0x1BF5;
	p2 =	por !p2, p0  }
0x20: {  	[sflag:s8] =	ssyncset.s32 @!p0 $0xFFFFF086;
	s6 =	sadd.s32 @!p0 s3, s7;
	s7 =	simm.s32 @!p0 $0x108  }
0x21: {  	s3 =	sadd.s32 s3, s9;
	s6 =	sadd.s32 @!p0 $0x88, s6;
	s7 =	simm.s32 @p2 $0x1082  }
0x22: {  	[simem:s7], [sflag:s8] =	dma.local @!p0 [hbm:s6], $0xF7A  }
0x23: {  	s9 =	sor.u32 $0xD0000000, s2;
	s6 =	simm.s32 $0x108;
	_ =	swait.ge @!p0 [sflag:s8], $0x0  }
0x24: {  	s3 =	sadd.s32 $0x88, s3;
	s6 =	simm.s32 @!p1 $0x1082;
	[sflag:s4] =	ssyncset.s32 $0xFFFFF086  }
0x25: {  	[simem:s6], [sflag:s4] =	dma.local [hbm:s3], $0xF7A  }
0x26: {  	[smem:$0x3F97] =	sst s1;
	(tag) =	ssettag s2;
	_ =	strace s9  }
0x27: {  	s1 =	sld [smem:$0x3FA7]  }
0x28: {  	s2 =	sld [smem:$0x3FA8]  }
0x29: {  	s4 =	sld [smem:$0x3FAA]  }
0x2a: {  	p0 =	seq.s32 s5, $0x0;
	s5 =	sld [smem:$0x3FAB]  }
0x2b: {  	s6 =	sld [smem:$0x3FAC]  }
0x2c: {  	s7 =	sld [smem:$0x3FAD]  }
0x2d: {  	s3 =	simm.s32 $0x108;
	s8 =	sld [smem:$0x3FAE]  }
0x2e: {  	s3 =	simm.s32 @!p0 $0x1082;
	s9 =	sld [smem:$0x3FAF]  }
0x2f: {  	lr =	sadd.s32 s0, s3;
	s0 =	sld [smem:$0x3FA6]  }
0x30: {  	s3 =	sld [smem:$0x3FA9]  }
0x31: {  	[smem:$0x3FB2] =	sst s10  }
0x32: {  	s10 =	sld [smem:$0x3FB0];
	_ =	sdelay $0x3  }
0x33: {  	p0 =	seq.s32 s10, $0x1;
	s10 =	sld [smem:$0x3FB2];
	_ =	sdelay $0x3  }
0x34: {  	[smem:$0x3FB2] =	sst s10  }
0x35: {  	s10 =	sld [smem:$0x3FB1];
	_ =	sdelay $0x3  }
0x36: {  	p1 =	seq.s32 s10, $0x1;
	s10 =	sld [smem:$0x3FB2];
	_ =	sdelay $0x3  }
0x37: {  	[smem:$0x3FB2] =	sst s10  }
0x38: {  	s10 =	sld [smem:$0x3FB3]  }
0x39: {  	_ = 	snop;
	(pc) =	sbr.ind lr, $3  }
0x3a: {  	_ = 	snop  }
0x3b: {  	_ = 	snop  }
0x3c: {  	p2 =	seq.s32 s10, $0x1;
	s10 =	sld [smem:$0x3FB2]  }
0x3d: {  	_ =	shalt  }
0x3e: {  	_ =	shalt  }
0x3f: {  	_ =	shalt  }
0x40: {  	_ =	shalt  }
0x41: {  	_ =	shalt  }
0x42: {  	_ =	shalt  }
0x43: {  	_ =	shalt  }
0x44: {  	_ =	shalt  }
0x45: {  	_ =	shalt  }
0x46: {  	_ =	shalt  }
0x47: {  	_ =	shalt  }
0x48: {  	_ =	shalt  }
0x49: {  	_ =	shalt  }
0x4a: {  	_ =	shalt  }
0x4b: {  	_ =	shalt  }
0x4c: {  	_ =	shalt  }
0x4d: {  	_ =	shalt  }
0x4e: {  	_ =	shalt  }
0x4f: {  	_ =	shalt  }
0x50: {  	_ =	shalt  }
0x51: {  	_ =	shalt  }
0x52: {  	_ =	shalt  }
0x53: {  	_ =	shalt  }
0x54: {  	_ =	shalt  }
0x55: {  	_ =	shalt  }
0x56: {  	_ =	shalt  }
0x57: {  	_ =	shalt  }
0x58: {  	_ =	shalt  }
0x59: {  	_ =	shalt  }
0x5a: {  	_ =	shalt  }
0x5b: {  	_ =	shalt  }
0x5c: {  	_ =	shalt  }
0x5d: {  	_ =	shalt  }
0x5e: {  	_ =	shalt  }
0x5f: {  	_ =	shalt  }
0x60: {  	_ =	shalt  }
0x61: {  	_ =	shalt  }
0x62: {  	_ =	shalt  }
0x63: {  	_ =	shalt  }
0x64: {  	_ =	shalt  }
0x65: {  	_ =	shalt  }
0x66: {  	_ =	shalt  }
0x67: {  	_ =	shalt  }
0x68: {  	_ =	shalt  }
0x69: {  	_ =	shalt  }
0x6a: {  	_ =	shalt  }
0x6b: {  	_ =	shalt  }
0x6c: {  	_ =	shalt  }
0x6d: {  	_ =	shalt  }
0x6e: {  	_ =	shalt  }
0x6f: {  	_ =	shalt  }
0x70: {  	_ =	shalt  }
0x71: {  	_ =	shalt  }
0x72: {  	_ =	shalt  }
0x73: {  	_ =	shalt  }
0x74: {  	_ =	shalt  }
0x75: {  	_ =	shalt  }
0x76: {  	_ =	shalt  }
0x77: {  	_ =	shalt  }
0x78: {  	_ =	shalt  }
0x79: {  	_ =	shalt  }
0x7a: {  	_ =	shalt  }
0x7b: {  	_ =	shalt  }
0x7c: {  	_ =	shalt  }
0x7d: {  	_ =	shalt  }
0x7e: {  	_ =	shalt  }
0x7f: {  	_ =	shalt  }
0x80: {  	_ =	shalt  }
0x81: {  	_ =	shalt  }
0x82: {  	_ =	shalt  }
0x83: {  	_ =	shalt  }
0x84: {  	_ =	shalt  }
0x85: {  	_ =	shalt  }
0x86: {  	_ =	shalt  }
0x87: {  	_ =	shalt  }
.Lfunc_end0:
.L_simem_size_0:
called_computation.1_lowered:
.L_overlay_start_0:
0x88: {  	s2 =	sld [smem:$0x3FD9]  }
0x89: {  	s3 =	sld [smem:$0x3FFE];
	_ =	sdelay $0x1  }
0x8a: {  	s1 =	srdreg.scid  }
0x8b: {  	s0 =	sand.u32 $0x1, s1  }
0x8c: {  	s17 =	sshll.u32 s0, $0xA;
	s2 =	sadd.s32 s3, s2  }
0x8d: {  	s2 =	sadd.s32 s2, s17  }
0x8e: {  	[smem:$0x3FBE] =	sst s2  }
0x8f: {  	_ = 	snop  }
0x90: {  	s2 =	sld [smem:$0x3FD0];
	(tm) =	ssettm $0x1  }
0x91: {  	s18 =	sld [smem:$0x3FFB];
	_ =	sdelay $0x3  }
0x92: {  	_ =	strace s18  }
0x93: {  	s3 =	sld [smem:$0x3FFC];
	_ =	sdelay $0x3  }
0x94: {  	_ =	strace s3  }
0x95: {  	s3 =	sld [smem:$0x3FFD];
	_ =	sdelay $0x3  }
0x96: {  	_ =	strace s3  }
0x97: {  	_ =	strace $0x8FFFFFFF  }
0x98: {  	s19 =	sld [smem:$0x3FDB];
	_ =	sdelay $0x1  }
0x99: {  	s4 =	simm.s32 $_scs_section_size  }
0x9a: {  	s5 =	simm.s32 $_size__tile_overlayer_lowered;
	s6 =	simm.s32 $_tile_overlayer_lowered  }
0x9b: {  	s22 =	simm.s32 $0x1BFF;
	s21 =	sshll.u32 s6, $0x1;
	s3 =	sadd.s32 s4, s19  }
0x9c: {  	s7 =	simm.s32 $0x0;
	s20 =	sshll.u32 s5, $0x1;
	s5 =	sadd.s32 s21, s3  }
0x9d: {  	[timem:s7], [sflag:s22] =	dma.local [hbm:s5], s20  }
0x9e: {  	_ =	swait.ge [sflag:s22], s20  }
0x9f: {  	s4 =	ssub.s32 $0x0, s20;
	[sflag:s22] =	ssyncset.done $0x0  }
0xa0: {  	[sflag:s22] =	ssyncadd.s32 s4;
	_ =	sdelay $0x1  }
0xa1: {  	s23 =	simm.s32 $0x1B8B  }
0xa2: {  	_ =	swait.ge [sflag:s23], $0x1  }
0xa3: {  	[sflag:s23] =	ssyncset.done $0x0  }
0xa4: {  	s25 =	simm.s32 $0x1B8E;
	s24 =	sld [smem:$0x3FFE];
	[sflag:s23] =	ssyncadd.s32 $0xFFFFFFFF  }
0xa5: {  	s26 =	simm.s32 $execute0_lowered;
	[smem:$0x3FD2] =	sst s25  }
0xa6: {  	s5 =	sshll.u32 s26, $0x1;
	_ =	strace $0x80000049;
	[dreg:$0x1] =	wrdreg $0xFFFFFFFF  }
0xa7: {  	s28 =	simm.s32 $_size_execute0_lowered;
	s3 =	sadd.s32 s3, s5;
	[dreg:$0x0] =	wrdreg $0x0  }
0xa8: {  	s5 =	sshll.u32 s28, $0x1;
	[dreg:$0x2] =	wrdreg s3  }
0xa9: {  	[dreg:$0x3] =	wrdreg s5  }
0xaa: {  	[dreg:$0x4] =	wrdreg $0xC0  }
0xab: {  	_ =	task [dreg:s7], $0x5FFFF  }
0xac: {  	[dreg:$0x1] =	wrdreg $0xFFFFFFFF  }
0xad: {  	[dreg:$0x0] =	wrdreg $0x60  }
0xae: {  	[dreg:$0x2] =	wrdreg s2  }
0xaf: {  	[dreg:$0x3] =	wrdreg s24  }
0xb0: {  	[dreg:$0x4] =	wrdreg $0x90000  }
0xb1: {  	[dreg:$0x5] =	wrdreg $0x9  }
0xb2: {  	_ =	task.clear_ibuf [dreg:s7], $0x6FFFF;
	_ =	strace $0x90000049  }
0xb3: {  	s29 =	simm.s32 $0x9;
	_ =	strace $0x8000004B  }
0xb4: {  	_ =	swait.ge [sflag:s29], $0x1  }
0xb5: {  	[sflag:s29] =	ssyncadd.s32 $0xFFFFFFFF  }
0xb6: {  	_ =	strace $0x9000004B  }
0xb7: {  	_ =	sfence  }
0xb8: {  	s30 =	sld [smem:$0x0];
	_ =	sdelay $0x2  }
0xb9: {  	s31 =	sshll.u32 s1, $0xD;
	s1 =	sshrl.u32 s1, $0x2  }
0xba: {  	s3 =	sand.u32 $0x4000, s31;
	s1 =	sadd.s32 s1, s30  }
0xbb: {  	s0 =	sor.u32 s3, s0;
	s1 =	sshll.u32 s1, $0x11  }
0xbc: {  	s0 =	sor.u32 s1, s0  }
0xbd: {  	s0 =	sadd.s32 $0x8F2B, s0  }
0xbe: {  	[sflag:s0] =	ssyncadd.remote.s32 $0x1  }
0xbf: {  	_ =	sfence.sel $0xFFFF  }
0xc0: {  	[dreg:$0x0] =	wrdreg $0xFFFFFFFF;
	(pc) =	sbr.abs _section_cstart, $3  }
0xc1: {  	[dreg:$0x1] =	wrdreg $0xFFFFFFFF  }
0xc2: {  	_ =	task.clear_ibuf [dreg:s7], $0x2FFFF;
	_ =	strace $0x9FFFFFFF  }
0xc3: {  	(tm) =	ssettm $0x7FFFFFFF  }
tec
execute0_lowered:
.L_overlay_start_1:
0x0: {  	(tag) =	ssettag $0x1  }
0x1: {  	s1 =	rddreg [dreg:$0x0]  }
0x2: {  	s5 =	rddreg [dreg:$0x1]  }
0x3: {  	s3 =	rddreg [dreg:$0x2]  }
0x4: {  	s0 =	rddreg [dreg:$0x3];
	s4 =	simm.s32 $0x0;
	s2 =	stileid.u32  }
0x5: {  	s7 =	srdreg.scid;
	s17 =	simm.s32 $0x40;
	s18 =	simm.s32 $0x5000  }
0x6: {  	s19 =	simm.s32 $0x80;
	s20 =	simm.s32 $0x7000;
	s21 =	simm.s32 $0x2  }
0x7: {  	s22 =	simm.s32 $0x3;
	s23 =	simm.s32 $0x4;
	s28 =	simm.s32 $0x0  }
0x8: {  	[smem:$0x7FF] =	sst s4;
	s6 =	smul.u32 $0x14000, s2;
	s9 =	sadd.s32 $0x8E600, s5  }
0x9: {  	s7 =	sand.u32 $0x1, s7;
	s12 =	sadd.s32 $0x2600, s5;
	s13 =	smul.u32 $0x50000, s2  }
0xa: {  	s30 =	sshll.u32 s2, $0x6;
	_ =	strace $0x8000004A;
	s10 =	smul.u32 $0x140000, s7  }
0xb: {  	s11 =	sshll.u32 s7, $0x4;
	s7 =	ssub.s32 $0x2, s7;
	s8 =	sshrl.u32 s6, $0x3  }
0xc: {  	s11 =	sor.u32 s2, s11;
	s25 =	sshrl.u32 s7, $0x1;
	s29 =	sshrl.u32 s13, $0x2  }
0xd: {  	s13 =	simm.s32 $0x2800;
	s8 =	sadd.s32 s8, s5;
	s6 =	sadd.s32 s6, s10  }
0xe: {  	s24 =	smul.u32 $0x5000, s11;
	s15 =	ssub.s32 s7, s25;
	s16 =	sadd.s32 s29, s3  }
0xf: {  	s25 =	simm.s32 $0x4F00;
	s6 =	sshrl.u32 s6, $0x3;
	s7 =	sadd.s32 $0x16600, s8  }
0x10: {  	s8 =	sor.u32 $0x1C06, s30;
	s14 =	sadd.s32 s6, s5;
	s26 =	sshrl.u32 s24, $0x3  }
0x11: {  	s24 =	simm.s32 $0x5;
	s5 =	sadd.s32 s9, s26;
	s6 =	sadd.s32 s12, s26  }
0x12: {  	s31 =	sadd.s32 $0x500, s26;
	s11 =	sadd.s32 $0x3E600, s14;
	s14 =	sshrl.u32 s16, $0x3  }
0x13: {  	s16 =	simm.s32 $0x1;
	s26 =	simm.s32 $0x4F80;
	s9 =	sadd.s32 s9, s31  }
0x14: {  	s10 =	sadd.s32 s12, s31;
	s12 =	smax.u32 s15, $0x1;
	s15 =	simm.s32 $0x6  }
.LBB2_1:
0x15: {  	[tilespmem:s4], [sflag:$0x1] =	stream.linear.gather [hbm4b:s5+s4], $0x2800, $0x38;
	[tilespmem:$0x1D000] =	vst v63  }
0x16: {  	_ = 	snop  }
0x17: {  	[tilespmem:s13], [sflag:$0x1] =	stream.linear.gather [hbm4b:s6+s4], $0x2800, $0x38;
	[tilespmem:$0x1D000] =	vst v63  }
0x18: {  	[spmem:s14], [sflag:s8] =	dma.local [hbm:s7], $0x2800  }
0x19: {  	_ =	swait.ge [sflag:s15], $0x2800  }
0x1a: {  	[sflag:s15] =	ssyncset.done $0x0  }
0x1b: {  	[sflag:s15] =	ssyncadd.s32 $0xFFFFD800  }
0x1c: {  	_ =	swait.ge [sflag:s16], $0x2800  }
0x1d: {  	[sflag:s16] =	ssyncset.done $0x0  }
0x1e: {  	[sflag:s16] =	ssyncadd.s32 $0xFFFFD800  }
0x1f: {  	_ =	swait.ge [sflag:s16], $0x2800  }
0x20: {  	[sflag:s16] =	ssyncset.done $0x0  }
0x21: {  	[sflag:s16] =	ssyncadd.s32 $0xFFFFD800  }
0x22: {  	[bflag:$0x0] =	sbarrier.arrive $0xFFFF  }
0x23: {  	[tilespmem:s18], [sflag:$0x2] =	stream.indirect.gather [hbm4b:s1+s17], $0x80, s4, s17, $0xb8;
	[tilespmem:$0x1D000] =	vst v63  }
0x24: {  	_ = 	snop  }
0x25: {  	[tilespmem:s20], [sflag:$0x3] =	stream.indirect.gather [hbm4b:s1+s17], $0x80, s19, s17, $0xb8;
	[tilespmem:$0x1D000] =	vst v63  }
0x26: {  	_ =	swait.ge [sflag:s21], $0x2000  }
0x27: {  	[sflag:s21] =	ssyncset.done $0x0  }
0x28: {  	s29 =	simm.s32 $0x2800;
	[sflag:s21] =	ssyncadd.s32 $0xFFFFE000  }
0x29: {  	[spmem:s3] =	stream.indirect.scatter.add.f32 [tilespmem:s18], [sflag:$0x4], $0x80, s29, s17, $0xb8;
	[tilespmem:$0x1D000] =	vst v63  }
0x2a: {  	_ =	swait.ge [sflag:s22], $0x2000  }
0x2b: {  	[sflag:s22] =	ssyncset.done $0x0  }
0x2c: {  	s29 =	simm.s32 $0x2880;
	[sflag:s22] =	ssyncadd.s32 $0xFFFFE000  }
0x2d: {  	[spmem:s3] =	stream.indirect.scatter.add.f32 [tilespmem:s20], [sflag:$0x5], $0x80, s29, s17, $0xb8;
	[tilespmem:$0x1D000] =	vst v63  }
0x2e: {  	_ =	swait.ge [sflag:s23], $0x2000  }
0x2f: {  	[sflag:s23] =	ssyncset.done $0x0  }
0x30: {  	s29 =	simm.s32 $0x100;
	[sflag:s23] =	ssyncadd.s32 $0xFFFFE000  }
0x31: {  	[tilespmem:s18], [sflag:$0x2] =	stream.indirect.gather [hbm4b:s1+s17], $0x80, s29, s17, $0xb8;
	[tilespmem:$0x1D000] =	vst v63  }
0x32: {  	_ =	swait.ge [sflag:s24], $0x2000  }
0x33: {  	[sflag:s24] =	ssyncset.done $0x0  }
0x34: {  	s30 =	simm.s32 $0x180;
	s29 =	simm.s32 $0x400;
	[sflag:s24] =	ssyncadd.s32 $0xFFFFE000  }
.LBB2_2:
0x35: {  	[tilespmem:s20], [sflag:$0x3] =	stream.indirect.gather [hbm4b:s1+s17], $0x80, s30, s17, $0xb8;
	[tilespmem:$0x1D000] =	vst v63  }
0x36: {  	s30 =	smov.u32 s29  }
0x37: {  	p0 =	sne.s32 s29, $0x9800;
	s29 =	sadd.s32 $0x400, s29;
	_ =	swait.ge [sflag:s21], $0x2000  }
0x38: {  	s30 =	sshra.s32 s30, $0x2;
	[sflag:s21] =	ssyncset.done $0x0  }
0x39: {  	s31 =	sadd.s32 $0x2800, s30;
	[sflag:s21] =	ssyncadd.s32 $0xFFFFE000  }
0x3a: {  	[spmem:s3] =	stream.indirect.scatter.add.f32 [tilespmem:s18], [sflag:$0x4], $0x80, s31, s17, $0xb8;
	[tilespmem:$0x1D000] =	vst v63  }
0x3b: {  	_ =	swait.ge [sflag:s22], $0x2000  }
0x3c: {  	[sflag:s22] =	ssyncset.done $0x0  }
0x3d: {  	s31 =	sadd.s32 $0x2880, s30;
	[sflag:s22] =	ssyncadd.s32 $0xFFFFE000  }
0x3e: {  	[spmem:s3] =	stream.indirect.scatter.add.f32 [tilespmem:s20], [sflag:$0x5], $0x80, s31, s17, $0xb8;
	[tilespmem:$0x1D000] =	vst v63  }
0x3f: {  	_ =	swait.ge [sflag:s23], $0x2000  }
0x40: {  	[sflag:s23] =	ssyncset.done $0x0  }
.Ltmp0:
0x41: {  	s31 =	sadd.s32 $0x100, s30;
	[sflag:s23] =	ssyncadd.s32 $0xFFFFE000;
	(pc) =	sbr.rel @p0 .LBB2_2-.Ltmp0, $4  }
0x42: {  	[tilespmem:s18], [sflag:$0x2] =	stream.indirect.gather [hbm4b:s1+s17], $0x80, s31, s17, $0xb8;
	[tilespmem:$0x1D000] =	vst v63  }
0x43: {  	_ =	swait.ge [sflag:s24], $0x2000  }
0x44: {  	[sflag:s24] =	ssyncset.done $0x0  }
0x45: {  	s30 =	sadd.s32 $0x180, s30;
	[sflag:s24] =	ssyncadd.s32 $0xFFFFE000  }
0x46: {  	[tilespmem:s20], [sflag:$0x3] =	stream.indirect.gather [hbm4b:s1+s17], $0x80, s30, s17, $0xb8;
	[tilespmem:$0x1D000] =	vst v63  }
0x47: {  	_ =	swait.ge [sflag:s21], $0x2000  }
0x48: {  	[sflag:s21] =	ssyncset.done $0x0  }
0x49: {  	[sflag:s21] =	ssyncadd.s32 $0xFFFFE000  }
0x4a: {  	[spmem:s3] =	stream.indirect.scatter.add.f32 [tilespmem:s18], [sflag:$0x4], $0x80, s25, s17, $0xb8;
	[tilespmem:$0x1D000] =	vst v63  }
0x4b: {  	_ =	swait.ge [sflag:s22], $0x2000  }
0x4c: {  	[sflag:s22] =	ssyncset.done $0x0  }
0x4d: {  	[sflag:s22] =	ssyncadd.s32 $0xFFFFE000  }
0x4e: {  	[spmem:s3] =	stream.indirect.scatter.add.f32 [tilespmem:s20], [sflag:$0x5], $0x80, s26, s17, $0xb8;
	[tilespmem:$0x1D000] =	vst v63  }
0x4f: {  	_ =	swait.ge [sflag:s23], $0x2000  }
0x50: {  	[sflag:s23] =	ssyncset.done $0x0  }
0x51: {  	[sflag:s23] =	ssyncadd.s32 $0xFFFFE000  }
0x52: {  	_ =	swait.ge [sflag:s24], $0x2000  }
0x53: {  	[sflag:s24] =	ssyncset.done $0x0  }
0x54: {  	s29 =	simm.s32 $0x0;
	[sflag:s24] =	ssyncadd.s32 $0xFFFFE000  }
0x55: {  	[tilespmem:s29], [sflag:$0x6] =	stream.linear.gather [hbm4b:s9+s29], $0x2800, $0x38;
	[tilespmem:$0x1D000] =	vst v63  }
0x56: {  	_ =	swait.ge [sflag:s15], $0x2800  }
0x57: {  	[sflag:s15] =	ssyncset.done $0x0  }
0x58: {  	[sflag:s15] =	ssyncadd.s32 $0xFFFFD800  }
0x59: {  	[tilespmem:s13], [sflag:$0x6] =	stream.linear.gather [hbm4b:s10+s29], $0x2800, $0x38;
	[tilespmem:$0x1D000] =	vst v63  }
0x5a: {  	_ =	swait.ge [sflag:s15], $0x2800  }
0x5b: {  	[sflag:s15] =	ssyncset.done $0x0  }
0x5c: {  	[sflag:s15] =	ssyncadd.s32 $0xFFFFD800  }
0x5d: {  	[tilespmem:s18], [sflag:$0x2] =	stream.indirect.gather [hbm4b:s1+s17], $0x80, s29, s17, $0xb8;
	[tilespmem:$0x1D000] =	vst v63  }
0x5e: {  	_ = 	snop  }
0x5f: {  	[tilespmem:s20], [sflag:$0x3] =	stream.indirect.gather [hbm4b:s1+s17], $0x80, s19, s17, $0xb8;
	[tilespmem:$0x1D000] =	vst v63  }
0x60: {  	_ =	swait.ge [sflag:s21], $0x2000  }
0x61: {  	[sflag:s21] =	ssyncset.done $0x0  }
0x62: {  	s29 =	simm.s32 $0x2800;
	[sflag:s21] =	ssyncadd.s32 $0xFFFFE000  }
0x63: {  	[spmem:s3] =	stream.indirect.scatter.add.f32 [tilespmem:s18], [sflag:$0x4], $0x80, s29, s17, $0xb8;
	[tilespmem:$0x1D000] =	vst v63  }
0x64: {  	_ =	swait.ge [sflag:s22], $0x2000  }
0x65: {  	[sflag:s22] =	ssyncset.done $0x0  }
0x66: {  	s29 =	simm.s32 $0x2880;
	[sflag:s22] =	ssyncadd.s32 $0xFFFFE000  }
0x67: {  	[spmem:s3] =	stream.indirect.scatter.add.f32 [tilespmem:s20], [sflag:$0x5], $0x80, s29, s17, $0xb8;
	[tilespmem:$0x1D000] =	vst v63  }
0x68: {  	_ =	swait.ge [sflag:s23], $0x2000  }
0x69: {  	[sflag:s23] =	ssyncset.done $0x0  }
0x6a: {  	s29 =	simm.s32 $0x100;
	[sflag:s23] =	ssyncadd.s32 $0xFFFFE000  }
0x6b: {  	[tilespmem:s18], [sflag:$0x2] =	stream.indirect.gather [hbm4b:s1+s17], $0x80, s29, s17, $0xb8;
	[tilespmem:$0x1D000] =	vst v63  }
0x6c: {  	_ =	swait.ge [sflag:s24], $0x2000  }
0x6d: {  	[sflag:s24] =	ssyncset.done $0x0  }
0x6e: {  	s30 =	simm.s32 $0x180;
	s29 =	simm.s32 $0x400;
	[sflag:s24] =	ssyncadd.s32 $0xFFFFE000  }
.LBB2_4:
0x6f: {  	[tilespmem:s20], [sflag:$0x3] =	stream.indirect.gather [hbm4b:s1+s17], $0x80, s30, s17, $0xb8;
	[tilespmem:$0x1D000] =	vst v63  }
0x70: {  	s30 =	smov.u32 s29  }
0x71: {  	p0 =	sne.s32 s29, $0x9800;
	s29 =	sadd.s32 $0x400, s29;
	_ =	swait.ge [sflag:s21], $0x2000  }
0x72: {  	s30 =	sshra.s32 s30, $0x2;
	[sflag:s21] =	ssyncset.done $0x0  }
0x73: {  	s31 =	sadd.s32 $0x2800, s30;
	[sflag:s21] =	ssyncadd.s32 $0xFFFFE000  }
0x74: {  	[spmem:s3] =	stream.indirect.scatter.add.f32 [tilespmem:s18], [sflag:$0x4], $0x80, s31, s17, $0xb8;
	[tilespmem:$0x1D000] =	vst v63  }
0x75: {  	_ =	swait.ge [sflag:s22], $0x2000  }
0x76: {  	[sflag:s22] =	ssyncset.done $0x0  }
0x77: {  	s31 =	sadd.s32 $0x2880, s30;
	[sflag:s22] =	ssyncadd.s32 $0xFFFFE000  }
0x78: {  	[spmem:s3] =	stream.indirect.scatter.add.f32 [tilespmem:s20], [sflag:$0x5], $0x80, s31, s17, $0xb8;
	[tilespmem:$0x1D000] =	vst v63  }
0x79: {  	_ =	swait.ge [sflag:s23], $0x2000  }
0x7a: {  	[sflag:s23] =	ssyncset.done $0x0  }
.Ltmp1:
0x7b: {  	s31 =	sadd.s32 $0x100, s30;
	[sflag:s23] =	ssyncadd.s32 $0xFFFFE000;
	(pc) =	sbr.rel @p0 .LBB2_4-.Ltmp1, $4  }
0x7c: {  	[tilespmem:s18], [sflag:$0x2] =	stream.indirect.gather [hbm4b:s1+s17], $0x80, s31, s17, $0xb8;
	[tilespmem:$0x1D000] =	vst v63  }
0x7d: {  	_ =	swait.ge [sflag:s24], $0x2000  }
0x7e: {  	[sflag:s24] =	ssyncset.done $0x0  }
0x7f: {  	s30 =	sadd.s32 $0x180, s30;
	[sflag:s24] =	ssyncadd.s32 $0xFFFFE000  }
0x80: {  	[tilespmem:s20], [sflag:$0x3] =	stream.indirect.gather [hbm4b:s1+s17], $0x80, s30, s17, $0xb8;
	[tilespmem:$0x1D000] =	vst v63  }
0x81: {  	_ =	swait.ge [sflag:s21], $0x2000  }
0x82: {  	[sflag:s21] =	ssyncset.done $0x0  }
0x83: {  	[sflag:s21] =	ssyncadd.s32 $0xFFFFE000  }
0x84: {  	[spmem:s3] =	stream.indirect.scatter.add.f32 [tilespmem:s18], [sflag:$0x4], $0x80, s25, s17, $0xb8;
	[tilespmem:$0x1D000] =	vst v63  }
0x85: {  	_ =	swait.ge [sflag:s22], $0x2000  }
0x86: {  	[sflag:s22] =	ssyncset.done $0x0  }
0x87: {  	[sflag:s22] =	ssyncadd.s32 $0xFFFFE000  }
0x88: {  	[spmem:s3] =	stream.indirect.scatter.add.f32 [tilespmem:s20], [sflag:$0x5], $0x80, s26, s17, $0xb8;
	[tilespmem:$0x1D000] =	vst v63  }
0x89: {  	_ =	swait.ge [sflag:s23], $0x2000  }
0x8a: {  	[sflag:s23] =	ssyncset.done $0x0  }
0x8b: {  	[sflag:s23] =	ssyncadd.s32 $0xFFFFE000  }
0x8c: {  	_ =	swait.ge [sflag:s24], $0x2000  }
0x8d: {  	s28 =	sadd.s32 $0x1, s28;
	[sflag:s24] =	ssyncset.done $0x0  }
0x8e: {  	p0 =	sne.s32 s28, s12;
	[sflag:s24] =	ssyncadd.s32 $0xFFFFE000  }
.Ltmp2:
0x8f: {  	[bflag:$0x0] =	sbarrier.arrive $0xFFFF;
	(pc) =	sbr.rel @p0 .LBB2_1-.Ltmp2, $4  }
0x90: {  	[hbm:s11], [sflag:s8] =	dma.local [spmem:s14], $0x2800  }
0x91: {  	_ =	swait.ge [sflag:s15], $0x2800  }
0x92: {  	[sflag:s15] =	ssyncset.done $0x0  }
0x93: {  	[sflag:s15] =	ssyncadd.s32 $0xFFFFD800  }
0x94: {  	_ =	sfence.sel $0x180000  }
0x95: {  	[bflag:$0x0] =	sbarrier.arrive $0xFFFF  }
0x96: {  	p0 =	sne.s32 s2, $0x0;
	_ =	strace $0x9000004A  }
0x97: {  	s0 =	sadd.s32 @!p0 $0x100000, s0;
	[bflag:$0x2] =	sbarrier.arrive $0xFFFF  }
0x98: {  	[sflag:s0] =	ssyncadd.tile.s32 @!p0 $0x1;
	_ =	shalt  }
.Lfunc_end2:
_tile_overlayer_lowered:
.L_overlay_start_2:
0x99: {  	(tag) =	ssettag $0x2  }
0x9a: {  	s0 =	rddreg [dreg:$0x0];
	s2 =	stileid.u32  }
0x9b: {  	s1 =	rddreg [dreg:$0x1];
	p0 =	sne.s32 s2, $0x0  }
0x9c: {  	s3 =	rddreg [dreg:$0x2];
	[bflag:$0x3] =	sbarrier.arrive $0xFFFF;
	s2 =	simm.s32 @!p0 $0x1C06  }
0x9d: {  	[timem:s3], [sflag:s2] =	dma.local @!p0 [hbm:s0], s1  }
0x9e: {  	s0 =	simm.s32 @!p0 $0x6  }
0x9f: {  	_ =	swait.ge @!p0 [sflag:s0], s1  }
0xa0: {  	s1 =	ssub.s32 @!p0 $0x0, s1;
	[sflag:s0] =	ssyncset.done @!p0 $0x0  }
0xa1: {  	[sflag:s0] =	ssyncadd.s32 @!p0 s1  }
0xa2: {  	[bflag:$0x3] =	sbarrier.arrive $0xFFFF  }
0xa3: {  	_ =	shalt  }

// kernel: kernel.14.cloned.1.call-start
scs
__scs_entry_jumppad:
0x0: {  	(pc) =	sbr.rel $0x88, $3  }
0x1: {  	(tag) =	ssettag $0x0;
	lr =	simm.s32 $0x1  }
0x2: {  	[smem:$0x3F97] =	sst lr;
	_ =	strace $0xD0000000  }
0x3: {  	_ = 	snop  }
0x4: {  	_ = 	snop  }
0x5: {  	_ = 	snop  }
0x6: {  	_ = 	snop  }
0x7: {  	_ = 	snop  }
__scs_overlays_trampoline_lowered:
0x8: {  	[smem:$0x3FA6] =	sst s0  }
0x9: {  	[smem:$0x3FA7] =	sst s1  }
0xa: {  	[smem:$0x3FA8] =	sst s2  }
0xb: {  	[smem:$0x3FA9] =	sst s3  }
0xc: {  	[smem:$0x3FAA] =	sst s4  }
0xd: {  	[smem:$0x3FAB] =	sst s5  }
0xe: {  	[smem:$0x3FAC] =	sst s6  }
0xf: {  	[smem:$0x3FAD] =	sst s7  }
0x10: {  	[smem:$0x3FAE] =	sst s8  }
0x11: {  	[smem:$0x3FAF] =	sst s9;
	s0 =	simm.s32 @!p0 $0x0  }
0x12: {  	s1 =	sld [smem:$0x3F95];
	s0 =	simm.s32 @p0 $0x1  }
0x13: {  	[smem:$0x3FB0] =	sst s0;
	s0 =	simm.s32 @!p1 $0x0  }
0x14: {  	s2 =	sld [smem:$0x3F94];
	s0 =	simm.s32 @p1 $0x1  }
0x15: {  	[smem:$0x3FB1] =	sst s0;
	s0 =	simm.s32 @!p2 $0x0  }
0x16: {  	s3 =	sld [smem:$0x3FDB];
	s0 =	simm.s32 @p2 $0x1  }
0x17: {  	s4 =	simm.s32 $0x1BF5;
	[smem:$0x3FB3] =	sst s0  }
0x18: {  	s0 =	sld [smem:$0x3F96];
	_ =	swait.ge [sflag:s4], $0x0  }
0x19: {  	s7 =	sld [smem:$0x3F97]  }
0x1a: {  	s8 =	sadd.s32 $0xFFFFE003, lr  }
0x1b: {  	s9 =	sadd.s32 $0xFFFFFEF7, lr;
	s5 =	simm.s32 $0xFFFFFFFF;
	p2 =	slt.u32 s8, $0xFFFFF086  }
0x1c: {  	p1 =	slt.u32 s9, $0xF7A;
	s5 =	simm.s32 @!p2 $0x0  }
0x1d: {  	s5 =	simm.s32 @p1 $0x1;
	p0 =	seq.s32 s7, s2  }
0x1e: {  	s7 =	smul.u32 @!p0 $0xF7A, s2;
	p2 =	seq.s32 @!p0 s5, $0x0  }
0x1f: {  	s9 =	smul.u32 $0xF7A, s1;
	s8 =	simm.s32 @!p0 $0x1BF5;
	p2 =	por !p2, p0  }
0x20: {  	[sflag:s8] =	ssyncset.s32 @!p0 $0xFFFFF086;
	s6 =	sadd.s32 @!p0 s3, s7;
	s7 =	simm.s32 @!p0 $0x108  }
0x21: {  	s3 =	sadd.s32 s3, s9;
	s6 =	sadd.s32 @!p0 $0x88, s6;
	s7 =	simm.s32 @p2 $0x1082  }
0x22: {  	[simem:s7], [sflag:s8] =	dma.local @!p0 [hbm:s6], $0xF7A  }
0x23: {  	s9 =	sor.u32 $0xD0000000, s2;
	s6 =	simm.s32 $0x108;
	_ =	swait.ge @!p0 [sflag:s8], $0x0  }
0x24: {  	s3 =	sadd.s32 $0x88, s3;
	s6 =	simm.s32 @!p1 $0x1082;
	[sflag:s4] =	ssyncset.s32 $0xFFFFF086  }
0x25: {  	[simem:s6], [sflag:s4] =	dma.local [hbm:s3], $0xF7A  }
0x26: {  	[smem:$0x3F97] =	sst s1;
	(tag) =	ssettag s2;
	_ =	strace s9  }
0x27: {  	s1 =	sld [smem:$0x3FA7]  }
0x28: {  	s2 =	sld [smem:$0x3FA8]  }
0x29: {  	s4 =	sld [smem:$0x3FAA]  }
0x2a: {  	p0 =	seq.s32 s5, $0x0;
	s5 =	sld [smem:$0x3FAB]  }
0x2b: {  	s6 =	sld [smem:$0x3FAC]  }
0x2c: {  	s7 =	sld [smem:$0x3FAD]  }
0x2d: {  	s3 =	simm.s32 $0x108;
	s8 =	sld [smem:$0x3FAE]  }
0x2e: {  	s3 =	simm.s32 @!p0 $0x1082;
	s9 =	sld [smem:$0x3FAF]  }
0x2f: {  	lr =	sadd.s32 s0, s3;
	s0 =	sld [smem:$0x3FA6]  }
0x30: {  	s3 =	sld [smem:$0x3FA9]  }
0x31: {  	[smem:$0x3FB2] =	sst s10  }
0x32: {  	s10 =	sld [smem:$0x3FB0];
	_ =	sdelay $0x3  }
0x33: {  	p0 =	seq.s32 s10, $0x1;
	s10 =	sld [smem:$0x3FB2];
	_ =	sdelay $0x3  }
0x34: {  	[smem:$0x3FB2] =	sst s10  }
0x35: {  	s10 =	sld [smem:$0x3FB1];
	_ =	sdelay $0x3  }
0x36: {  	p1 =	seq.s32 s10, $0x1;
	s10 =	sld [smem:$0x3FB2];
	_ =	sdelay $0x3  }
0x37: {  	[smem:$0x3FB2] =	sst s10  }
0x38: {  	s10 =	sld [smem:$0x3FB3]  }
0x39: {  	_ = 	snop;
	(pc) =	sbr.ind lr, $3  }
0x3a: {  	_ = 	snop  }
0x3b: {  	_ = 	snop  }
0x3c: {  	p2 =	seq.s32 s10, $0x1;
	s10 =	sld [smem:$0x3FB2]  }
0x3d: {  	_ =	shalt  }
0x3e: {  	_ =	shalt  }
0x3f: {  	_ =	shalt  }
0x40: {  	_ =	shalt  }
0x41: {  	_ =	shalt  }
0x42: {  	_ =	shalt  }
0x43: {  	_ =	shalt  }
0x44: {  	_ =	shalt  }
0x45: {  	_ =	shalt  }
0x46: {  	_ =	shalt  }
0x47: {  	_ =	shalt  }
0x48: {  	_ =	shalt  }
0x49: {  	_ =	shalt  }
0x4a: {  	_ =	shalt  }
0x4b: {  	_ =	shalt  }
0x4c: {  	_ =	shalt  }
0x4d: {  	_ =	shalt  }
0x4e: {  	_ =	shalt  }
0x4f: {  	_ =	shalt  }
0x50: {  	_ =	shalt  }
0x51: {  	_ =	shalt  }
0x52: {  	_ =	shalt  }
0x53: {  	_ =	shalt  }
0x54: {  	_ =	shalt  }
0x55: {  	_ =	shalt  }
0x56: {  	_ =	shalt  }
0x57: {  	_ =	shalt  }
0x58: {  	_ =	shalt  }
0x59: {  	_ =	shalt  }
0x5a: {  	_ =	shalt  }
0x5b: {  	_ =	shalt  }
0x5c: {  	_ =	shalt  }
0x5d: {  	_ =	shalt  }
0x5e: {  	_ =	shalt  }
0x5f: {  	_ =	shalt  }
0x60: {  	_ =	shalt  }
0x61: {  	_ =	shalt  }
0x62: {  	_ =	shalt  }
0x63: {  	_ =	shalt  }
0x64: {  	_ =	shalt  }
0x65: {  	_ =	shalt  }
0x66: {  	_ =	shalt  }
0x67: {  	_ =	shalt  }
0x68: {  	_ =	shalt  }
0x69: {  	_ =	shalt  }
0x6a: {  	_ =	shalt  }
0x6b: {  	_ =	shalt  }
0x6c: {  	_ =	shalt  }
0x6d: {  	_ =	shalt  }
0x6e: {  	_ =	shalt  }
0x6f: {  	_ =	shalt  }
0x70: {  	_ =	shalt  }
0x71: {  	_ =	shalt  }
0x72: {  	_ =	shalt  }
0x73: {  	_ =	shalt  }
0x74: {  	_ =	shalt  }
0x75: {  	_ =	shalt  }
0x76: {  	_ =	shalt  }
0x77: {  	_ =	shalt  }
0x78: {  	_ =	shalt  }
0x79: {  	_ =	shalt  }
0x7a: {  	_ =	shalt  }
0x7b: {  	_ =	shalt  }
0x7c: {  	_ =	shalt  }
0x7d: {  	_ =	shalt  }
0x7e: {  	_ =	shalt  }
0x7f: {  	_ =	shalt  }
0x80: {  	_ =	shalt  }
0x81: {  	_ =	shalt  }
0x82: {  	_ =	shalt  }
0x83: {  	_ =	shalt  }
0x84: {  	_ =	shalt  }
0x85: {  	_ =	shalt  }
0x86: {  	_ =	shalt  }
0x87: {  	_ =	shalt  }
.Lfunc_end0:
.L_simem_size_0:
called_computation.2_lowered:
.L_overlay_start_0:
0x88: {  	s2 =	sld [smem:$0x3FD9]  }
0x89: {  	s3 =	sld [smem:$0x3FFE];
	_ =	sdelay $0x1  }
0x8a: {  	s1 =	srdreg.scid  }
0x8b: {  	s0 =	sand.u32 $0x1, s1  }
0x8c: {  	s17 =	sshll.u32 s0, $0xA;
	s2 =	sadd.s32 s3, s2  }
0x8d: {  	s2 =	sadd.s32 s2, s17  }
0x8e: {  	[smem:$0x3FBE] =	sst s2  }
0x8f: {  	_ = 	snop  }
0x90: {  	s2 =	sld [smem:$0x3FD0];
	(tm) =	ssettm $0x1  }
0x91: {  	s18 =	sld [smem:$0x3FFB];
	_ =	sdelay $0x3  }
0x92: {  	_ =	strace s18  }
0x93: {  	s3 =	sld [smem:$0x3FFC];
	_ =	sdelay $0x3  }
0x94: {  	_ =	strace s3  }
0x95: {  	s3 =	sld [smem:$0x3FFD];
	_ =	sdelay $0x3  }
0x96: {  	_ =	strace s3  }
0x97: {  	_ =	strace $0x8FFFFFFF  }
0x98: {  	s19 =	sld [smem:$0x3FDB];
	_ =	sdelay $0x1  }
0x99: {  	s4 =	simm.s32 $_scs_section_size  }
0x9a: {  	s5 =	simm.s32 $_size__tile_overlayer_lowered;
	s6 =	simm.s32 $_tile_overlayer_lowered  }
0x9b: {  	s22 =	simm.s32 $0x1BFF;
	s21 =	sshll.u32 s6, $0x1;
	s3 =	sadd.s32 s4, s19  }
0x9c: {  	s7 =	simm.s32 $0x0;
	s20 =	sshll.u32 s5, $0x1;
	s5 =	sadd.s32 s21, s3  }
0x9d: {  	[timem:s7], [sflag:s22] =	dma.local [hbm:s5], s20  }
0x9e: {  	_ =	swait.ge [sflag:s22], s20  }
0x9f: {  	s4 =	ssub.s32 $0x0, s20;
	[sflag:s22] =	ssyncset.done $0x0  }
0xa0: {  	[sflag:s22] =	ssyncadd.s32 s4;
	_ =	sdelay $0x1  }
0xa1: {  	s23 =	simm.s32 $0x1B8B  }
0xa2: {  	_ =	swait.ge [sflag:s23], $0x1  }
0xa3: {  	[sflag:s23] =	ssyncset.done $0x0  }
0xa4: {  	s25 =	simm.s32 $0x1B8E;
	s24 =	sld [smem:$0x3FFE];
	[sflag:s23] =	ssyncadd.s32 $0xFFFFFFFF  }
0xa5: {  	s26 =	simm.s32 $execute0_lowered;
	[smem:$0x3FD2] =	sst s25  }
0xa6: {  	s5 =	sshll.u32 s26, $0x1;
	_ =	strace $0x8000004C;
	[dreg:$0x1] =	wrdreg $0xFFFFFFFF  }
0xa7: {  	s28 =	simm.s32 $_size_execute0_lowered;
	s3 =	sadd.s32 s3, s5;
	[dreg:$0x0] =	wrdreg $0x0  }
0xa8: {  	s5 =	sshll.u32 s28, $0x1;
	[dreg:$0x2] =	wrdreg s3  }
0xa9: {  	[dreg:$0x3] =	wrdreg s5  }
0xaa: {  	[dreg:$0x4] =	wrdreg $0xC0  }
0xab: {  	_ =	task [dreg:s7], $0x5FFFF  }
0xac: {  	[dreg:$0x1] =	wrdreg $0xFFFFFFFF  }
0xad: {  	[dreg:$0x0] =	wrdreg $0x60  }
0xae: {  	[dreg:$0x2] =	wrdreg s2  }
0xaf: {  	[dreg:$0x3] =	wrdreg s24  }
0xb0: {  	[dreg:$0x4] =	wrdreg $0x90000  }
0xb1: {  	[dreg:$0x5] =	wrdreg $0x9  }
0xb2: {  	_ =	task.clear_ibuf [dreg:s7], $0x6FFFF;
	_ =	strace $0x9000004C  }
0xb3: {  	s29 =	simm.s32 $0x9;
	_ =	strace $0x8000004E  }
0xb4: {  	_ =	swait.ge [sflag:s29], $0x1  }
0xb5: {  	[sflag:s29] =	ssyncadd.s32 $0xFFFFFFFF  }
0xb6: {  	_ =	strace $0x9000004E  }
0xb7: {  	_ =	sfence  }
0xb8: {  	s30 =	sld [smem:$0x0];
	_ =	sdelay $0x2  }
0xb9: {  	s31 =	sshll.u32 s1, $0xD;
	s1 =	sshrl.u32 s1, $0x2  }
0xba: {  	s3 =	sand.u32 $0x4000, s31;
	s1 =	sadd.s32 s1, s30  }
0xbb: {  	s0 =	sor.u32 s3, s0;
	s1 =	sshll.u32 s1, $0x11  }
0xbc: {  	s0 =	sor.u32 s1, s0  }
0xbd: {  	s0 =	sadd.s32 $0x8F2B, s0  }
0xbe: {  	[sflag:s0] =	ssyncadd.remote.s32 $0x1  }
0xbf: {  	_ =	sfence.sel $0xFFFF  }
0xc0: {  	[dreg:$0x0] =	wrdreg $0xFFFFFFFF;
	(pc) =	sbr.abs _section_cstart, $3  }
0xc1: {  	[dreg:$0x1] =	wrdreg $0xFFFFFFFF  }
0xc2: {  	_ =	task.clear_ibuf [dreg:s7], $0x2FFFF;
	_ =	strace $0x9FFFFFFF  }
0xc3: {  	(tm) =	ssettm $0x7FFFFFFF  }
tec
execute0_lowered:
.L_overlay_start_1:
0x0: {  	(tag) =	ssettag $0x1  }
0x1: {  	s1 =	rddreg [dreg:$0x0]  }
0x2: {  	s5 =	rddreg [dreg:$0x1]  }
0x3: {  	s3 =	rddreg [dreg:$0x2]  }
0x4: {  	s0 =	rddreg [dreg:$0x3];
	s4 =	simm.s32 $0x0;
	s2 =	stileid.u32  }
0x5: {  	s7 =	srdreg.scid;
	s17 =	simm.s32 $0x40;
	s18 =	simm.s32 $0x5000  }
0x6: {  	s19 =	simm.s32 $0x80;
	s20 =	simm.s32 $0x7000;
	s21 =	simm.s32 $0x2  }
0x7: {  	s22 =	simm.s32 $0x3;
	s23 =	simm.s32 $0x4;
	s28 =	simm.s32 $0x0  }
0x8: {  	[smem:$0x7FF] =	sst s4;
	s6 =	smul.u32 $0x14000, s2;
	s9 =	sadd.s32 $0x8E600, s5  }
0x9: {  	s7 =	sand.u32 $0x1, s7;
	s12 =	sadd.s32 $0x2600, s5;
	s13 =	smul.u32 $0x50000, s2  }
0xa: {  	s30 =	sshll.u32 s2, $0x6;
	_ =	strace $0x8000004D;
	s10 =	smul.u32 $0x140000, s7  }
0xb: {  	s11 =	sshll.u32 s7, $0x4;
	s7 =	ssub.s32 $0x2, s7;
	s8 =	sshrl.u32 s6, $0x3  }
0xc: {  	s11 =	sor.u32 s2, s11;
	s25 =	sshrl.u32 s7, $0x1;
	s29 =	sshrl.u32 s13, $0x2  }
0xd: {  	s13 =	simm.s32 $0x2800;
	s8 =	sadd.s32 s8, s5;
	s6 =	sadd.s32 s6, s10  }
0xe: {  	s24 =	smul.u32 $0x5000, s11;
	s15 =	ssub.s32 s7, s25;
	s16 =	sadd.s32 s29, s3  }
0xf: {  	s25 =	simm.s32 $0x4F00;
	s6 =	sshrl.u32 s6, $0x3;
	s7 =	sadd.s32 $0x16600, s8  }
0x10: {  	s8 =	sor.u32 $0x1C06, s30;
	s14 =	sadd.s32 s6, s5;
	s26 =	sshrl.u32 s24, $0x3  }
0x11: {  	s24 =	simm.s32 $0x5;
	s5 =	sadd.s32 s9, s26;
	s6 =	sadd.s32 s12, s26  }
0x12: {  	s31 =	sadd.s32 $0x500, s26;
	s11 =	sadd.s32 $0x3E600, s14;
	s14 =	sshrl.u32 s16, $0x3  }
0x13: {  	s16 =	simm.s32 $0x1;
	s26 =	simm.s32 $0x4F80;
	s9 =	sadd.s32 s9, s31  }
0x14: {  	s10 =	sadd.s32 s12, s31;
	s12 =	smax.u32 s15, $0x1;
	s15 =	simm.s32 $0x6  }
.LBB2_1:
0x15: {  	[tilespmem:s4], [sflag:$0x1] =	stream.linear.gather [hbm4b:s5+s4], $0x2800, $0x38;
	[tilespmem:$0x1D000] =	vst v63  }
0x16: {  	_ = 	snop  }
0x17: {  	[tilespmem:s13], [sflag:$0x1] =	stream.linear.gather [hbm4b:s6+s4], $0x2800, $0x38;
	[tilespmem:$0x1D000] =	vst v63  }
0x18: {  	[spmem:s14], [sflag:s8] =	dma.local [hbm:s7], $0x2800  }
0x19: {  	_ =	swait.ge [sflag:s15], $0x2800  }
0x1a: {  	[sflag:s15] =	ssyncset.done $0x0  }
0x1b: {  	[sflag:s15] =	ssyncadd.s32 $0xFFFFD800  }
0x1c: {  	_ =	swait.ge [sflag:s16], $0x2800  }
0x1d: {  	[sflag:s16] =	ssyncset.done $0x0  }
0x1e: {  	[sflag:s16] =	ssyncadd.s32 $0xFFFFD800  }
0x1f: {  	_ =	swait.ge [sflag:s16], $0x2800  }
0x20: {  	[sflag:s16] =	ssyncset.done $0x0  }
0x21: {  	[sflag:s16] =	ssyncadd.s32 $0xFFFFD800  }
0x22: {  	[bflag:$0x0] =	sbarrier.arrive $0xFFFF  }
0x23: {  	[tilespmem:s18], [sflag:$0x2] =	stream.indirect.gather [hbm4b:s1+s17], $0x80, s4, s17, $0xb8;
	[tilespmem:$0x1D000] =	vst v63  }
0x24: {  	_ = 	snop  }
0x25: {  	[tilespmem:s20], [sflag:$0x3] =	stream.indirect.gather [hbm4b:s1+s17], $0x80, s19, s17, $0xb8;
	[tilespmem:$0x1D000] =	vst v63  }
0x26: {  	_ =	swait.ge [sflag:s21], $0x2000  }
0x27: {  	[sflag:s21] =	ssyncset.done $0x0  }
0x28: {  	s29 =	simm.s32 $0x2800;
	[sflag:s21] =	ssyncadd.s32 $0xFFFFE000  }
0x29: {  	[spmem:s3] =	stream.indirect.scatter.add.f32 [tilespmem:s18], [sflag:$0x4], $0x80, s29, s17, $0xb8;
	[tilespmem:$0x1D000] =	vst v63  }
0x2a: {  	_ =	swait.ge [sflag:s22], $0x2000  }
0x2b: {  	[sflag:s22] =	ssyncset.done $0x0  }
0x2c: {  	s29 =	simm.s32 $0x2880;
	[sflag:s22] =	ssyncadd.s32 $0xFFFFE000  }
0x2d: {  	[spmem:s3] =	stream.indirect.scatter.add.f32 [tilespmem:s20], [sflag:$0x5], $0x80, s29, s17, $0xb8;
	[tilespmem:$0x1D000] =	vst v63  }
0x2e: {  	_ =	swait.ge [sflag:s23], $0x2000  }
0x2f: {  	[sflag:s23] =	ssyncset.done $0x0  }
0x30: {  	s29 =	simm.s32 $0x100;
	[sflag:s23] =	ssyncadd.s32 $0xFFFFE000  }
0x31: {  	[tilespmem:s18], [sflag:$0x2] =	stream.indirect.gather [hbm4b:s1+s17], $0x80, s29, s17, $0xb8;
	[tilespmem:$0x1D000] =	vst v63  }
0x32: {  	_ =	swait.ge [sflag:s24], $0x2000  }
0x33: {  	[sflag:s24] =	ssyncset.done $0x0  }
0x34: {  	s30 =	simm.s32 $0x180;
	s29 =	simm.s32 $0x400;
	[sflag:s24] =	ssyncadd.s32 $0xFFFFE000  }
.LBB2_2:
0x35: {  	[tilespmem:s20], [sflag:$0x3] =	stream.indirect.gather [hbm4b:s1+s17], $0x80, s30, s17, $0xb8;
	[tilespmem:$0x1D000] =	vst v63  }
0x36: {  	s30 =	smov.u32 s29  }
0x37: {  	p0 =	sne.s32 s29, $0x9800;
	s29 =	sadd.s32 $0x400, s29;
	_ =	swait.ge [sflag:s21], $0x2000  }
0x38: {  	s30 =	sshra.s32 s30, $0x2;
	[sflag:s21] =	ssyncset.done $0x0  }
0x39: {  	s31 =	sadd.s32 $0x2800, s30;
	[sflag:s21] =	ssyncadd.s32 $0xFFFFE000  }
0x3a: {  	[spmem:s3] =	stream.indirect.scatter.add.f32 [tilespmem:s18], [sflag:$0x4], $0x80, s31, s17, $0xb8;
	[tilespmem:$0x1D000] =	vst v63  }
0x3b: {  	_ =	swait.ge [sflag:s22], $0x2000  }
0x3c: {  	[sflag:s22] =	ssyncset.done $0x0  }
0x3d: {  	s31 =	sadd.s32 $0x2880, s30;
	[sflag:s22] =	ssyncadd.s32 $0xFFFFE000  }
0x3e: {  	[spmem:s3] =	stream.indirect.scatter.add.f32 [tilespmem:s20], [sflag:$0x5], $0x80, s31, s17, $0xb8;
	[tilespmem:$0x1D000] =	vst v63  }
0x3f: {  	_ =	swait.ge [sflag:s23], $0x2000  }
0x40: {  	[sflag:s23] =	ssyncset.done $0x0  }
.Ltmp0:
0x41: {  	s31 =	sadd.s32 $0x100, s30;
	[sflag:s23] =	ssyncadd.s32 $0xFFFFE000;
	(pc) =	sbr.rel @p0 .LBB2_2-.Ltmp0, $4  }
0x42: {  	[tilespmem:s18], [sflag:$0x2] =	stream.indirect.gather [hbm4b:s1+s17], $0x80, s31, s17, $0xb8;
	[tilespmem:$0x1D000] =	vst v63  }
0x43: {  	_ =	swait.ge [sflag:s24], $0x2000  }
0x44: {  	[sflag:s24] =	ssyncset.done $0x0  }
0x45: {  	s30 =	sadd.s32 $0x180, s30;
	[sflag:s24] =	ssyncadd.s32 $0xFFFFE000  }
0x46: {  	[tilespmem:s20], [sflag:$0x3] =	stream.indirect.gather [hbm4b:s1+s17], $0x80, s30, s17, $0xb8;
	[tilespmem:$0x1D000] =	vst v63  }
0x47: {  	_ =	swait.ge [sflag:s21], $0x2000  }
0x48: {  	[sflag:s21] =	ssyncset.done $0x0  }
0x49: {  	[sflag:s21] =	ssyncadd.s32 $0xFFFFE000  }
0x4a: {  	[spmem:s3] =	stream.indirect.scatter.add.f32 [tilespmem:s18], [sflag:$0x4], $0x80, s25, s17, $0xb8;
	[tilespmem:$0x1D000] =	vst v63  }
0x4b: {  	_ =	swait.ge [sflag:s22], $0x2000  }
0x4c: {  	[sflag:s22] =	ssyncset.done $0x0  }
0x4d: {  	[sflag:s22] =	ssyncadd.s32 $0xFFFFE000  }
0x4e: {  	[spmem:s3] =	stream.indirect.scatter.add.f32 [tilespmem:s20], [sflag:$0x5], $0x80, s26, s17, $0xb8;
	[tilespmem:$0x1D000] =	vst v63  }
0x4f: {  	_ =	swait.ge [sflag:s23], $0x2000  }
0x50: {  	[sflag:s23] =	ssyncset.done $0x0  }
0x51: {  	[sflag:s23] =	ssyncadd.s32 $0xFFFFE000  }
0x52: {  	_ =	swait.ge [sflag:s24], $0x2000  }
0x53: {  	[sflag:s24] =	ssyncset.done $0x0  }
0x54: {  	s29 =	simm.s32 $0x0;
	[sflag:s24] =	ssyncadd.s32 $0xFFFFE000  }
0x55: {  	[tilespmem:s29], [sflag:$0x6] =	stream.linear.gather [hbm4b:s9+s29], $0x2800, $0x38;
	[tilespmem:$0x1D000] =	vst v63  }
0x56: {  	_ =	swait.ge [sflag:s15], $0x2800  }
0x57: {  	[sflag:s15] =	ssyncset.done $0x0  }
0x58: {  	[sflag:s15] =	ssyncadd.s32 $0xFFFFD800  }
0x59: {  	[tilespmem:s13], [sflag:$0x6] =	stream.linear.gather [hbm4b:s10+s29], $0x2800, $0x38;
	[tilespmem:$0x1D000] =	vst v63  }
0x5a: {  	_ =	swait.ge [sflag:s15], $0x2800  }
0x5b: {  	[sflag:s15] =	ssyncset.done $0x0  }
0x5c: {  	[sflag:s15] =	ssyncadd.s32 $0xFFFFD800  }
0x5d: {  	[tilespmem:s18], [sflag:$0x2] =	stream.indirect.gather [hbm4b:s1+s17], $0x80, s29, s17, $0xb8;
	[tilespmem:$0x1D000] =	vst v63  }
0x5e: {  	_ = 	snop  }
0x5f: {  	[tilespmem:s20], [sflag:$0x3] =	stream.indirect.gather [hbm4b:s1+s17], $0x80, s19, s17, $0xb8;
	[tilespmem:$0x1D000] =	vst v63  }
0x60: {  	_ =	swait.ge [sflag:s21], $0x2000  }
0x61: {  	[sflag:s21] =	ssyncset.done $0x0  }
0x62: {  	s29 =	simm.s32 $0x2800;
	[sflag:s21] =	ssyncadd.s32 $0xFFFFE000  }
0x63: {  	[spmem:s3] =	stream.indirect.scatter.add.f32 [tilespmem:s18], [sflag:$0x4], $0x80, s29, s17, $0xb8;
	[tilespmem:$0x1D000] =	vst v63  }
0x64: {  	_ =	swait.ge [sflag:s22], $0x2000  }
0x65: {  	[sflag:s22] =	ssyncset.done $0x0  }
0x66: {  	s29 =	simm.s32 $0x2880;
	[sflag:s22] =	ssyncadd.s32 $0xFFFFE000  }
0x67: {  	[spmem:s3] =	stream.indirect.scatter.add.f32 [tilespmem:s20], [sflag:$0x5], $0x80, s29, s17, $0xb8;
	[tilespmem:$0x1D000] =	vst v63  }
0x68: {  	_ =	swait.ge [sflag:s23], $0x2000  }
0x69: {  	[sflag:s23] =	ssyncset.done $0x0  }
0x6a: {  	s29 =	simm.s32 $0x100;
	[sflag:s23] =	ssyncadd.s32 $0xFFFFE000  }
0x6b: {  	[tilespmem:s18], [sflag:$0x2] =	stream.indirect.gather [hbm4b:s1+s17], $0x80, s29, s17, $0xb8;
	[tilespmem:$0x1D000] =	vst v63  }
0x6c: {  	_ =	swait.ge [sflag:s24], $0x2000  }
0x6d: {  	[sflag:s24] =	ssyncset.done $0x0  }
0x6e: {  	s30 =	simm.s32 $0x180;
	s29 =	simm.s32 $0x400;
	[sflag:s24] =	ssyncadd.s32 $0xFFFFE000  }
.LBB2_4:
0x6f: {  	[tilespmem:s20], [sflag:$0x3] =	stream.indirect.gather [hbm4b:s1+s17], $0x80, s30, s17, $0xb8;
	[tilespmem:$0x1D000] =	vst v63  }
0x70: {  	s30 =	smov.u32 s29  }
0x71: {  	p0 =	sne.s32 s29, $0x9800;
	s29 =	sadd.s32 $0x400, s29;
	_ =	swait.ge [sflag:s21], $0x2000  }
0x72: {  	s30 =	sshra.s32 s30, $0x2;
	[sflag:s21] =	ssyncset.done $0x0  }
0x73: {  	s31 =	sadd.s32 $0x2800, s30;
	[sflag:s21] =	ssyncadd.s32 $0xFFFFE000  }
0x74: {  	[spmem:s3] =	stream.indirect.scatter.add.f32 [tilespmem:s18], [sflag:$0x4], $0x80, s31, s17, $0xb8;
	[tilespmem:$0x1D000] =	vst v63  }
0x75: {  	_ =	swait.ge [sflag:s22], $0x2000  }
0x76: {  	[sflag:s22] =	ssyncset.done $0x0  }
0x77: {  	s31 =	sadd.s32 $0x2880, s30;
	[sflag:s22] =	ssyncadd.s32 $0xFFFFE000  }
0x78: {  	[spmem:s3] =	stream.indirect.scatter.add.f32 [tilespmem:s20], [sflag:$0x5], $0x80, s31, s17, $0xb8;
	[tilespmem:$0x1D000] =	vst v63  }
0x79: {  	_ =	swait.ge [sflag:s23], $0x2000  }
0x7a: {  	[sflag:s23] =	ssyncset.done $0x0  }
.Ltmp1:
0x7b: {  	s31 =	sadd.s32 $0x100, s30;
	[sflag:s23] =	ssyncadd.s32 $0xFFFFE000;
	(pc) =	sbr.rel @p0 .LBB2_4-.Ltmp1, $4  }
0x7c: {  	[tilespmem:s18], [sflag:$0x2] =	stream.indirect.gather [hbm4b:s1+s17], $0x80, s31, s17, $0xb8;
	[tilespmem:$0x1D000] =	vst v63  }
0x7d: {  	_ =	swait.ge [sflag:s24], $0x2000  }
0x7e: {  	[sflag:s24] =	ssyncset.done $0x0  }
0x7f: {  	s30 =	sadd.s32 $0x180, s30;
	[sflag:s24] =	ssyncadd.s32 $0xFFFFE000  }
0x80: {  	[tilespmem:s20], [sflag:$0x3] =	stream.indirect.gather [hbm4b:s1+s17], $0x80, s30, s17, $0xb8;
	[tilespmem:$0x1D000] =	vst v63  }
0x81: {  	_ =	swait.ge [sflag:s21], $0x2000  }
0x82: {  	[sflag:s21] =	ssyncset.done $0x0  }
0x83: {  	[sflag:s21] =	ssyncadd.s32 $0xFFFFE000  }
0x84: {  	[spmem:s3] =	stream.indirect.scatter.add.f32 [tilespmem:s18], [sflag:$0x4], $0x80, s25, s17, $0xb8;
	[tilespmem:$0x1D000] =	vst v63  }
0x85: {  	_ =	swait.ge [sflag:s22], $0x2000  }
0x86: {  	[sflag:s22] =	ssyncset.done $0x0  }
0x87: {  	[sflag:s22] =	ssyncadd.s32 $0xFFFFE000  }
0x88: {  	[spmem:s3] =	stream.indirect.scatter.add.f32 [tilespmem:s20], [sflag:$0x5], $0x80, s26, s17, $0xb8;
	[tilespmem:$0x1D000] =	vst v63  }
0x89: {  	_ =	swait.ge [sflag:s23], $0x2000  }
0x8a: {  	[sflag:s23] =	ssyncset.done $0x0  }
0x8b: {  	[sflag:s23] =	ssyncadd.s32 $0xFFFFE000  }
0x8c: {  	_ =	swait.ge [sflag:s24], $0x2000  }
0x8d: {  	s28 =	sadd.s32 $0x1, s28;
	[sflag:s24] =	ssyncset.done $0x0  }
0x8e: {  	p0 =	sne.s32 s28, s12;
	[sflag:s24] =	ssyncadd.s32 $0xFFFFE000  }
.Ltmp2:
0x8f: {  	[bflag:$0x0] =	sbarrier.arrive $0xFFFF;
	(pc) =	sbr.rel @p0 .LBB2_1-.Ltmp2, $4  }
0x90: {  	[hbm:s11], [sflag:s8] =	dma.local [spmem:s14], $0x2800  }
0x91: {  	_ =	swait.ge [sflag:s15], $0x2800  }
0x92: {  	[sflag:s15] =	ssyncset.done $0x0  }
0x93: {  	[sflag:s15] =	ssyncadd.s32 $0xFFFFD800  }
0x94: {  	_ =	sfence.sel $0x180000  }
0x95: {  	[bflag:$0x0] =	sbarrier.arrive $0xFFFF  }
0x96: {  	p0 =	sne.s32 s2, $0x0;
	_ =	strace $0x9000004D  }
0x97: {  	s0 =	sadd.s32 @!p0 $0x100000, s0;
	[bflag:$0x2] =	sbarrier.arrive $0xFFFF  }
0x98: {  	[sflag:s0] =	ssyncadd.tile.s32 @!p0 $0x1;
	_ =	shalt  }
.Lfunc_end2:
_tile_overlayer_lowered:
.L_overlay_start_2:
0x99: {  	(tag) =	ssettag $0x2  }
0x9a: {  	s0 =	rddreg [dreg:$0x0];
	s2 =	stileid.u32  }
0x9b: {  	s1 =	rddreg [dreg:$0x1];
	p0 =	sne.s32 s2, $0x0  }
0x9c: {  	s3 =	rddreg [dreg:$0x2];
	[bflag:$0x3] =	sbarrier.arrive $0xFFFF;
	s2 =	simm.s32 @!p0 $0x1C06  }
0x9d: {  	[timem:s3], [sflag:s2] =	dma.local @!p0 [hbm:s0], s1  }
0x9e: {  	s0 =	simm.s32 @!p0 $0x6  }
0x9f: {  	_ =	swait.ge @!p0 [sflag:s0], s1  }
0xa0: {  	s1 =	ssub.s32 @!p0 $0x0, s1;
	[sflag:s0] =	ssyncset.done @!p0 $0x0  }
0xa1: {  	[sflag:s0] =	ssyncadd.s32 @!p0 s1  }
0xa2: {  	[bflag:$0x3] =	sbarrier.arrive $0xFFFF  }
0xa3: {  	_ =	shalt  }

// kernel: kernel.8.cloned.1.call-start
scs
__scs_entry_jumppad:
0x0: {  	(pc) =	sbr.rel $0x88, $3  }
0x1: {  	(tag) =	ssettag $0x0;
	lr =	simm.s32 $0x1  }
0x2: {  	[smem:$0x3F97] =	sst lr;
	_ =	strace $0xD0000000  }
0x3: {  	_ = 	snop  }
0x4: {  	_ = 	snop  }
0x5: {  	_ = 	snop  }
0x6: {  	_ = 	snop  }
0x7: {  	_ = 	snop  }
__scs_overlays_trampoline_lowered:
0x8: {  	[smem:$0x3FA6] =	sst s0  }
0x9: {  	[smem:$0x3FA7] =	sst s1  }
0xa: {  	[smem:$0x3FA8] =	sst s2  }
0xb: {  	[smem:$0x3FA9] =	sst s3  }
0xc: {  	[smem:$0x3FAA] =	sst s4  }
0xd: {  	[smem:$0x3FAB] =	sst s5  }
0xe: {  	[smem:$0x3FAC] =	sst s6  }
0xf: {  	[smem:$0x3FAD] =	sst s7  }
0x10: {  	[smem:$0x3FAE] =	sst s8  }
0x11: {  	[smem:$0x3FAF] =	sst s9;
	s0 =	simm.s32 @!p0 $0x0  }
0x12: {  	s1 =	sld [smem:$0x3F95];
	s0 =	simm.s32 @p0 $0x1  }
0x13: {  	[smem:$0x3FB0] =	sst s0;
	s0 =	simm.s32 @!p1 $0x0  }
0x14: {  	s2 =	sld [smem:$0x3F94];
	s0 =	simm.s32 @p1 $0x1  }
0x15: {  	[smem:$0x3FB1] =	sst s0;
	s0 =	simm.s32 @!p2 $0x0  }
0x16: {  	s3 =	sld [smem:$0x3FDB];
	s0 =	simm.s32 @p2 $0x1  }
0x17: {  	s4 =	simm.s32 $0x1BF5;
	[smem:$0x3FB3] =	sst s0  }
0x18: {  	s0 =	sld [smem:$0x3F96];
	_ =	swait.ge [sflag:s4], $0x0  }
0x19: {  	s7 =	sld [smem:$0x3F97]  }
0x1a: {  	s8 =	sadd.s32 $0xFFFFE003, lr  }
0x1b: {  	s9 =	sadd.s32 $0xFFFFFEF7, lr;
	s5 =	simm.s32 $0xFFFFFFFF;
	p2 =	slt.u32 s8, $0xFFFFF086  }
0x1c: {  	p1 =	slt.u32 s9, $0xF7A;
	s5 =	simm.s32 @!p2 $0x0  }
0x1d: {  	s5 =	simm.s32 @p1 $0x1;
	p0 =	seq.s32 s7, s2  }
0x1e: {  	s7 =	smul.u32 @!p0 $0xF7A, s2;
	p2 =	seq.s32 @!p0 s5, $0x0  }
0x1f: {  	s9 =	smul.u32 $0xF7A, s1;
	s8 =	simm.s32 @!p0 $0x1BF5;
	p2 =	por !p2, p0  }
0x20: {  	[sflag:s8] =	ssyncset.s32 @!p0 $0xFFFFF086;
	s6 =	sadd.s32 @!p0 s3, s7;
	s7 =	simm.s32 @!p0 $0x108  }
0x21: {  	s3 =	sadd.s32 s3, s9;
	s6 =	sadd.s32 @!p0 $0x88, s6;
	s7 =	simm.s32 @p2 $0x1082  }
0x22: {  	[simem:s7], [sflag:s8] =	dma.local @!p0 [hbm:s6], $0xF7A  }
0x23: {  	s9 =	sor.u32 $0xD0000000, s2;
	s6 =	simm.s32 $0x108;
	_ =	swait.ge @!p0 [sflag:s8], $0x0  }
0x24: {  	s3 =	sadd.s32 $0x88, s3;
	s6 =	simm.s32 @!p1 $0x1082;
	[sflag:s4] =	ssyncset.s32 $0xFFFFF086  }
0x25: {  	[simem:s6], [sflag:s4] =	dma.local [hbm:s3], $0xF7A  }
0x26: {  	[smem:$0x3F97] =	sst s1;
	(tag) =	ssettag s2;
	_ =	strace s9  }
0x27: {  	s1 =	sld [smem:$0x3FA7]  }
0x28: {  	s2 =	sld [smem:$0x3FA8]  }
0x29: {  	s4 =	sld [smem:$0x3FAA]  }
0x2a: {  	p0 =	seq.s32 s5, $0x0;
	s5 =	sld [smem:$0x3FAB]  }
0x2b: {  	s6 =	sld [smem:$0x3FAC]  }
0x2c: {  	s7 =	sld [smem:$0x3FAD]  }
0x2d: {  	s3 =	simm.s32 $0x108;
	s8 =	sld [smem:$0x3FAE]  }
0x2e: {  	s3 =	simm.s32 @!p0 $0x1082;
	s9 =	sld [smem:$0x3FAF]  }
0x2f: {  	lr =	sadd.s32 s0, s3;
	s0 =	sld [smem:$0x3FA6]  }
0x30: {  	s3 =	sld [smem:$0x3FA9]  }
0x31: {  	[smem:$0x3FB2] =	sst s10  }
0x32: {  	s10 =	sld [smem:$0x3FB0];
	_ =	sdelay $0x3  }
0x33: {  	p0 =	seq.s32 s10, $0x1;
	s10 =	sld [smem:$0x3FB2];
	_ =	sdelay $0x3  }
0x34: {  	[smem:$0x3FB2] =	sst s10  }
0x35: {  	s10 =	sld [smem:$0x3FB1];
	_ =	sdelay $0x3  }
0x36: {  	p1 =	seq.s32 s10, $0x1;
	s10 =	sld [smem:$0x3FB2];
	_ =	sdelay $0x3  }
0x37: {  	[smem:$0x3FB2] =	sst s10  }
0x38: {  	s10 =	sld [smem:$0x3FB3]  }
0x39: {  	_ = 	snop;
	(pc) =	sbr.ind lr, $3  }
0x3a: {  	_ = 	snop  }
0x3b: {  	_ = 	snop  }
0x3c: {  	p2 =	seq.s32 s10, $0x1;
	s10 =	sld [smem:$0x3FB2]  }
0x3d: {  	_ =	shalt  }
0x3e: {  	_ =	shalt  }
0x3f: {  	_ =	shalt  }
0x40: {  	_ =	shalt  }
0x41: {  	_ =	shalt  }
0x42: {  	_ =	shalt  }
0x43: {  	_ =	shalt  }
0x44: {  	_ =	shalt  }
0x45: {  	_ =	shalt  }
0x46: {  	_ =	shalt  }
0x47: {  	_ =	shalt  }
0x48: {  	_ =	shalt  }
0x49: {  	_ =	shalt  }
0x4a: {  	_ =	shalt  }
0x4b: {  	_ =	shalt  }
0x4c: {  	_ =	shalt  }
0x4d: {  	_ =	shalt  }
0x4e: {  	_ =	shalt  }
0x4f: {  	_ =	shalt  }
0x50: {  	_ =	shalt  }
0x51: {  	_ =	shalt  }
0x52: {  	_ =	shalt  }
0x53: {  	_ =	shalt  }
0x54: {  	_ =	shalt  }
0x55: {  	_ =	shalt  }
0x56: {  	_ =	shalt  }
0x57: {  	_ =	shalt  }
0x58: {  	_ =	shalt  }
0x59: {  	_ =	shalt  }
0x5a: {  	_ =	shalt  }
0x5b: {  	_ =	shalt  }
0x5c: {  	_ =	shalt  }
0x5d: {  	_ =	shalt  }
0x5e: {  	_ =	shalt  }
0x5f: {  	_ =	shalt  }
0x60: {  	_ =	shalt  }
0x61: {  	_ =	shalt  }
0x62: {  	_ =	shalt  }
0x63: {  	_ =	shalt  }
0x64: {  	_ =	shalt  }
0x65: {  	_ =	shalt  }
0x66: {  	_ =	shalt  }
0x67: {  	_ =	shalt  }
0x68: {  	_ =	shalt  }
0x69: {  	_ =	shalt  }
0x6a: {  	_ =	shalt  }
0x6b: {  	_ =	shalt  }
0x6c: {  	_ =	shalt  }
0x6d: {  	_ =	shalt  }
0x6e: {  	_ =	shalt  }
0x6f: {  	_ =	shalt  }
0x70: {  	_ =	shalt  }
0x71: {  	_ =	shalt  }
0x72: {  	_ =	shalt  }
0x73: {  	_ =	shalt  }
0x74: {  	_ =	shalt  }
0x75: {  	_ =	shalt  }
0x76: {  	_ =	shalt  }
0x77: {  	_ =	shalt  }
0x78: {  	_ =	shalt  }
0x79: {  	_ =	shalt  }
0x7a: {  	_ =	shalt  }
0x7b: {  	_ =	shalt  }
0x7c: {  	_ =	shalt  }
0x7d: {  	_ =	shalt  }
0x7e: {  	_ =	shalt  }
0x7f: {  	_ =	shalt  }
0x80: {  	_ =	shalt  }
0x81: {  	_ =	shalt  }
0x82: {  	_ =	shalt  }
0x83: {  	_ =	shalt  }
0x84: {  	_ =	shalt  }
0x85: {  	_ =	shalt  }
0x86: {  	_ =	shalt  }
0x87: {  	_ =	shalt  }
.Lfunc_end0:
.L_simem_size_0:
called_computation_lowered:
.L_overlay_start_0:
0x88: {  	s2 =	sld [smem:$0x3FD9]  }
0x89: {  	s3 =	sld [smem:$0x3FFE];
	_ =	sdelay $0x1  }
0x8a: {  	s1 =	srdreg.scid  }
0x8b: {  	s0 =	sand.u32 $0x1, s1  }
0x8c: {  	s17 =	sshll.u32 s0, $0xA;
	s2 =	sadd.s32 s3, s2  }
0x8d: {  	s2 =	sadd.s32 s2, s17  }
0x8e: {  	[smem:$0x3FBE] =	sst s2  }
0x8f: {  	_ = 	snop  }
0x90: {  	s2 =	sld [smem:$0x3FD0];
	(tm) =	ssettm $0x1  }
0x91: {  	s18 =	sld [smem:$0x3FFB];
	_ =	sdelay $0x3  }
0x92: {  	_ =	strace s18  }
0x93: {  	s3 =	sld [smem:$0x3FFC];
	_ =	sdelay $0x3  }
0x94: {  	_ =	strace s3  }
0x95: {  	s3 =	sld [smem:$0x3FFD];
	_ =	sdelay $0x3  }
0x96: {  	_ =	strace s3  }
0x97: {  	_ =	strace $0x8FFFFFFF  }
0x98: {  	s19 =	sld [smem:$0x3FDB];
	_ =	sdelay $0x1  }
0x99: {  	s4 =	simm.s32 $_scs_section_size  }
0x9a: {  	s5 =	simm.s32 $_size__tile_overlayer_lowered;
	s6 =	simm.s32 $_tile_overlayer_lowered  }
0x9b: {  	s22 =	simm.s32 $0x1BFF;
	s21 =	sshll.u32 s6, $0x1;
	s3 =	sadd.s32 s4, s19  }
0x9c: {  	s7 =	simm.s32 $0x0;
	s20 =	sshll.u32 s5, $0x1;
	s5 =	sadd.s32 s21, s3  }
0x9d: {  	[timem:s7], [sflag:s22] =	dma.local [hbm:s5], s20  }
0x9e: {  	_ =	swait.ge [sflag:s22], s20  }
0x9f: {  	s4 =	ssub.s32 $0x0, s20;
	[sflag:s22] =	ssyncset.done $0x0  }
0xa0: {  	[sflag:s22] =	ssyncadd.s32 s4;
	_ =	sdelay $0x1  }
0xa1: {  	s23 =	simm.s32 $0x1B8B  }
0xa2: {  	_ =	swait.ge [sflag:s23], $0x1  }
0xa3: {  	[sflag:s23] =	ssyncset.done $0x0  }
0xa4: {  	s25 =	simm.s32 $0x1B8E;
	s24 =	sld [smem:$0x3FFE];
	[sflag:s23] =	ssyncadd.s32 $0xFFFFFFFF  }
0xa5: {  	s26 =	simm.s32 $execute0_lowered;
	[smem:$0x3FD2] =	sst s25  }
0xa6: {  	s5 =	sshll.u32 s26, $0x1;
	_ =	strace $0x80000046;
	[dreg:$0x1] =	wrdreg $0xFFFFFFFF  }
0xa7: {  	s28 =	simm.s32 $_size_execute0_lowered;
	s3 =	sadd.s32 s3, s5;
	[dreg:$0x0] =	wrdreg $0x0  }
0xa8: {  	s5 =	sshll.u32 s28, $0x1;
	[dreg:$0x2] =	wrdreg s3  }
0xa9: {  	[dreg:$0x3] =	wrdreg s5  }
0xaa: {  	[dreg:$0x4] =	wrdreg $0xC0  }
0xab: {  	_ =	task [dreg:s7], $0x5FFFF  }
0xac: {  	[dreg:$0x1] =	wrdreg $0xFFFFFFFF  }
0xad: {  	[dreg:$0x0] =	wrdreg $0x60  }
0xae: {  	[dreg:$0x2] =	wrdreg s24  }
0xaf: {  	[dreg:$0x3] =	wrdreg s2  }
0xb0: {  	[dreg:$0x4] =	wrdreg $0x48000  }
0xb1: {  	[dreg:$0x5] =	wrdreg $0x9  }
0xb2: {  	_ =	task.clear_ibuf [dreg:s7], $0x6FFFF;
	_ =	strace $0x90000046  }
0xb3: {  	s29 =	simm.s32 $0x9;
	_ =	strace $0x80000048  }
0xb4: {  	_ =	swait.ge [sflag:s29], $0x1  }
0xb5: {  	[sflag:s29] =	ssyncadd.s32 $0xFFFFFFFF  }
0xb6: {  	_ =	strace $0x90000048  }
0xb7: {  	_ =	sfence  }
0xb8: {  	s30 =	sld [smem:$0x0];
	_ =	sdelay $0x2  }
0xb9: {  	s31 =	sshll.u32 s1, $0xD;
	s1 =	sshrl.u32 s1, $0x2  }
0xba: {  	s3 =	sand.u32 $0x4000, s31;
	s1 =	sadd.s32 s1, s30  }
0xbb: {  	s0 =	sor.u32 s3, s0;
	s1 =	sshll.u32 s1, $0x11  }
0xbc: {  	s0 =	sor.u32 s1, s0  }
0xbd: {  	s0 =	sadd.s32 $0x8F2B, s0  }
0xbe: {  	[sflag:s0] =	ssyncadd.remote.s32 $0x1  }
0xbf: {  	_ =	sfence.sel $0xFFFF  }
0xc0: {  	[dreg:$0x0] =	wrdreg $0xFFFFFFFF;
	(pc) =	sbr.abs _section_cstart, $3  }
0xc1: {  	[dreg:$0x1] =	wrdreg $0xFFFFFFFF  }
0xc2: {  	_ =	task.clear_ibuf [dreg:s7], $0x2FFFF;
	_ =	strace $0x9FFFFFFF  }
0xc3: {  	(tm) =	ssettm $0x7FFFFFFF  }
tec
execute0_lowered:
.L_overlay_start_1:
0x0: {  	(tag) =	ssettag $0x1  }
0x1: {  	s6 =	rddreg [dreg:$0x0]  }
0x2: {  	s2 =	rddreg [dreg:$0x1]  }
0x3: {  	s0 =	srdreg.scid;
	s3 =	rddreg [dreg:$0x2];
	s4 =	simm.s32 $0x0  }
0x4: {  	s14 =	simm.s32 $0x1;
	s15 =	simm.s32 $0x40;
	s16 =	simm.s32 $0x80  }
0x5: {  	s17 =	simm.s32 $0x100;
	s5 =	sand.u32 $0x1, s0;
	s0 =	stileid.u32  }
0x6: {  	s18 =	simm.s32 $0x180;
	s19 =	simm.s32 $0x0;
	s8 =	smul.u32 $0x14000, s0  }
0x7: {  	[smem:$0x7FF] =	sst s4;
	s1 =	sshll.u32 s5, $0x4;
	s9 =	smul.u32 $0x140000, s5  }
0x8: {  	s5 =	ssub.s32 $0x2, s5;
	s11 =	smul.u32 $0x50000, s0;
	s1 =	sor.u32 s0, s1  }
0x9: {  	s31 =	sshll.u32 s0, $0x6;
	s29 =	sshrl.u32 s5, $0x1;
	s7 =	smul.u32 $0x5000, s1  }
0xa: {  	s1 =	rddreg [dreg:$0x3];
	_ =	strace $0x80000047;
	s28 =	sshrl.u32 s8, $0x3  }
0xb: {  	s8 =	sadd.s32 s8, s9;
	s13 =	ssub.s32 s5, s29;
	s30 =	sshrl.u32 s11, $0x2  }
0xc: {  	s8 =	sshrl.u32 s8, $0x3;
	s11 =	sadd.s32 s30, s3;
	s7 =	sshrl.u32 s7, $0x3  }
0xd: {  	s12 =	sadd.s32 s8, s6;
	s11 =	sshrl.u32 s11, $0x3;
	s10 =	sadd.s32 s7, s6  }
0xe: {  	s7 =	sadd.s32 s28, s6;
	s9 =	sadd.s32 $0x3E600, s12;
	s12 =	simm.s32 $0x2  }
0xf: {  	s5 =	sadd.s32 $0x2600, s10;
	s6 =	sadd.s32 $0x16600, s7;
	s7 =	sor.u32 $0x1C02, s31  }
0x10: {  	s8 =	sadd.s32 $0x2B00, s10;
	s10 =	smax.u32 s13, $0x1;
	s13 =	simm.s32 $0x2800  }
.LBB2_1:
0x11: {  	[tilespmem:s4], [sflag:$0x1] =	stream.linear.gather [hbm4b:s5+s4], $0x2800, $0x38;
	[tilespmem:$0x18800] =	vst v63  }
0x12: {  	[spmem:s11], [sflag:s7] =	dma.local [hbm:s6], $0x2800  }
0x13: {  	_ =	swait.ge [sflag:s12], $0x2800  }
0x14: {  	[sflag:s12] =	ssyncset.done $0x0  }
0x15: {  	[sflag:s12] =	ssyncadd.s32 $0xFFFFD800  }
0x16: {  	[tilespmem:s13], [sflag:$0x2] =	stream.linear.gather [hbm4b:s2+s4], $0x2000, $0x38;
	[tilespmem:$0x18800] =	vst v63  }
0x17: {  	_ =	swait.ge [sflag:s12], $0x2000  }
0x18: {  	[sflag:s12] =	ssyncset.done $0x0  }
0x19: {  	[sflag:s12] =	ssyncadd.s32 $0xFFFFE000  }
0x1a: {  	_ =	swait.ge [sflag:s14], $0x2800  }
0x1b: {  	[sflag:s14] =	ssyncset.done $0x0  }
0x1c: {  	[sflag:s14] =	ssyncadd.s32 $0xFFFFD800  }
0x1d: {  	[bflag:$0x0] =	sbarrier.arrive $0xFFFF  }
0x1e: {  	[spmem:s3] =	stream.indirect.scatter.add.f32 [tilespmem:s13], [sflag:$0x1], $0x80, s4, s15, $0xb8;
	[tilespmem:$0x18800] =	vst v63  }
0x1f: {  	_ = 	snop  }
0x20: {  	[spmem:s3] =	stream.indirect.scatter.add.f32 [tilespmem:s13], [sflag:$0x1], $0x80, s16, s15, $0xb8;
	[tilespmem:$0x18800] =	vst v63  }
0x21: {  	_ = 	snop  }
0x22: {  	[spmem:s3] =	stream.indirect.scatter.add.f32 [tilespmem:s13], [sflag:$0x1], $0x80, s17, s15, $0xb8;
	[tilespmem:$0x18800] =	vst v63  }
0x23: {  	_ = 	snop  }
0x24: {  	[spmem:s3] =	stream.indirect.scatter.add.f32 [tilespmem:s13], [sflag:$0x1], $0x80, s18, s15, $0xb8;
	[tilespmem:$0x18800] =	vst v63  }
0x25: {  	_ =	swait.ge [sflag:s14], $0x2000  }
0x26: {  	[sflag:s14] =	ssyncset.done $0x0  }
0x27: {  	s20 =	simm.s32 $0xA00;
	s21 =	simm.s32 $0x200;
	[sflag:s14] =	ssyncadd.s32 $0xFFFFE000  }
.LBB2_2:
0x28: {  	[spmem:s3] =	stream.indirect.scatter.add.f32 [tilespmem:s13], [sflag:$0x1], $0x80, s21, s15, $0xb8;
	[tilespmem:$0x18800] =	vst v63  }
0x29: {  	s21 =	smov.u32 s20;
	p0 =	sne.s32 s20, $0x9E00  }
.Ltmp0:
0x2a: {  	s20 =	sadd.s32 $0x200, s20;
	(pc) =	sbr.rel @p0 .LBB2_2-.Ltmp0, $4  }
0x2b: {  	_ = 	snop  }
0x2c: {  	_ =	swait.ge [sflag:s14], $0x2000  }
0x2d: {  	[sflag:s14] =	ssyncset.done $0x0  }
0x2e: {  	s21 =	sshra.s32 s21, $0x2;
	[sflag:s14] =	ssyncadd.s32 $0xFFFFE000  }
0x2f: {  	[spmem:s3] =	stream.indirect.scatter.add.f32 [tilespmem:s13], [sflag:$0x1], $0x80, s21, s15, $0xb8;
	[tilespmem:$0x18800] =	vst v63  }
0x30: {  	_ =	swait.ge [sflag:s14], $0x2000  }
0x31: {  	[sflag:s14] =	ssyncset.done $0x0  }
0x32: {  	[sflag:s14] =	ssyncadd.s32 $0xFFFFE000  }
0x33: {  	_ =	swait.ge [sflag:s14], $0x2000  }
0x34: {  	[sflag:s14] =	ssyncset.done $0x0  }
0x35: {  	[sflag:s14] =	ssyncadd.s32 $0xFFFFE000  }
0x36: {  	_ =	swait.ge [sflag:s14], $0x2000  }
0x37: {  	[sflag:s14] =	ssyncset.done $0x0  }
0x38: {  	[sflag:s14] =	ssyncadd.s32 $0xFFFFE000  }
0x39: {  	_ =	swait.ge [sflag:s14], $0x2000  }
0x3a: {  	[sflag:s14] =	ssyncset.done $0x0  }
0x3b: {  	[sflag:s14] =	ssyncadd.s32 $0xFFFFE000  }
0x3c: {  	[tilespmem:s4], [sflag:$0x2] =	stream.linear.gather [hbm4b:s8+s4], $0x2800, $0x38;
	[tilespmem:$0x18800] =	vst v63  }
0x3d: {  	_ =	swait.ge [sflag:s12], $0x2800  }
0x3e: {  	[sflag:s12] =	ssyncset.done $0x0  }
0x3f: {  	[sflag:s12] =	ssyncadd.s32 $0xFFFFD800  }
0x40: {  	[spmem:s3] =	stream.indirect.scatter.add.f32 [tilespmem:s13], [sflag:$0x1], $0x80, s4, s15, $0xb8;
	[tilespmem:$0x18800] =	vst v63  }
0x41: {  	_ = 	snop  }
0x42: {  	[spmem:s3] =	stream.indirect.scatter.add.f32 [tilespmem:s13], [sflag:$0x1], $0x80, s16, s15, $0xb8;
	[tilespmem:$0x18800] =	vst v63  }
0x43: {  	_ = 	snop  }
0x44: {  	[spmem:s3] =	stream.indirect.scatter.add.f32 [tilespmem:s13], [sflag:$0x1], $0x80, s17, s15, $0xb8;
	[tilespmem:$0x18800] =	vst v63  }
0x45: {  	_ = 	snop  }
0x46: {  	[spmem:s3] =	stream.indirect.scatter.add.f32 [tilespmem:s13], [sflag:$0x1], $0x80, s18, s15, $0xb8;
	[tilespmem:$0x18800] =	vst v63  }
0x47: {  	_ =	swait.ge [sflag:s14], $0x2000  }
0x48: {  	[sflag:s14] =	ssyncset.done $0x0  }
0x49: {  	s20 =	simm.s32 $0xA00;
	s21 =	simm.s32 $0x200;
	[sflag:s14] =	ssyncadd.s32 $0xFFFFE000  }
.LBB2_4:
0x4a: {  	[spmem:s3] =	stream.indirect.scatter.add.f32 [tilespmem:s13], [sflag:$0x1], $0x80, s21, s15, $0xb8;
	[tilespmem:$0x18800] =	vst v63  }
0x4b: {  	s21 =	smov.u32 s20;
	p0 =	sne.s32 s20, $0x9E00  }
.Ltmp1:
0x4c: {  	s20 =	sadd.s32 $0x200, s20;
	(pc) =	sbr.rel @p0 .LBB2_4-.Ltmp1, $4  }
0x4d: {  	_ = 	snop  }
0x4e: {  	_ =	swait.ge [sflag:s14], $0x2000  }
0x4f: {  	[sflag:s14] =	ssyncset.done $0x0  }
0x50: {  	s21 =	sshra.s32 s21, $0x2;
	[sflag:s14] =	ssyncadd.s32 $0xFFFFE000  }
0x51: {  	[spmem:s3] =	stream.indirect.scatter.add.f32 [tilespmem:s13], [sflag:$0x1], $0x80, s21, s15, $0xb8;
	[tilespmem:$0x18800] =	vst v63  }
0x52: {  	_ =	swait.ge [sflag:s14], $0x2000  }
0x53: {  	[sflag:s14] =	ssyncset.done $0x0  }
0x54: {  	[sflag:s14] =	ssyncadd.s32 $0xFFFFE000  }
0x55: {  	_ =	swait.ge [sflag:s14], $0x2000  }
0x56: {  	[sflag:s14] =	ssyncset.done $0x0  }
0x57: {  	[sflag:s14] =	ssyncadd.s32 $0xFFFFE000  }
0x58: {  	_ =	swait.ge [sflag:s14], $0x2000  }
0x59: {  	[sflag:s14] =	ssyncset.done $0x0  }
0x5a: {  	[sflag:s14] =	ssyncadd.s32 $0xFFFFE000  }
0x5b: {  	_ =	swait.ge [sflag:s14], $0x2000  }
0x5c: {  	s19 =	sadd.s32 $0x1, s19;
	[sflag:s14] =	ssyncset.done $0x0  }
0x5d: {  	p0 =	sne.s32 s19, s10;
	[sflag:s14] =	ssyncadd.s32 $0xFFFFE000  }
.Ltmp2:
0x5e: {  	[bflag:$0x0] =	sbarrier.arrive $0xFFFF;
	(pc) =	sbr.rel @p0 .LBB2_1-.Ltmp2, $4  }
0x5f: {  	[hbm:s9], [sflag:s7] =	dma.local [spmem:s11], $0x2800  }
0x60: {  	_ =	swait.ge [sflag:s12], $0x2800  }
0x61: {  	[sflag:s12] =	ssyncset.done $0x0  }
0x62: {  	[sflag:s12] =	ssyncadd.s32 $0xFFFFD800  }
0x63: {  	_ =	sfence.sel $0x180000  }
0x64: {  	[bflag:$0x0] =	sbarrier.arrive $0xFFFF  }
0x65: {  	p0 =	sne.s32 s0, $0x0;
	_ =	strace $0x90000047  }
0x66: {  	s0 =	sadd.s32 @!p0 $0x100000, s1;
	[bflag:$0x2] =	sbarrier.arrive $0xFFFF  }
0x67: {  	[sflag:s0] =	ssyncadd.tile.s32 @!p0 $0x1;
	_ =	shalt  }
.Lfunc_end2:
_tile_overlayer_lowered:
.L_overlay_start_2:
0x68: {  	(tag) =	ssettag $0x2  }
0x69: {  	s0 =	rddreg [dreg:$0x0];
	s2 =	stileid.u32  }
0x6a: {  	s1 =	rddreg [dreg:$0x1];
	p0 =	sne.s32 s2, $0x0  }
0x6b: {  	s3 =	rddreg [dreg:$0x2];
	[bflag:$0x3] =	sbarrier.arrive $0xFFFF;
	s2 =	simm.s32 @!p0 $0x1C02  }
0x6c: {  	[timem:s3], [sflag:s2] =	dma.local @!p0 [hbm:s0], s1  }
0x6d: {  	s0 =	simm.s32 @!p0 $0x2  }
0x6e: {  	_ =	swait.ge @!p0 [sflag:s0], s1  }
0x6f: {  	s1 =	ssub.s32 @!p0 $0x0, s1;
	[sflag:s0] =	ssyncset.done @!p0 $0x0  }
0x70: {  	[sflag:s0] =	ssyncadd.s32 @!p0 s1  }
0x71: {  	[bflag:$0x3] =	sbarrier.arrive $0xFFFF  }
0x72: {  	_ =	shalt  }

</sc_bundles>
